<compile_context>
chip_gen: v7x
topology: tpu7x:2x2x1
jax: 0.10.2.dev20260603
libtpu: 0.0.44.dev20260713+nightly
codegen_flags: <defaults>
</compile_context>

<pallas_src>
import functools

import jax
import jax.numpy as jnp
from jax import lax
from jax.experimental import pallas as pl
from jax.experimental.pallas import tpu as pltpu
from jax.experimental.pallas import tpu_sc as plsc

R0SQ = 0.2 * 0.2
R1SQ = 0.4 * 0.4
S0 = 32
S1 = 64
BN_EPS = 1e-5
NC = 2
NSUB = 16
NW = NC * NSUB
L = 16


def _pointfeat_body(x_ref, f_ref, w03_ref, wf0_ref, b0_ref, w13_ref, wf1_ref,
                    b1_ref, g0_ref, g1_ref):
    x = x_ref[...]
    f = f_ref[...]
    g0 = jnp.dot(x, w03_ref[...], preferred_element_type=jnp.float32)
    g0 = g0 + jnp.dot(f, wf0_ref[...], preferred_element_type=jnp.float32)
    g0_ref[:, :64] = g0 + b0_ref[...]
    g1 = jnp.dot(x, w13_ref[...], preferred_element_type=jnp.float32)
    g1 = g1 + jnp.dot(f, wf1_ref[...], preferred_element_type=jnp.float32)
    g1_ref[:, :96] = g1 + b1_ref[...]


def _head_body(mb, nx_ref, r0_ref, r1_ref, w03_ref, w13_ref,
               w20_ref, b20_ref, w21_ref, b21_ref, o_ref):
    nx = nx_ref[...]
    t0 = jnp.dot(nx, w03_ref[...], preferred_element_type=jnp.float32)
    r0 = r0_ref[:, :64].reshape(mb, S0, 64)
    a0 = jnp.maximum(r0 - t0[:, None, :], 0.0).reshape(mb * S0, 64)
    h0 = jnp.dot(a0, w20_ref[...], preferred_element_type=jnp.float32)
    h0 = jnp.maximum(h0 + b20_ref[...], 0.0).reshape(mb, S0, 128)
    y0 = jnp.max(h0, axis=1)

    t1 = jnp.dot(nx, w13_ref[...], preferred_element_type=jnp.float32)
    r1 = r1_ref[:, :96].reshape(mb, S1, 96)
    a1 = jnp.maximum(r1 - t1[:, None, :], 0.0).reshape(mb * S1, 96)
    h1 = jnp.dot(a1, w21_ref[...], preferred_element_type=jnp.float32)
    h1 = jnp.maximum(h1 + b21_ref[...], 0.0).reshape(mb, S1, 128)
    y1 = jnp.max(h1, axis=1)

    y = jnp.concatenate([y0, y1], axis=1)
    o_ref[...] = y.T[None]


def _round_bf16(x):
    u = plsc.bitcast(x, jnp.int32)
    r = (u + 0x7FFF + (lax.shift_right_logical(u, 16) & 1)) & (-65536)
    return plsc.bitcast(r, jnp.float32)


def _sc_centers_body(B, N, M, mpw, xyzt, cidx_hbm, nxyz_out, aux_out,
                     x_v, y_v, z_v, cidx_v, nxb, cxb_v, cyb_v, czb_v, cn_v):
    wpb = NW // B
    wid = lax.axis_index("s") * NC + lax.axis_index("c")
    b = wid // wpb
    mbase = (wid % wpb) * mpw

    pltpu.sync_copy(xyzt.at[pl.ds(b * 3 * N, N)], x_v)
    pltpu.sync_copy(xyzt.at[pl.ds(b * 3 * N + N, N)], y_v)
    pltpu.sync_copy(xyzt.at[pl.ds(b * 3 * N + 2 * N, N)], z_v)
    pltpu.sync_copy(cidx_hbm.at[pl.ds(b * M + mbase, mpw)], cidx_v)

    iota = lax.broadcasted_iota(jnp.int32, (L,), 0)
    for g in range(mpw // L):
        iv = cidx_v[pl.ds(g * L, L)]
        gx = plsc.load_gather(x_v, [iv])
        gy = plsc.load_gather(y_v, [iv])
        gz = plsc.load_gather(z_v, [iv])
        pos = iota + g * L
        plsc.store_scatter(nxb, [pos, jnp.zeros((L,), jnp.int32)], gx)
        plsc.store_scatter(nxb, [pos, jnp.ones((L,), jnp.int32)], gy)
        plsc.store_scatter(nxb, [pos, jnp.full((L,), 2, jnp.int32)], gz)
        sl = pl.ds(g * L, L)
        cxb_v[sl] = _round_bf16(gx)
        cyb_v[sl] = _round_bf16(gy)
        czb_v[sl] = _round_bf16(gz)
        cn_v[sl] = (gx * gx + gy * gy) + gz * gz
    pltpu.sync_copy(nxb, nxyz_out.at[pl.ds(b * M + mbase, mpw)])
    bm = B * M
    pltpu.sync_copy(cxb_v, aux_out.at[pl.ds(b * M + mbase, mpw)])
    pltpu.sync_copy(cyb_v, aux_out.at[pl.ds(bm + b * M + mbase, mpw)])
    pltpu.sync_copy(czb_v, aux_out.at[pl.ds(2 * bm + b * M + mbase, mpw)])
    pltpu.sync_copy(cn_v, aux_out.at[pl.ds(3 * bm + b * M + mbase, mpw)])


def _sc_select_body(B, N, M, mpw, xyzt, aux_hbm, g0, g1, rows0_out, rows1_out,
                    xb_v, yb_v, zb_v, pn_v, cxb_c, cyb_c, czb_c, cn_c,
                    ib0, ib1, idx0_v, idx1_v,
                    row0_a, row0_b, row1_a, row1_b,
                    gsem_a, gsem_b):
    wpb = NW // B
    wid = lax.axis_index("s") * NC + lax.axis_index("c")
    b = wid // wpb
    mbase = (wid % wpb) * mpw
    rbase = b * M + mbase
    bm = B * M

    pltpu.sync_copy(xyzt.at[pl.ds(b * 3 * N, N)], xb_v)
    pltpu.sync_copy(xyzt.at[pl.ds(b * 3 * N + N, N)], yb_v)
    pltpu.sync_copy(xyzt.at[pl.ds(b * 3 * N + 2 * N, N)], zb_v)
    pltpu.sync_copy(aux_hbm.at[pl.ds(rbase, mpw)], cxb_c)
    pltpu.sync_copy(aux_hbm.at[pl.ds(bm + rbase, mpw)], cyb_c)
    pltpu.sync_copy(aux_hbm.at[pl.ds(2 * bm + rbase, mpw)], czb_c)
    pltpu.sync_copy(aux_hbm.at[pl.ds(3 * bm + rbase, mpw)], cn_c)

    iota = lax.broadcasted_iota(jnp.int32, (L,), 0)
    nchunks = N // L
    nbase = b * N
    s0v = jnp.full((L,), S0, jnp.int32)
    s1v = jnp.full((L,), S1, jnp.int32)

    def prep(j, carry):
        sl = pl.ds(j * L, L)
        xs = xb_v[sl]
        ys = yb_v[sl]
        zs = zb_v[sl]
        pn_v[sl] = (xs * xs + ys * ys) + zs * zs
        xb_v[sl] = _round_bf16(xs)
        yb_v[sl] = _round_bf16(ys)
        zb_v[sl] = _round_bf16(zs)
        return carry

    lax.fori_loop(0, nchunks, prep, 0)

    def scan_center(i, cx, cy, cz, cn):
        def cond(c):
            j, w0, w1 = c
            return (j < nchunks // 4) & jnp.any((w0 < s0v) | (w1 < s1v))

        def one_chunk(jj, w0, w1):
            sl = pl.ds(jj * L, L)
            mm = (cx * xb_v[sl] + cy * yb_v[sl]) + cz * zb_v[sl]
            d2 = (cn + pn_v[sl]) - 2.0 * mm
            nv = iota + (jj * L)
            m0 = d2 < R0SQ
            m1 = d2 < R1SQ
            c0 = plsc.cumsum(m0.astype(jnp.int32))
            c1 = plsc.cumsum(m1.astype(jnp.int32))
            plsc.store_scatter(ib0, [jnp.minimum(w0 + c0 - 1, S0 + 31)],
                               nv, mask=m0)
            plsc.store_scatter(ib1, [jnp.minimum(w1 + c1 - 1, S1 + 31)],
                               nv, mask=m1)
            p0 = plsc.all_reduce_population_count(m0)
            p1 = plsc.all_reduce_population_count(m1)
            return w0 + p0, w1 + p1

        def bodyw(c):
            j, w0, w1 = c
            w0, w1 = one_chunk(4 * j, w0, w1)
            w0, w1 = one_chunk(4 * j + 1, w0, w1)
            w0, w1 = one_chunk(4 * j + 2, w0, w1)
            w0, w1 = one_chunk(4 * j + 3, w0, w1)
            return j + 1, w0, w1

        zero = jnp.zeros((L,), jnp.int32)
        _, w0f, w1f = lax.while_loop(cond, bodyw, (0, zero, zero))

        cnt0 = jnp.minimum(w0f, s0v)
        f0c = ib0[pl.ds(0, L)]
        first0 = jnp.sum(jnp.where(iota == 0, f0c, 0))
        for k in range(S0 // L):
            v = ib0[pl.ds(k * L, L)]
            posk = iota + k * L
            v = jnp.where(posk < cnt0, v, first0) + nbase
            idx0_v[pl.ds(i * S0 + k * L, L)] = v

        cnt1 = jnp.minimum(w1f, s1v)
        f1c = ib1[pl.ds(0, L)]
        first1 = jnp.sum(jnp.where(iota == 0, f1c, 0))
        for k in range(S1 // L):
            v = ib1[pl.ds(k * L, L)]
            posk = iota + k * L
            v = jnp.where(posk < cnt1, v, first1) + nbase
            idx1_v[pl.ds(i * S1 + k * L, L)] = v

    def center_body(i, carry):
        g = i // L
        lane = i % L
        sel = iota == lane
        gs = pl.ds(g * L, L)
        cx = jnp.sum(jnp.where(sel, cxb_c[gs], 0.0))
        cy = jnp.sum(jnp.where(sel, cyb_c[gs], 0.0))
        cz = jnp.sum(jnp.where(sel, czb_c[gs], 0.0))
        cn = jnp.sum(jnp.where(sel, cn_c[gs], 0.0))
        scan_center(i, cx, cy, cz, cn)
        return carry

    lax.fori_loop(0, mpw, center_body, 0)

    ch = 128

    def gat(idx_v, gtab, out, rowbase, rbuf_a, rbuf_b, nch):
        def gpair(k, carry):
            c0 = 2 * k
            c1 = 2 * k + 1
            ha = pltpu.async_copy(gtab.at[idx_v.at[pl.ds(c0 * ch, ch)]],
                                  rbuf_a, gsem_a)
            hb = pltpu.async_copy(gtab.at[idx_v.at[pl.ds(c1 * ch, ch)]],
                                  rbuf_b, gsem_b)
            ha.wait()
            pltpu.sync_copy(rbuf_a, out.at[pl.ds(rowbase + c0 * ch, ch)])
            hb.wait()
            pltpu.sync_copy(rbuf_b, out.at[pl.ds(rowbase + c1 * ch, ch)])
            return carry

        lax.fori_loop(0, nch // 2, gpair, 0)

    gat(idx0_v, g0, rows0_out, rbase * S0, row0_a, row0_b, mpw * S0 // ch)
    gat(idx1_v, g1, rows1_out, rbase * S1, row1_a, row1_b, mpw * S1 // ch)


def _fold_bn(layer):
    s = layer['gamma'] * lax.rsqrt(layer['var'] + BN_EPS)
    return layer['W'] * s[:, None], (layer['b'] - layer['mean']) * s + layer['beta']


def kernel(points_xyz, features, indices, params):
    B, N, _ = points_xyz.shape
    M = indices.shape[1]
    C = features.shape[1]

    w10, b10 = _fold_bn(params[0][0])
    w20, b20 = _fold_bn(params[0][1])
    w11, b11 = _fold_bn(params[1][0])
    w21, b21 = _fold_bn(params[1][1])
    w03 = jnp.transpose(w10[:, :3])
    wf0 = jnp.transpose(w10[:, 3:])
    w13 = jnp.transpose(w11[:, :3])
    wf1 = jnp.transpose(w11[:, 3:])
    w2t0 = jnp.transpose(w20)
    w2t1 = jnp.transpose(w21)

    xyzr = points_xyz.reshape(B * N, 3)
    featr = jnp.transpose(features, (0, 2, 1)).reshape(B * N, C)
    xyzt = jnp.transpose(points_xyz, (0, 2, 1)).reshape(B * 3 * N)

    mpw = (B * M) // NW
    mesh = plsc.VectorSubcoreMesh(core_axis_name="c", subcore_axis_name="s")

    sc_centers = pl.kernel(
        functools.partial(_sc_centers_body, B, N, M, mpw),
        out_type=(
            jax.ShapeDtypeStruct((B * M, 3), jnp.float32),
            jax.ShapeDtypeStruct((4 * B * M,), jnp.float32),
        ),
        mesh=mesh,
        compiler_params=pltpu.CompilerParams(needs_layout_passes=False),
        scratch_types=[
            pltpu.VMEM((N,), jnp.float32),
            pltpu.VMEM((N,), jnp.float32),
            pltpu.VMEM((N,), jnp.float32),
            pltpu.VMEM((mpw,), jnp.int32),
            pltpu.VMEM((mpw, 3), jnp.float32),
            pltpu.VMEM((mpw,), jnp.float32),
            pltpu.VMEM((mpw,), jnp.float32),
            pltpu.VMEM((mpw,), jnp.float32),
            pltpu.VMEM((mpw,), jnp.float32),
        ],
    )
    new_xyz_flat, aux = sc_centers(xyzt, indices.reshape(B * M))

    nb = 2048
    g0, g1 = pl.pallas_call(
        _pointfeat_body,
        grid=(B * N // nb,),
        in_specs=[
            pl.BlockSpec((nb, 3), lambda i: (i, 0)),
            pl.BlockSpec((nb, C), lambda i: (i, 0)),
            pl.BlockSpec((3, 64), lambda i: (0, 0)),
            pl.BlockSpec((C, 64), lambda i: (0, 0)),
            pl.BlockSpec((1, 64), lambda i: (0, 0)),
            pl.BlockSpec((3, 96), lambda i: (0, 0)),
            pl.BlockSpec((C, 96), lambda i: (0, 0)),
            pl.BlockSpec((1, 96), lambda i: (0, 0)),
        ],
        out_specs=[
            pl.BlockSpec((nb, 128), lambda i: (i, 0)),
            pl.BlockSpec((nb, 128), lambda i: (i, 0)),
        ],
        out_shape=[
            jax.ShapeDtypeStruct((B * N, 128), jnp.float32),
            jax.ShapeDtypeStruct((B * N, 128), jnp.float32),
        ],
    )(xyzr, featr, w03, wf0, b10.reshape(1, 64), w13, wf1, b11.reshape(1, 96))

    sc_select = pl.kernel(
        functools.partial(_sc_select_body, B, N, M, mpw),
        out_type=(
            jax.ShapeDtypeStruct((B * M * S0, 128), jnp.float32),
            jax.ShapeDtypeStruct((B * M * S1, 128), jnp.float32),
        ),
        mesh=mesh,
        compiler_params=pltpu.CompilerParams(needs_layout_passes=False),
        scratch_types=[
            pltpu.VMEM((N,), jnp.float32),
            pltpu.VMEM((N,), jnp.float32),
            pltpu.VMEM((N,), jnp.float32),
            pltpu.VMEM((N,), jnp.float32),
            pltpu.VMEM((mpw,), jnp.float32),
            pltpu.VMEM((mpw,), jnp.float32),
            pltpu.VMEM((mpw,), jnp.float32),
            pltpu.VMEM((mpw,), jnp.float32),
            pltpu.VMEM((S0 + 32,), jnp.int32),
            pltpu.VMEM((S1 + 32,), jnp.int32),
            pltpu.VMEM((mpw * S0,), jnp.int32),
            pltpu.VMEM((mpw * S1,), jnp.int32),
            pltpu.VMEM((128, 128), jnp.float32),
            pltpu.VMEM((128, 128), jnp.float32),
            pltpu.VMEM((128, 128), jnp.float32),
            pltpu.VMEM((128, 128), jnp.float32),
            pltpu.SemaphoreType.DMA,
            pltpu.SemaphoreType.DMA,
        ],
    )
    rows0, rows1 = sc_select(xyzt, aux, g0, g1)

    mb = 128
    m_blocks = (B * M) // mb
    out = pl.pallas_call(
        functools.partial(_head_body, mb),
        grid=(m_blocks,),
        in_specs=[
            pl.BlockSpec((mb, 3), lambda i: (i, 0)),
            pl.BlockSpec((mb * S0, 128), lambda i: (i, 0)),
            pl.BlockSpec((mb * S1, 128), lambda i: (i, 0)),
            pl.BlockSpec((3, 64), lambda i: (0, 0)),
            pl.BlockSpec((3, 96), lambda i: (0, 0)),
            pl.BlockSpec((64, 128), lambda i: (0, 0)),
            pl.BlockSpec((1, 128), lambda i: (0, 0)),
            pl.BlockSpec((96, 128), lambda i: (0, 0)),
            pl.BlockSpec((1, 128), lambda i: (0, 0)),
        ],
        out_specs=pl.BlockSpec(
            (1, 256, mb),
            lambda i, _mblk=M // mb: (i // _mblk, 0, i % _mblk)),
        out_shape=jax.ShapeDtypeStruct((B, 256, M), jnp.float32),
    )(new_xyz_flat, rows0, rows1, w03, w13,
      w2t0, b20.reshape(1, 128), w2t1, b21.reshape(1, 128))

    return (new_xyz_flat.reshape(B, M, 3), out, indices)

# --- scband reference (transcript-rebuilt; emitter-appended) ---
"""Pipeline reference for scband-point-samodule-msg-79336635892308 (READ-ONLY COPY).

The authoritative reference and input builder live on the scoring server;
editing this copy changes nothing except your own understanding.
"""

import jax, jax.numpy as jnp
import numpy as np

RADII = [0.2, 0.4]
SAMPLE_NUMS = [32, 64]
# mlp_channels after use_xyz adds +3 to the first entry: 64 -> 67
MLP_CHANNELS = [[67, 64, 128], [67, 96, 128]]
NORMALIZE_XYZ = False
POOL_MOD = 'max'
EPS = 1e-5


def _make_mlp_params(key, channels):
    layers = []
    for i in range(len(channels) - 1):
        cin, cout = channels[i], channels[i + 1]
        key, k = jax.random.split(key)
        W = jax.random.normal(k, (cout, cin), dtype=jnp.float32) / np.sqrt(cin)
        layers.append({
            'W': W,
            'b': jnp.zeros((cout,), jnp.float32),
            'gamma': jnp.ones((cout,), jnp.float32),
            'beta': jnp.zeros((cout,), jnp.float32),
            'mean': jnp.zeros((cout,), jnp.float32),
            'var': jnp.ones((cout,), jnp.float32),
        })
    return key, layers


def setup_inputs(seed: int = 0):
    key = jax.random.key(seed)
    k1, k2, k3, k4 = jax.random.split(key, 4)
    points_xyz = jax.random.uniform(k1, (4, 8192, 3), dtype=jnp.float32)
    features = jax.random.normal(k2, (4, 64, 8192), dtype=jnp.float32)
    indices = jax.random.randint(k3, (4, 1024), 0, 8192, dtype=jnp.int32)
    params = []
    kk = k4
    for ch in MLP_CHANNELS:
        kk, layers = _make_mlp_params(kk, ch)
        params.append(layers)
    return {'points_xyz': points_xyz, 'features': features, 'indices': indices, 'params': params}


def _ball_query(radius, sample_num, xyz, new_xyz):
    # xyz: (B,N,3), new_xyz: (B,M,3) -> idx (B,M,S)
    N = xyz.shape[1]
    d2 = (jnp.sum(new_xyz ** 2, -1)[:, :, None]
          + jnp.sum(xyz ** 2, -1)[:, None, :]
          - 2.0 * jnp.einsum('bmd,bnd->bmn', new_xyz, xyz))
    mask = d2 < radius * radius
    pos = jnp.arange(N, dtype=jnp.int32)
    # points inside the ball get their original index as score; outside get index+N,
    # so top_k(-score) yields in-ball points first, in original order (CUDA ball_query semantics)
    score = jnp.where(mask, pos, pos + N)
    _, order = jax.lax.top_k(-score, sample_num)
    valid = jnp.take_along_axis(mask, order, axis=-1)
    first = order[..., :1]
    return jnp.where(valid, order, jnp.broadcast_to(first, order.shape))


def _group(radius, xyz, new_xyz, features, idx):
    B = xyz.shape[0]
    b = jnp.arange(B)[:, None, None]
    grouped_xyz = xyz[b, idx] - new_xyz[:, :, None, :]  # (B,M,S,3)
    if NORMALIZE_XYZ:
        grouped_xyz = grouped_xyz / radius
    gx = jnp.transpose(grouped_xyz, (0, 3, 1, 2))  # (B,3,M,S)
    ft = jnp.transpose(features, (0, 2, 1))  # (B,N,C)
    gf = jnp.transpose(ft[b, idx], (0, 3, 1, 2))  # (B,C,M,S)
    return jnp.concatenate([gx, gf], axis=1)  # (B,3+C,M,S)


def _mlp(x, layers):
    for p in layers:
        x = jnp.einsum('oc,bcms->boms', p['W'], x) + p['b'][None, :, None, None]
        x = (x - p['mean'][None, :, None, None]) * jax.lax.rsqrt(p['var'][None, :, None, None] + EPS)
        x = x * p['gamma'][None, :, None, None] + p['beta'][None, :, None, None]
        x = jax.nn.relu(x)
    return x


def reference(points_xyz, features, indices, params):
    B = points_xyz.shape[0]
    b2 = jnp.arange(B)[:, None]
    new_xyz = points_xyz[b2, indices]  # gather_points: (B,M,3)
    outs = []
    for i in range(len(RADII)):
        idx = _ball_query(RADII[i], SAMPLE_NUMS[i], points_xyz, new_xyz)
        nf = _group(RADII[i], points_xyz, new_xyz, features, idx)
        nf = _mlp(nf, params[i])
        if POOL_MOD == 'max':
            nf = jnp.max(nf, axis=3)
        else:
            nf = jnp.mean(nf, axis=3)
        outs.append(nf)
    return (new_xyz, jnp.concatenate(outs, axis=1), indices)

if __name__ == "__main__":
    import jax
    _d = setup_inputs()
    print(jax.jit(kernel)(*tuple(_d.values())))

</pallas_src>

<mosaic_0001>
#map = affine_map<(d0, d1) -> (0)>
#map1 = affine_map<(d0, d1) -> (0, 0)>
module attributes {stable_mosaic.version = 14 : i64} {
  func.func @_sc_select_body(%arg0: i32, %arg1: i32, %arg2: memref<98304xf32, #tpu.memory_space<hbm>>, %arg3: memref<16384xf32, #tpu.memory_space<hbm>>, %arg4: memref<32768x128xf32, #tpu.memory_space<hbm>>, %arg5: memref<32768x128xf32, #tpu.memory_space<hbm>>, %arg6: memref<131072x128xf32, #tpu.memory_space<hbm>>, %arg7: memref<262144x128xf32, #tpu.memory_space<hbm>>, %arg8: memref<8192xf32, #tpu.memory_space<vmem>>, %arg9: memref<8192xf32, #tpu.memory_space<vmem>>, %arg10: memref<8192xf32, #tpu.memory_space<vmem>>, %arg11: memref<8192xf32, #tpu.memory_space<vmem>>, %arg12: memref<128xf32, #tpu.memory_space<vmem>>, %arg13: memref<128xf32, #tpu.memory_space<vmem>>, %arg14: memref<128xf32, #tpu.memory_space<vmem>>, %arg15: memref<128xf32, #tpu.memory_space<vmem>>, %arg16: memref<64xi32, #tpu.memory_space<vmem>>, %arg17: memref<96xi32, #tpu.memory_space<vmem>>, %arg18: memref<4096xi32, #tpu.memory_space<vmem>>, %arg19: memref<8192xi32, #tpu.memory_space<vmem>>, %arg20: memref<128x128xf32, #tpu.memory_space<vmem>>, %arg21: memref<128x128xf32, #tpu.memory_space<vmem>>, %arg22: memref<128x128xf32, #tpu.memory_space<vmem>>, %arg23: memref<128x128xf32, #tpu.memory_space<vmem>>, %arg24: memref<!tpu.dma_semaphore, #tpu.memory_space<semaphore_mem>>, %arg25: memref<!tpu.dma_semaphore, #tpu.memory_space<semaphore_mem>>) attributes {dimension_semantics = [#tpu.dimension_semantics<core_parallel>, #tpu.dimension_semantics<subcore_parallel>], iteration_bounds = array<i64: 2, 16>, scalar_prefetch = 0 : i64, scratch_operands = 18 : i64, tpu.core_type = #tpu.core_type<sc_vector_subcore>, window_params = [{transform_indices = #map}, {transform_indices = #map}, {transform_indices = #map1}, {transform_indices = #map1}, {transform_indices = #map1}, {transform_indices = #map1}]} {
    %mul3A = arith.constant 2 : i32
    %mul3A_0 = arith.muli %arg1, %mul3A : i32
    %add3A = arith.addi %mul3A_0, %arg0 : i32
    %jit3A = arith.constant 8 : i32
    %div3A = arith.divsi %add3A, %jit3A : i32
    %sign3A = arith.constant 0 : i32
    %sign3A_1 = arith.cmpi sgt, %add3A, %sign3A : i32
    %sign3A_2 = arith.extui %sign3A_1 : i1 to i32
    %sign3A_3 = arith.constant 0 : i32
    %sign3A_4 = arith.cmpi slt, %add3A, %sign3A_3 : i32
    %sign3A_5 = arith.extui %sign3A_4 : i1 to i32
    %sign3A_6 = arith.subi %sign3A_2, %sign3A_5 : i32
    %sign3A_7 = arith.constant 0 : i32
    %sign3A_8 = arith.cmpi sgt, %jit3A, %sign3A_7 : i32
    %sign3A_9 = arith.extui %sign3A_8 : i1 to i32
    %sign3A_10 = arith.constant 0 : i32
    %sign3A_11 = arith.cmpi slt, %jit3A, %sign3A_10 : i32
    %sign3A_12 = arith.extui %sign3A_11 : i1 to i32
    %sign3A_13 = arith.subi %sign3A_9, %sign3A_12 : i32
    %ne3A = arith.cmpi ne, %sign3A_6, %sign3A_13 : i32
    %rem3A = arith.remsi %add3A, %jit3A : i32
    %ne3A_14 = arith.constant 0 : i32
    %ne3A_15 = arith.cmpi ne, %rem3A, %ne3A_14 : i32
    %and3A = arith.andi %ne3A, %ne3A_15 : i1
    %sub3A = arith.constant 1 : i32
    %sub3A_16 = arith.subi %div3A, %sub3A : i32
    %select_n3A = arith.select %and3A, %sub3A_16, %div3A : i32
    %jit3A_17 = arith.constant 8 : i32
    %eq3A = arith.constant 0 : i32
    %eq3A_18 = arith.cmpi eq, %jit3A_17, %eq3A : i32
    %jit3A_19 = arith.constant 1 : i32
    %select_n3A_20 = arith.select %eq3A_18, %jit3A_19, %jit3A_17 : i32
    %rem3A_21 = arith.remsi %add3A, %select_n3A_20 : i32
    %ne3A_22 = arith.constant 0 : i32
    %ne3A_23 = arith.cmpi ne, %rem3A_21, %ne3A_22 : i32
    %lt3A = arith.constant 0 : i32
    %lt3A_24 = arith.cmpi slt, %rem3A_21, %lt3A : i32
    %lt3A_25 = arith.constant 0 : i32
    %lt3A_26 = arith.cmpi slt, %select_n3A_20, %lt3A_25 : i32
    %ne3A_27 = arith.xori %lt3A_24, %lt3A_26 : i1
    %and3A_28 = arith.andi %ne3A_27, %ne3A_23 : i1
    %add3A_29 = arith.addi %rem3A_21, %select_n3A_20 : i32
    %select_n3A_30 = arith.select %and3A_28, %add3A_29, %rem3A_21 : i32
    %mul3A_31 = arith.constant 128 : i32
    %mul3A_32 = arith.muli %select_n3A_30, %mul3A_31 : i32
    %mul3A_33 = arith.constant 1024 : i32
    %mul3A_34 = arith.muli %select_n3A, %mul3A_33 : i32
    %add3A_35 = arith.addi %mul3A_34, %mul3A_32 : i32
    %mul3A_36 = arith.constant 3 : i32
    %mul3A_37 = arith.muli %select_n3A, %mul3A_36 : i32
    %mul3A_38 = arith.constant 8192 : i32
    %mul3A_39 = arith.muli %mul3A_37, %mul3A_38 : i32
    "tpu.region"() ({
      %run_scoped3A = tpu.sem_alloc : memref<!tpu.dma_semaphore, #tpu.memory_space<semaphore_mem>>
      %dma_start3A = tpu.memref_slice %arg2[%mul3A_39] : memref<98304xf32, #tpu.memory_space<hbm>> -> memref<8192xf32, #tpu.memory_space<hbm>>
      %dma_start3A_90 = tpu.memref_slice %arg2[%mul3A_39] : memref<98304xf32, #tpu.memory_space<hbm>> -> memref<8192xf32, #tpu.memory_space<hbm>>
      tpu.enqueue_dma source(%dma_start3A_90 : memref<8192xf32, #tpu.memory_space<hbm>>) target(%arg8 : memref<8192xf32, #tpu.memory_space<vmem>>) target_semaphore(%run_scoped3A : memref<!tpu.dma_semaphore, #tpu.memory_space<semaphore_mem>>)
      %dma_wait3A = tpu.memref_slice %arg2[%mul3A_39] : memref<98304xf32, #tpu.memory_space<hbm>> -> memref<8192xf32, #tpu.memory_space<hbm>>
      %dma_wait3A_91 = tpu.memref_slice %arg2[%mul3A_39] : memref<98304xf32, #tpu.memory_space<hbm>> -> memref<8192xf32, #tpu.memory_space<hbm>>
      tpu.wait_dma2 semaphore(%run_scoped3A : memref<!tpu.dma_semaphore, #tpu.memory_space<semaphore_mem>>) src(%dma_wait3A_91 : memref<8192xf32, #tpu.memory_space<hbm>>) dst(%arg8 : memref<8192xf32, #tpu.memory_space<vmem>>)
      tpu.yield
    }) : () -> ()
    %mul3A_40 = arith.constant 3 : i32
    %mul3A_41 = arith.muli %select_n3A, %mul3A_40 : i32
    %mul3A_42 = arith.constant 8192 : i32
    %mul3A_43 = arith.muli %mul3A_41, %mul3A_42 : i32
    %add3A_44 = arith.constant 8192 : i32
    %add3A_45 = arith.addi %mul3A_43, %add3A_44 : i32
    "tpu.region"() ({
      %run_scoped3A = tpu.sem_alloc : memref<!tpu.dma_semaphore, #tpu.memory_space<semaphore_mem>>
      %dma_start3A = tpu.memref_slice %arg2[%add3A_45] : memref<98304xf32, #tpu.memory_space<hbm>> -> memref<8192xf32, #tpu.memory_space<hbm>>
      %dma_start3A_90 = tpu.memref_slice %arg2[%add3A_45] : memref<98304xf32, #tpu.memory_space<hbm>> -> memref<8192xf32, #tpu.memory_space<hbm>>
      tpu.enqueue_dma source(%dma_start3A_90 : memref<8192xf32, #tpu.memory_space<hbm>>) target(%arg9 : memref<8192xf32, #tpu.memory_space<vmem>>) target_semaphore(%run_scoped3A : memref<!tpu.dma_semaphore, #tpu.memory_space<semaphore_mem>>)
      %dma_wait3A = tpu.memref_slice %arg2[%add3A_45] : memref<98304xf32, #tpu.memory_space<hbm>> -> memref<8192xf32, #tpu.memory_space<hbm>>
      %dma_wait3A_91 = tpu.memref_slice %arg2[%add3A_45] : memref<98304xf32, #tpu.memory_space<hbm>> -> memref<8192xf32, #tpu.memory_space<hbm>>
      tpu.wait_dma2 semaphore(%run_scoped3A : memref<!tpu.dma_semaphore, #tpu.memory_space<semaphore_mem>>) src(%dma_wait3A_91 : memref<8192xf32, #tpu.memory_space<hbm>>) dst(%arg9 : memref<8192xf32, #tpu.memory_space<vmem>>)
      tpu.yield
    }) : () -> ()
    %mul3A_46 = arith.constant 3 : i32
    %mul3A_47 = arith.muli %select_n3A, %mul3A_46 : i32
    %mul3A_48 = arith.constant 8192 : i32
    %mul3A_49 = arith.muli %mul3A_47, %mul3A_48 : i32
    %add3A_50 = arith.constant 16384 : i32
    %add3A_51 = arith.addi %mul3A_49, %add3A_50 : i32
    "tpu.region"() ({
      %run_scoped3A = tpu.sem_alloc : memref<!tpu.dma_semaphore, #tpu.memory_space<semaphore_mem>>
      %dma_start3A = tpu.memref_slice %arg2[%add3A_51] : memref<98304xf32, #tpu.memory_space<hbm>> -> memref<8192xf32, #tpu.memory_space<hbm>>
      %dma_start3A_90 = tpu.memref_slice %arg2[%add3A_51] : memref<98304xf32, #tpu.memory_space<hbm>> -> memref<8192xf32, #tpu.memory_space<hbm>>
      tpu.enqueue_dma source(%dma_start3A_90 : memref<8192xf32, #tpu.memory_space<hbm>>) target(%arg10 : memref<8192xf32, #tpu.memory_space<vmem>>) target_semaphore(%run_scoped3A : memref<!tpu.dma_semaphore, #tpu.memory_space<semaphore_mem>>)
      %dma_wait3A = tpu.memref_slice %arg2[%add3A_51] : memref<98304xf32, #tpu.memory_space<hbm>> -> memref<8192xf32, #tpu.memory_space<hbm>>
      %dma_wait3A_91 = tpu.memref_slice %arg2[%add3A_51] : memref<98304xf32, #tpu.memory_space<hbm>> -> memref<8192xf32, #tpu.memory_space<hbm>>
      tpu.wait_dma2 semaphore(%run_scoped3A : memref<!tpu.dma_semaphore, #tpu.memory_space<semaphore_mem>>) src(%dma_wait3A_91 : memref<8192xf32, #tpu.memory_space<hbm>>) dst(%arg10 : memref<8192xf32, #tpu.memory_space<vmem>>)
      tpu.yield
    }) : () -> ()
    "tpu.region"() ({
      %run_scoped3A = tpu.sem_alloc : memref<!tpu.dma_semaphore, #tpu.memory_space<semaphore_mem>>
      %dma_start3A = tpu.memref_slice %arg3[%add3A_35] : memref<16384xf32, #tpu.memory_space<hbm>> -> memref<128xf32, #tpu.memory_space<hbm>>
      %dma_start3A_90 = tpu.memref_slice %arg3[%add3A_35] : memref<16384xf32, #tpu.memory_space<hbm>> -> memref<128xf32, #tpu.memory_space<hbm>>
      tpu.enqueue_dma source(%dma_start3A_90 : memref<128xf32, #tpu.memory_space<hbm>>) target(%arg12 : memref<128xf32, #tpu.memory_space<vmem>>) target_semaphore(%run_scoped3A : memref<!tpu.dma_semaphore, #tpu.memory_space<semaphore_mem>>)
      %dma_wait3A = tpu.memref_slice %arg3[%add3A_35] : memref<16384xf32, #tpu.memory_space<hbm>> -> memref<128xf32, #tpu.memory_space<hbm>>
      %dma_wait3A_91 = tpu.memref_slice %arg3[%add3A_35] : memref<16384xf32, #tpu.memory_space<hbm>> -> memref<128xf32, #tpu.memory_space<hbm>>
      tpu.wait_dma2 semaphore(%run_scoped3A : memref<!tpu.dma_semaphore, #tpu.memory_space<semaphore_mem>>) src(%dma_wait3A_91 : memref<128xf32, #tpu.memory_space<hbm>>) dst(%arg12 : memref<128xf32, #tpu.memory_space<vmem>>)
      tpu.yield
    }) : () -> ()
    %add3A_52 = arith.constant 4096 : i32
    %add3A_53 = arith.addi %add3A_52, %add3A_35 : i32
    "tpu.region"() ({
      %run_scoped3A = tpu.sem_alloc : memref<!tpu.dma_semaphore, #tpu.memory_space<semaphore_mem>>
      %dma_start3A = tpu.memref_slice %arg3[%add3A_53] : memref<16384xf32, #tpu.memory_space<hbm>> -> memref<128xf32, #tpu.memory_space<hbm>>
      %dma_start3A_90 = tpu.memref_slice %arg3[%add3A_53] : memref<16384xf32, #tpu.memory_space<hbm>> -> memref<128xf32, #tpu.memory_space<hbm>>
      tpu.enqueue_dma source(%dma_start3A_90 : memref<128xf32, #tpu.memory_space<hbm>>) target(%arg13 : memref<128xf32, #tpu.memory_space<vmem>>) target_semaphore(%run_scoped3A : memref<!tpu.dma_semaphore, #tpu.memory_space<semaphore_mem>>)
      %dma_wait3A = tpu.memref_slice %arg3[%add3A_53] : memref<16384xf32, #tpu.memory_space<hbm>> -> memref<128xf32, #tpu.memory_space<hbm>>
      %dma_wait3A_91 = tpu.memref_slice %arg3[%add3A_53] : memref<16384xf32, #tpu.memory_space<hbm>> -> memref<128xf32, #tpu.memory_space<hbm>>
      tpu.wait_dma2 semaphore(%run_scoped3A : memref<!tpu.dma_semaphore, #tpu.memory_space<semaphore_mem>>) src(%dma_wait3A_91 : memref<128xf32, #tpu.memory_space<hbm>>) dst(%arg13 : memref<128xf32, #tpu.memory_space<vmem>>)
      tpu.yield
    }) : () -> ()
    %add3A_54 = arith.constant 8192 : i32
    %add3A_55 = arith.addi %add3A_54, %add3A_35 : i32
    "tpu.region"() ({
      %run_scoped3A = tpu.sem_alloc : memref<!tpu.dma_semaphore, #tpu.memory_space<semaphore_mem>>
      %dma_start3A = tpu.memref_slice %arg3[%add3A_55] : memref<16384xf32, #tpu.memory_space<hbm>> -> memref<128xf32, #tpu.memory_space<hbm>>
      %dma_start3A_90 = tpu.memref_slice %arg3[%add3A_55] : memref<16384xf32, #tpu.memory_space<hbm>> -> memref<128xf32, #tpu.memory_space<hbm>>
      tpu.enqueue_dma source(%dma_start3A_90 : memref<128xf32, #tpu.memory_space<hbm>>) target(%arg14 : memref<128xf32, #tpu.memory_space<vmem>>) target_semaphore(%run_scoped3A : memref<!tpu.dma_semaphore, #tpu.memory_space<semaphore_mem>>)
      %dma_wait3A = tpu.memref_slice %arg3[%add3A_55] : memref<16384xf32, #tpu.memory_space<hbm>> -> memref<128xf32, #tpu.memory_space<hbm>>
      %dma_wait3A_91 = tpu.memref_slice %arg3[%add3A_55] : memref<16384xf32, #tpu.memory_space<hbm>> -> memref<128xf32, #tpu.memory_space<hbm>>
      tpu.wait_dma2 semaphore(%run_scoped3A : memref<!tpu.dma_semaphore, #tpu.memory_space<semaphore_mem>>) src(%dma_wait3A_91 : memref<128xf32, #tpu.memory_space<hbm>>) dst(%arg14 : memref<128xf32, #tpu.memory_space<vmem>>)
      tpu.yield
    }) : () -> ()
    %add3A_56 = arith.constant 12288 : i32
    %add3A_57 = arith.addi %add3A_56, %add3A_35 : i32
    "tpu.region"() ({
      %run_scoped3A = tpu.sem_alloc : memref<!tpu.dma_semaphore, #tpu.memory_space<semaphore_mem>>
      %dma_start3A = tpu.memref_slice %arg3[%add3A_57] : memref<16384xf32, #tpu.memory_space<hbm>> -> memref<128xf32, #tpu.memory_space<hbm>>
      %dma_start3A_90 = tpu.memref_slice %arg3[%add3A_57] : memref<16384xf32, #tpu.memory_space<hbm>> -> memref<128xf32, #tpu.memory_space<hbm>>
      tpu.enqueue_dma source(%dma_start3A_90 : memref<128xf32, #tpu.memory_space<hbm>>) target(%arg15 : memref<128xf32, #tpu.memory_space<vmem>>) target_semaphore(%run_scoped3A : memref<!tpu.dma_semaphore, #tpu.memory_space<semaphore_mem>>)
      %dma_wait3A = tpu.memref_slice %arg3[%add3A_57] : memref<16384xf32, #tpu.memory_space<hbm>> -> memref<128xf32, #tpu.memory_space<hbm>>
      %dma_wait3A_91 = tpu.memref_slice %arg3[%add3A_57] : memref<16384xf32, #tpu.memory_space<hbm>> -> memref<128xf32, #tpu.memory_space<hbm>>
      tpu.wait_dma2 semaphore(%run_scoped3A : memref<!tpu.dma_semaphore, #tpu.memory_space<semaphore_mem>>) src(%dma_wait3A_91 : memref<128xf32, #tpu.memory_space<hbm>>) dst(%arg15 : memref<128xf32, #tpu.memory_space<vmem>>)
      tpu.yield
    }) : () -> ()
    %iota3A = tpu.iota {dimensions = array<i32: 0>} : vector<16xi32>
    %mul3A_58 = arith.constant 8192 : i32
    %mul3A_59 = arith.muli %select_n3A, %mul3A_58 : i32
    %broadcast_in_dim3A = arith.constant 32 : i32
    %broadcast_in_dim3A_60 = vector.broadcast %broadcast_in_dim3A : i32 to vector<16xi32>
    %broadcast_in_dim3A_61 = arith.constant 64 : i32
    %broadcast_in_dim3A_62 = vector.broadcast %broadcast_in_dim3A_61 : i32 to vector<16xi32>
    %scan3A = arith.constant 0 : i32
    %scan3A_63 = arith.constant 0 : i32
    %scan3A_64 = arith.constant 512 : i32
    %scan3A_65 = arith.addi %scan3A_63, %scan3A_64 : i32
    %scan3A_66 = arith.constant 1 : i32
    scf.for %scan3A_90 = %scan3A_63 to %scan3A_65 step %scan3A_66  : i32 {
      %mul3A_91 = arith.constant 16 : i32
      %mul3A_92 = arith.muli %scan3A_90, %mul3A_91 : i32
      %get3A = arith.index_cast %mul3A_92 : i32 to index
      %get3A_93 = tpu.vector_load %arg8[%get3A] {strides = array<i32>} : memref<8192xf32, #tpu.memory_space<vmem>>, vector<16xf32>,
      %get3A_94 = arith.index_cast %mul3A_92 : i32 to index
      %get3A_95 = tpu.vector_load %arg9[%get3A_94] {strides = array<i32>} : memref<8192xf32, #tpu.memory_space<vmem>>, vector<16xf32>,
      %get3A_96 = arith.index_cast %mul3A_92 : i32 to index
      %get3A_97 = tpu.vector_load %arg10[%get3A_96] {strides = array<i32>} : memref<8192xf32, #tpu.memory_space<vmem>>, vector<16xf32>,
      %mul3A_98 = arith.mulf %get3A_93, %get3A_93 : vector<16xf32>
      %mul3A_99 = arith.mulf %get3A_95, %get3A_95 : vector<16xf32>
      %add3A_100 = arith.addf %mul3A_98, %mul3A_99 : vector<16xf32>
      %mul3A_101 = arith.mulf %get3A_97, %get3A_97 : vector<16xf32>
      %add3A_102 = arith.addf %add3A_100, %mul3A_101 : vector<16xf32>
      %swap3A = arith.index_cast %mul3A_92 : i32 to index
      %swap3A_103 = tpu.vector_load %arg11[%swap3A] {strides = array<i32>} : memref<8192xf32, #tpu.memory_space<vmem>>, vector<16xf32>,
      tpu.vector_store %arg11[%swap3A], %add3A_102 {strides = array<i32>} : memref<8192xf32, #tpu.memory_space<vmem>>, vector<16xf32>,
      %bitcast3A = vector.bitcast %get3A_93 : vector<16xf32> to vector<16xi32>
      %add3A_104 = arith.constant 32767 : i32
      %add3A_105 = vector.broadcast %add3A_104 : i32 to vector<16xi32>
      %add3A_106 = arith.addi %bitcast3A, %add3A_105 : vector<16xi32>
      %shift_right_logical3A = arith.constant 16 : i32
      %shift_right_logical3A_107 = vector.broadcast %shift_right_logical3A : i32 to vector<16xi32>
      %shift_right_logical3A_108 = arith.shrui %bitcast3A, %shift_right_logical3A_107 : vector<16xi32>
      %and3A_109 = arith.constant 1 : i32
      %and3A_110 = vector.broadcast %and3A_109 : i32 to vector<16xi32>
      %and3A_111 = arith.andi %shift_right_logical3A_108, %and3A_110 : vector<16xi32>
      %add3A_112 = arith.addi %add3A_106, %and3A_111 : vector<16xi32>
      %and3A_113 = arith.constant -65536 : i32
      %and3A_114 = vector.broadcast %and3A_113 : i32 to vector<16xi32>
      %and3A_115 = arith.andi %add3A_112, %and3A_114 : vector<16xi32>
      %bitcast3A_116 = vector.bitcast %and3A_115 : vector<16xi32> to vector<16xf32>
      %swap3A_117 = arith.index_cast %mul3A_92 : i32 to index
      %swap3A_118 = tpu.vector_load %arg8[%swap3A_117] {strides = array<i32>} : memref<8192xf32, #tpu.memory_space<vmem>>, vector<16xf32>,
      tpu.vector_store %arg8[%swap3A_117], %bitcast3A_116 {strides = array<i32>} : memref<8192xf32, #tpu.memory_space<vmem>>, vector<16xf32>,
      %bitcast3A_119 = vector.bitcast %get3A_95 : vector<16xf32> to vector<16xi32>
      %add3A_120 = arith.constant 32767 : i32
      %add3A_121 = vector.broadcast %add3A_120 : i32 to vector<16xi32>
      %add3A_122 = arith.addi %bitcast3A_119, %add3A_121 : vector<16xi32>
      %shift_right_logical3A_123 = arith.constant 16 : i32
      %shift_right_logical3A_124 = vector.broadcast %shift_right_logical3A_123 : i32 to vector<16xi32>
      %shift_right_logical3A_125 = arith.shrui %bitcast3A_119, %shift_right_logical3A_124 : vector<16xi32>
      %and3A_126 = arith.constant 1 : i32
      %and3A_127 = vector.broadcast %and3A_126 : i32 to vector<16xi32>
      %and3A_128 = arith.andi %shift_right_logical3A_125, %and3A_127 : vector<16xi32>
      %add3A_129 = arith.addi %add3A_122, %and3A_128 : vector<16xi32>
      %and3A_130 = arith.constant -65536 : i32
      %and3A_131 = vector.broadcast %and3A_130 : i32 to vector<16xi32>
      %and3A_132 = arith.andi %add3A_129, %and3A_131 : vector<16xi32>
      %bitcast3A_133 = vector.bitcast %and3A_132 : vector<16xi32> to vector<16xf32>
      %swap3A_134 = arith.index_cast %mul3A_92 : i32 to index
      %swap3A_135 = tpu.vector_load %arg9[%swap3A_134] {strides = array<i32>} : memref<8192xf32, #tpu.memory_space<vmem>>, vector<16xf32>,
      tpu.vector_store %arg9[%swap3A_134], %bitcast3A_133 {strides = array<i32>} : memref<8192xf32, #tpu.memory_space<vmem>>, vector<16xf32>,
      %bitcast3A_136 = vector.bitcast %get3A_97 : vector<16xf32> to vector<16xi32>
      %add3A_137 = arith.constant 32767 : i32
      %add3A_138 = vector.broadcast %add3A_137 : i32 to vector<16xi32>
      %add3A_139 = arith.addi %bitcast3A_136, %add3A_138 : vector<16xi32>
      %shift_right_logical3A_140 = arith.constant 16 : i32
      %shift_right_logical3A_141 = vector.broadcast %shift_right_logical3A_140 : i32 to vector<16xi32>
      %shift_right_logical3A_142 = arith.shrui %bitcast3A_136, %shift_right_logical3A_141 : vector<16xi32>
      %and3A_143 = arith.constant 1 : i32
      %and3A_144 = vector.broadcast %and3A_143 : i32 to vector<16xi32>
      %and3A_145 = arith.andi %shift_right_logical3A_142, %and3A_144 : vector<16xi32>
      %add3A_146 = arith.addi %add3A_139, %and3A_145 : vector<16xi32>
      %and3A_147 = arith.constant -65536 : i32
      %and3A_148 = vector.broadcast %and3A_147 : i32 to vector<16xi32>
      %and3A_149 = arith.andi %add3A_146, %and3A_148 : vector<16xi32>
      %bitcast3A_150 = vector.bitcast %and3A_149 : vector<16xi32> to vector<16xf32>
      %swap3A_151 = arith.index_cast %mul3A_92 : i32 to index
      %swap3A_152 = tpu.vector_load %arg10[%swap3A_151] {strides = array<i32>} : memref<8192xf32, #tpu.memory_space<vmem>>, vector<16xf32>,
      tpu.vector_store %arg10[%swap3A_151], %bitcast3A_150 {strides = array<i32>} : memref<8192xf32, #tpu.memory_space<vmem>>, vector<16xf32>,
    }
    %scan3A_67 = arith.constant 512 : i32
    %scan3A_68 = arith.constant 0 : i32
    %scan3A_69 = arith.constant 0 : i32
    %scan3A_70 = arith.constant 128 : i32
    %scan3A_71 = arith.addi %scan3A_69, %scan3A_70 : i32
    %scan3A_72 = arith.constant 1 : i32
    scf.for %scan3A_90 = %scan3A_69 to %scan3A_71 step %scan3A_72  : i32 {
      %jit3A_91 = arith.constant 16 : i32
      %div3A_92 = arith.divsi %scan3A_90, %jit3A_91 : i32
      %sign3A_93 = arith.constant 0 : i32
      %sign3A_94 = arith.cmpi sgt, %scan3A_90, %sign3A_93 : i32
      %sign3A_95 = arith.extui %sign3A_94 : i1 to i32
      %sign3A_96 = arith.constant 0 : i32
      %sign3A_97 = arith.cmpi slt, %scan3A_90, %sign3A_96 : i32
      %sign3A_98 = arith.extui %sign3A_97 : i1 to i32
      %sign3A_99 = arith.subi %sign3A_95, %sign3A_98 : i32
      %sign3A_100 = arith.constant 0 : i32
      %sign3A_101 = arith.cmpi sgt, %jit3A_91, %sign3A_100 : i32
      %sign3A_102 = arith.extui %sign3A_101 : i1 to i32
      %sign3A_103 = arith.constant 0 : i32
      %sign3A_104 = arith.cmpi slt, %jit3A_91, %sign3A_103 : i32
      %sign3A_105 = arith.extui %sign3A_104 : i1 to i32
      %sign3A_106 = arith.subi %sign3A_102, %sign3A_105 : i32
      %ne3A_107 = arith.cmpi ne, %sign3A_99, %sign3A_106 : i32
      %rem3A_108 = arith.remsi %scan3A_90, %jit3A_91 : i32
      %ne3A_109 = arith.constant 0 : i32
      %ne3A_110 = arith.cmpi ne, %rem3A_108, %ne3A_109 : i32
      %and3A_111 = arith.andi %ne3A_107, %ne3A_110 : i1
      %sub3A_112 = arith.constant 1 : i32
      %sub3A_113 = arith.subi %div3A_92, %sub3A_112 : i32
      %select_n3A_114 = arith.select %and3A_111, %sub3A_113, %div3A_92 : i32
      %jit3A_115 = arith.constant 16 : i32
      %eq3A_116 = arith.constant 0 : i32
      %eq3A_117 = arith.cmpi eq, %jit3A_115, %eq3A_116 : i32
      %jit3A_118 = arith.constant 1 : i32
      %select_n3A_119 = arith.select %eq3A_117, %jit3A_118, %jit3A_115 : i32
      %rem3A_120 = arith.remsi %scan3A_90, %select_n3A_119 : i32
      %ne3A_121 = arith.constant 0 : i32
      %ne3A_122 = arith.cmpi ne, %rem3A_120, %ne3A_121 : i32
      %lt3A_123 = arith.constant 0 : i32
      %lt3A_124 = arith.cmpi slt, %rem3A_120, %lt3A_123 : i32
      %lt3A_125 = arith.constant 0 : i32
      %lt3A_126 = arith.cmpi slt, %select_n3A_119, %lt3A_125 : i32
      %ne3A_127 = arith.xori %lt3A_124, %lt3A_126 : i1
      %and3A_128 = arith.andi %ne3A_127, %ne3A_122 : i1
      %add3A_129 = arith.addi %rem3A_120, %select_n3A_119 : i32
      %select_n3A_130 = arith.select %and3A_128, %add3A_129, %rem3A_120 : i32
      %eq3A_131 = vector.broadcast %select_n3A_130 : i32 to vector<16xi32>
      %eq3A_132 = arith.cmpi eq, %iota3A, %eq3A_131 : vector<16xi32>
      %mul3A_133 = arith.constant 16 : i32
      %mul3A_134 = arith.muli %select_n3A_114, %mul3A_133 : i32
      %get3A = arith.index_cast %mul3A_134 : i32 to index
      %get3A_135 = tpu.vector_load %arg12[%get3A] {strides = array<i32>} : memref<128xf32, #tpu.memory_space<vmem>>, vector<16xf32>,
      %jit3A_136 = arith.constant 0.000000e+00 : f32
      %broadcast_in_dim3A_137 = vector.broadcast %jit3A_136 : f32 to vector<16xf32>
      %select_n3A_138 = arith.select %eq3A_132, %get3A_135, %broadcast_in_dim3A_137 : vector<16xi1>, vector<16xf32>
      %reduce_sum3A = arith.constant true
      %reduce_sum3A_139 = vector.broadcast %reduce_sum3A : i1 to vector<16xi1>
      %reduce_sum3A_140 = tpu.scan <sum>, %select_n3A_138 masked %reduce_sum3A_139 : vector<16xf32>, vector<16xi1> -> vector<16xf32>
      %reduce_sum3A_141 = vector.extract %reduce_sum3A_140[15] : f32 from vector<16xf32>
      %get3A_142 = arith.index_cast %mul3A_134 : i32 to index
      %get3A_143 = tpu.vector_load %arg13[%get3A_142] {strides = array<i32>} : memref<128xf32, #tpu.memory_space<vmem>>, vector<16xf32>,
      %jit3A_144 = arith.constant 0.000000e+00 : f32
      %broadcast_in_dim3A_145 = vector.broadcast %jit3A_144 : f32 to vector<16xf32>
      %select_n3A_146 = arith.select %eq3A_132, %get3A_143, %broadcast_in_dim3A_145 : vector<16xi1>, vector<16xf32>
      %reduce_sum3A_147 = arith.constant true
      %reduce_sum3A_148 = vector.broadcast %reduce_sum3A_147 : i1 to vector<16xi1>
      %reduce_sum3A_149 = tpu.scan <sum>, %select_n3A_146 masked %reduce_sum3A_148 : vector<16xf32>, vector<16xi1> -> vector<16xf32>
      %reduce_sum3A_150 = vector.extract %reduce_sum3A_149[15] : f32 from vector<16xf32>
      %get3A_151 = arith.index_cast %mul3A_134 : i32 to index
      %get3A_152 = tpu.vector_load %arg14[%get3A_151] {strides = array<i32>} : memref<128xf32, #tpu.memory_space<vmem>>, vector<16xf32>,
      %jit3A_153 = arith.constant 0.000000e+00 : f32
      %broadcast_in_dim3A_154 = vector.broadcast %jit3A_153 : f32 to vector<16xf32>
      %select_n3A_155 = arith.select %eq3A_132, %get3A_152, %broadcast_in_dim3A_154 : vector<16xi1>, vector<16xf32>
      %reduce_sum3A_156 = arith.constant true
      %reduce_sum3A_157 = vector.broadcast %reduce_sum3A_156 : i1 to vector<16xi1>
      %reduce_sum3A_158 = tpu.scan <sum>, %select_n3A_155 masked %reduce_sum3A_157 : vector<16xf32>, vector<16xi1> -> vector<16xf32>
      %reduce_sum3A_159 = vector.extract %reduce_sum3A_158[15] : f32 from vector<16xf32>
      %get3A_160 = arith.index_cast %mul3A_134 : i32 to index
      %get3A_161 = tpu.vector_load %arg15[%get3A_160] {strides = array<i32>} : memref<128xf32, #tpu.memory_space<vmem>>, vector<16xf32>,
      %jit3A_162 = arith.constant 0.000000e+00 : f32
      %broadcast_in_dim3A_163 = vector.broadcast %jit3A_162 : f32 to vector<16xf32>
      %select_n3A_164 = arith.select %eq3A_132, %get3A_161, %broadcast_in_dim3A_163 : vector<16xi1>, vector<16xf32>
      %reduce_sum3A_165 = arith.constant true
      %reduce_sum3A_166 = vector.broadcast %reduce_sum3A_165 : i1 to vector<16xi1>
      %reduce_sum3A_167 = tpu.scan <sum>, %select_n3A_164 masked %reduce_sum3A_166 : vector<16xf32>, vector<16xi1> -> vector<16xf32>
      %reduce_sum3A_168 = vector.extract %reduce_sum3A_167[15] : f32 from vector<16xf32>
      %broadcast_in_dim3A_169 = arith.constant 0 : i32
      %broadcast_in_dim3A_170 = vector.broadcast %broadcast_in_dim3A_169 : i32 to vector<16xi32>
      %while3A = arith.constant 0 : i32
      %while3A_171:3 = scf.while (%while3A_292 = %while3A, %while3A_293 = %broadcast_in_dim3A_170, %while3A_294 = %broadcast_in_dim3A_170) : (i32, vector<16xi32>, vector<16xi32>) -> (i32, vector<16xi32>, vector<16xi32>) {
        %lt3A_295 = arith.constant 128 : i32
        %lt3A_296 = arith.cmpi slt, %while3A_292, %lt3A_295 : i32
        %lt3A_297 = arith.cmpi slt, %while3A_293, %broadcast_in_dim3A_60 : vector<16xi32>
        %lt3A_298 = arith.cmpi slt, %while3A_294, %broadcast_in_dim3A_62 : vector<16xi32>
        %or3A = arith.ori %lt3A_297, %lt3A_298 : vector<16xi1>
        %reduce_or3A = arith.constant 1.000000e+00 : f32
        %reduce_or3A_299 = arith.constant 0.000000e+00 : f32
        %reduce_or3A_300 = vector.broadcast %reduce_or3A : f32 to vector<16xf32>
        %reduce_or3A_301 = vector.broadcast %reduce_or3A_299 : f32 to vector<16xf32>
        %reduce_or3A_302 = arith.select %or3A, %reduce_or3A_300, %reduce_or3A_301 : vector<16xi1>, vector<16xf32>
        %reduce_or3A_303 = arith.constant true
        %reduce_or3A_304 = vector.broadcast %reduce_or3A_303 : i1 to vector<16xi1>
        %reduce_or3A_305 = tpu.scan <max>, %reduce_or3A_302 masked %reduce_or3A_304 : vector<16xf32>, vector<16xi1> -> vector<16xf32>
        %reduce_or3A_306 = vector.extract %reduce_or3A_305[15] : f32 from vector<16xf32>
        %reduce_or3A_307 = arith.constant 0.000000e+00 : f32
        %reduce_or3A_308 = arith.cmpf ogt, %reduce_or3A_306, %reduce_or3A_307 : f32
        %and3A_309 = arith.andi %lt3A_296, %reduce_or3A_308 : i1
        scf.condition(%and3A_309) %while3A_292, %while3A_293, %while3A_294 : i32, vector<16xi32>, vector<16xi32>
      } do {
      ^bb0(%while3A_292: i32, %while3A_293: vector<16xi32>, %while3A_294: vector<16xi32>):
        %mul3A_295 = arith.constant 4 : i32
        %mul3A_296 = arith.muli %mul3A_295, %while3A_292 : i32
        %mul3A_297 = arith.constant 16 : i32
        %mul3A_298 = arith.muli %mul3A_296, %mul3A_297 : i32
        %get3A_299 = arith.index_cast %mul3A_298 : i32 to index
        %get3A_300 = tpu.vector_load %arg8[%get3A_299] {strides = array<i32>} : memref<8192xf32, #tpu.memory_space<vmem>>, vector<16xf32>,
        %mul3A_301 = vector.broadcast %reduce_sum3A_141 : f32 to vector<16xf32>
        %mul3A_302 = arith.mulf %mul3A_301, %get3A_300 : vector<16xf32>
        %get3A_303 = arith.index_cast %mul3A_298 : i32 to index
        %get3A_304 = tpu.vector_load %arg9[%get3A_303] {strides = array<i32>} : memref<8192xf32, #tpu.memory_space<vmem>>, vector<16xf32>,
        %mul3A_305 = vector.broadcast %reduce_sum3A_150 : f32 to vector<16xf32>
        %mul3A_306 = arith.mulf %mul3A_305, %get3A_304 : vector<16xf32>
        %add3A_307 = arith.addf %mul3A_302, %mul3A_306 : vector<16xf32>
        %get3A_308 = arith.index_cast %mul3A_298 : i32 to index
        %get3A_309 = tpu.vector_load %arg10[%get3A_308] {strides = array<i32>} : memref<8192xf32, #tpu.memory_space<vmem>>, vector<16xf32>,
        %mul3A_310 = vector.broadcast %reduce_sum3A_159 : f32 to vector<16xf32>
        %mul3A_311 = arith.mulf %mul3A_310, %get3A_309 : vector<16xf32>
        %add3A_312 = arith.addf %add3A_307, %mul3A_311 : vector<16xf32>
        %get3A_313 = arith.index_cast %mul3A_298 : i32 to index
        %get3A_314 = tpu.vector_load %arg11[%get3A_313] {strides = array<i32>} : memref<8192xf32, #tpu.memory_space<vmem>>, vector<16xf32>,
        %add3A_315 = vector.broadcast %reduce_sum3A_168 : f32 to vector<16xf32>
        %add3A_316 = arith.addf %add3A_315, %get3A_314 : vector<16xf32>
        %mul3A_317 = arith.constant 2.000000e+00 : f32
        %mul3A_318 = vector.broadcast %mul3A_317 : f32 to vector<16xf32>
        %mul3A_319 = arith.mulf %mul3A_318, %add3A_312 : vector<16xf32>
        %sub3A_320 = arith.subf %add3A_316, %mul3A_319 : vector<16xf32>
        %mul3A_321 = arith.constant 16 : i32
        %mul3A_322 = arith.muli %mul3A_296, %mul3A_321 : i32
        %add3A_323 = vector.broadcast %mul3A_322 : i32 to vector<16xi32>
        %add3A_324 = arith.addi %iota3A, %add3A_323 : vector<16xi32>
        %lt3A_325 = arith.constant 4.000000e-02 : f32
        %lt3A_326 = vector.broadcast %lt3A_325 : f32 to vector<16xf32>
        %lt3A_327 = arith.cmpf olt, %sub3A_320, %lt3A_326 : vector<16xf32>
        %lt3A_328 = arith.constant 1.600000e-01 : f32
        %lt3A_329 = vector.broadcast %lt3A_328 : f32 to vector<16xf32>
        %lt3A_330 = arith.cmpf olt, %sub3A_320, %lt3A_329 : vector<16xf32>
        %convert_element_type3A = arith.extui %lt3A_327 : vector<16xi1> to vector<16xi32>
        %broadcast_in_dim3A_331 = arith.constant true
        %broadcast_in_dim3A_332 = vector.broadcast %broadcast_in_dim3A_331 : i1 to vector<16xi1>
        %masked_cumsum3A = tpu.scan <sum>, %convert_element_type3A masked %broadcast_in_dim3A_332 : vector<16xi32>, vector<16xi1> -> vector<16xi32>
        %convert_element_type3A_333 = arith.extui %lt3A_330 : vector<16xi1> to vector<16xi32>
        %broadcast_in_dim3A_334 = arith.constant true
        %broadcast_in_dim3A_335 = vector.broadcast %broadcast_in_dim3A_334 : i1 to vector<16xi1>
        %masked_cumsum3A_336 = tpu.scan <sum>, %convert_element_type3A_333 masked %broadcast_in_dim3A_335 : vector<16xi32>, vector<16xi1> -> vector<16xi32>
        %add3A_337 = arith.addi %while3A_293, %masked_cumsum3A : vector<16xi32>
        %sub3A_338 = arith.constant 1 : i32
        %sub3A_339 = vector.broadcast %sub3A_338 : i32 to vector<16xi32>
        %sub3A_340 = arith.subi %add3A_337, %sub3A_339 : vector<16xi32>
        %min3A_341 = arith.constant 63 : i32
        %min3A_342 = vector.broadcast %min3A_341 : i32 to vector<16xi32>
        %min3A_343 = arith.minsi %sub3A_340, %min3A_342 : vector<16xi32>
        tpu.vector_store_idx %arg16[%min3A_343], %add3A_324 masked %lt3A_327 : memref<64xi32, #tpu.memory_space<vmem>>[vector<16xi32>], vector<16xi32>, vector<16xi1>
        %add3A_344 = arith.addi %while3A_294, %masked_cumsum3A_336 : vector<16xi32>
        %sub3A_345 = arith.constant 1 : i32
        %sub3A_346 = vector.broadcast %sub3A_345 : i32 to vector<16xi32>
        %sub3A_347 = arith.subi %add3A_344, %sub3A_346 : vector<16xi32>
        %min3A_348 = arith.constant 95 : i32
        %min3A_349 = vector.broadcast %min3A_348 : i32 to vector<16xi32>
        %min3A_350 = arith.minsi %sub3A_347, %min3A_349 : vector<16xi32>
        tpu.vector_store_idx %arg17[%min3A_350], %add3A_324 masked %lt3A_330 : memref<96xi32, #tpu.memory_space<vmem>>[vector<16xi32>], vector<16xi32>, vector<16xi1>
        %all_reduce_population_count3A = tpu.all_reduce %lt3A_327 {dim = 0 : i64, kind = #tpu.reduction_kind<sum>} : vector<16xi1> -> vector<16xi32>
        %all_reduce_population_count3A_351 = tpu.all_reduce %lt3A_330 {dim = 0 : i64, kind = #tpu.reduction_kind<sum>} : vector<16xi1> -> vector<16xi32>
        %add3A_352 = arith.addi %while3A_293, %all_reduce_population_count3A : vector<16xi32>
        %add3A_353 = arith.addi %while3A_294, %all_reduce_population_count3A_351 : vector<16xi32>
        %mul3A_354 = arith.constant 4 : i32
        %mul3A_355 = arith.muli %mul3A_354, %while3A_292 : i32
        %add3A_356 = arith.constant 1 : i32
        %add3A_357 = arith.addi %mul3A_355, %add3A_356 : i32
        %mul3A_358 = arith.constant 16 : i32
        %mul3A_359 = arith.muli %add3A_357, %mul3A_358 : i32
        %get3A_360 = arith.index_cast %mul3A_359 : i32 to index
        %get3A_361 = tpu.vector_load %arg8[%get3A_360] {strides = array<i32>} : memref<8192xf32, #tpu.memory_space<vmem>>, vector<16xf32>,
        %mul3A_362 = vector.broadcast %reduce_sum3A_141 : f32 to vector<16xf32>
        %mul3A_363 = arith.mulf %mul3A_362, %get3A_361 : vector<16xf32>
        %get3A_364 = arith.index_cast %mul3A_359 : i32 to index
        %get3A_365 = tpu.vector_load %arg9[%get3A_364] {strides = array<i32>} : memref<8192xf32, #tpu.memory_space<vmem>>, vector<16xf32>,
        %mul3A_366 = vector.broadcast %reduce_sum3A_150 : f32 to vector<16xf32>
        %mul3A_367 = arith.mulf %mul3A_366, %get3A_365 : vector<16xf32>
        %add3A_368 = arith.addf %mul3A_363, %mul3A_367 : vector<16xf32>
        %get3A_369 = arith.index_cast %mul3A_359 : i32 to index
        %get3A_370 = tpu.vector_load %arg10[%get3A_369] {strides = array<i32>} : memref<8192xf32, #tpu.memory_space<vmem>>, vector<16xf32>,
        %mul3A_371 = vector.broadcast %reduce_sum3A_159 : f32 to vector<16xf32>
        %mul3A_372 = arith.mulf %mul3A_371, %get3A_370 : vector<16xf32>
        %add3A_373 = arith.addf %add3A_368, %mul3A_372 : vector<16xf32>
        %get3A_374 = arith.index_cast %mul3A_359 : i32 to index
        %get3A_375 = tpu.vector_load %arg11[%get3A_374] {strides = array<i32>} : memref<8192xf32, #tpu.memory_space<vmem>>, vector<16xf32>,
        %add3A_376 = vector.broadcast %reduce_sum3A_168 : f32 to vector<16xf32>
        %add3A_377 = arith.addf %add3A_376, %get3A_375 : vector<16xf32>
        %mul3A_378 = arith.constant 2.000000e+00 : f32
        %mul3A_379 = vector.broadcast %mul3A_378 : f32 to vector<16xf32>
        %mul3A_380 = arith.mulf %mul3A_379, %add3A_373 : vector<16xf32>
        %sub3A_381 = arith.subf %add3A_377, %mul3A_380 : vector<16xf32>
        %mul3A_382 = arith.constant 16 : i32
        %mul3A_383 = arith.muli %add3A_357, %mul3A_382 : i32
        %add3A_384 = vector.broadcast %mul3A_383 : i32 to vector<16xi32>
        %add3A_385 = arith.addi %iota3A, %add3A_384 : vector<16xi32>
        %lt3A_386 = arith.constant 4.000000e-02 : f32
        %lt3A_387 = vector.broadcast %lt3A_386 : f32 to vector<16xf32>
        %lt3A_388 = arith.cmpf olt, %sub3A_381, %lt3A_387 : vector<16xf32>
        %lt3A_389 = arith.constant 1.600000e-01 : f32
        %lt3A_390 = vector.broadcast %lt3A_389 : f32 to vector<16xf32>
        %lt3A_391 = arith.cmpf olt, %sub3A_381, %lt3A_390 : vector<16xf32>
        %convert_element_type3A_392 = arith.extui %lt3A_388 : vector<16xi1> to vector<16xi32>
        %broadcast_in_dim3A_393 = arith.constant true
        %broadcast_in_dim3A_394 = vector.broadcast %broadcast_in_dim3A_393 : i1 to vector<16xi1>
        %masked_cumsum3A_395 = tpu.scan <sum>, %convert_element_type3A_392 masked %broadcast_in_dim3A_394 : vector<16xi32>, vector<16xi1> -> vector<16xi32>
        %convert_element_type3A_396 = arith.extui %lt3A_391 : vector<16xi1> to vector<16xi32>
        %broadcast_in_dim3A_397 = arith.constant true
        %broadcast_in_dim3A_398 = vector.broadcast %broadcast_in_dim3A_397 : i1 to vector<16xi1>
        %masked_cumsum3A_399 = tpu.scan <sum>, %convert_element_type3A_396 masked %broadcast_in_dim3A_398 : vector<16xi32>, vector<16xi1> -> vector<16xi32>
        %add3A_400 = arith.addi %add3A_352, %masked_cumsum3A_395 : vector<16xi32>
        %sub3A_401 = arith.constant 1 : i32
        %sub3A_402 = vector.broadcast %sub3A_401 : i32 to vector<16xi32>
        %sub3A_403 = arith.subi %add3A_400, %sub3A_402 : vector<16xi32>
        %min3A_404 = arith.constant 63 : i32
        %min3A_405 = vector.broadcast %min3A_404 : i32 to vector<16xi32>
        %min3A_406 = arith.minsi %sub3A_403, %min3A_405 : vector<16xi32>
        tpu.vector_store_idx %arg16[%min3A_406], %add3A_385 masked %lt3A_388 : memref<64xi32, #tpu.memory_space<vmem>>[vector<16xi32>], vector<16xi32>, vector<16xi1>
        %add3A_407 = arith.addi %add3A_353, %masked_cumsum3A_399 : vector<16xi32>
        %sub3A_408 = arith.constant 1 : i32
        %sub3A_409 = vector.broadcast %sub3A_408 : i32 to vector<16xi32>
        %sub3A_410 = arith.subi %add3A_407, %sub3A_409 : vector<16xi32>
        %min3A_411 = arith.constant 95 : i32
        %min3A_412 = vector.broadcast %min3A_411 : i32 to vector<16xi32>
        %min3A_413 = arith.minsi %sub3A_410, %min3A_412 : vector<16xi32>
        tpu.vector_store_idx %arg17[%min3A_413], %add3A_385 masked %lt3A_391 : memref<96xi32, #tpu.memory_space<vmem>>[vector<16xi32>], vector<16xi32>, vector<16xi1>
        %all_reduce_population_count3A_414 = tpu.all_reduce %lt3A_388 {dim = 0 : i64, kind = #tpu.reduction_kind<sum>} : vector<16xi1> -> vector<16xi32>
        %all_reduce_population_count3A_415 = tpu.all_reduce %lt3A_391 {dim = 0 : i64, kind = #tpu.reduction_kind<sum>} : vector<16xi1> -> vector<16xi32>
        %add3A_416 = arith.addi %add3A_352, %all_reduce_population_count3A_414 : vector<16xi32>
        %add3A_417 = arith.addi %add3A_353, %all_reduce_population_count3A_415 : vector<16xi32>
        %mul3A_418 = arith.constant 4 : i32
        %mul3A_419 = arith.muli %mul3A_418, %while3A_292 : i32
        %add3A_420 = arith.constant 2 : i32
        %add3A_421 = arith.addi %mul3A_419, %add3A_420 : i32
        %mul3A_422 = arith.constant 16 : i32
        %mul3A_423 = arith.muli %add3A_421, %mul3A_422 : i32
        %get3A_424 = arith.index_cast %mul3A_423 : i32 to index
        %get3A_425 = tpu.vector_load %arg8[%get3A_424] {strides = array<i32>} : memref<8192xf32, #tpu.memory_space<vmem>>, vector<16xf32>,
        %mul3A_426 = vector.broadcast %reduce_sum3A_141 : f32 to vector<16xf32>
        %mul3A_427 = arith.mulf %mul3A_426, %get3A_425 : vector<16xf32>
        %get3A_428 = arith.index_cast %mul3A_423 : i32 to index
        %get3A_429 = tpu.vector_load %arg9[%get3A_428] {strides = array<i32>} : memref<8192xf32, #tpu.memory_space<vmem>>, vector<16xf32>,
        %mul3A_430 = vector.broadcast %reduce_sum3A_150 : f32 to vector<16xf32>
        %mul3A_431 = arith.mulf %mul3A_430, %get3A_429 : vector<16xf32>
        %add3A_432 = arith.addf %mul3A_427, %mul3A_431 : vector<16xf32>
        %get3A_433 = arith.index_cast %mul3A_423 : i32 to index
        %get3A_434 = tpu.vector_load %arg10[%get3A_433] {strides = array<i32>} : memref<8192xf32, #tpu.memory_space<vmem>>, vector<16xf32>,
        %mul3A_435 = vector.broadcast %reduce_sum3A_159 : f32 to vector<16xf32>
        %mul3A_436 = arith.mulf %mul3A_435, %get3A_434 : vector<16xf32>
        %add3A_437 = arith.addf %add3A_432, %mul3A_436 : vector<16xf32>
        %get3A_438 = arith.index_cast %mul3A_423 : i32 to index
        %get3A_439 = tpu.vector_load %arg11[%get3A_438] {strides = array<i32>} : memref<8192xf32, #tpu.memory_space<vmem>>, vector<16xf32>,
        %add3A_440 = vector.broadcast %reduce_sum3A_168 : f32 to vector<16xf32>
        %add3A_441 = arith.addf %add3A_440, %get3A_439 : vector<16xf32>
        %mul3A_442 = arith.constant 2.000000e+00 : f32
        %mul3A_443 = vector.broadcast %mul3A_442 : f32 to vector<16xf32>
        %mul3A_444 = arith.mulf %mul3A_443, %add3A_437 : vector<16xf32>
        %sub3A_445 = arith.subf %add3A_441, %mul3A_444 : vector<16xf32>
        %mul3A_446 = arith.constant 16 : i32
        %mul3A_447 = arith.muli %add3A_421, %mul3A_446 : i32
        %add3A_448 = vector.broadcast %mul3A_447 : i32 to vector<16xi32>
        %add3A_449 = arith.addi %iota3A, %add3A_448 : vector<16xi32>
        %lt3A_450 = arith.constant 4.000000e-02 : f32
        %lt3A_451 = vector.broadcast %lt3A_450 : f32 to vector<16xf32>
        %lt3A_452 = arith.cmpf olt, %sub3A_445, %lt3A_451 : vector<16xf32>
        %lt3A_453 = arith.constant 1.600000e-01 : f32
        %lt3A_454 = vector.broadcast %lt3A_453 : f32 to vector<16xf32>
        %lt3A_455 = arith.cmpf olt, %sub3A_445, %lt3A_454 : vector<16xf32>
        %convert_element_type3A_456 = arith.extui %lt3A_452 : vector<16xi1> to vector<16xi32>
        %broadcast_in_dim3A_457 = arith.constant true
        %broadcast_in_dim3A_458 = vector.broadcast %broadcast_in_dim3A_457 : i1 to vector<16xi1>
        %masked_cumsum3A_459 = tpu.scan <sum>, %convert_element_type3A_456 masked %broadcast_in_dim3A_458 : vector<16xi32>, vector<16xi1> -> vector<16xi32>
        %convert_element_type3A_460 = arith.extui %lt3A_455 : vector<16xi1> to vector<16xi32>
        %broadcast_in_dim3A_461 = arith.constant true
        %broadcast_in_dim3A_462 = vector.broadcast %broadcast_in_dim3A_461 : i1 to vector<16xi1>
        %masked_cumsum3A_463 = tpu.scan <sum>, %convert_element_type3A_460 masked %broadcast_in_dim3A_462 : vector<16xi32>, vector<16xi1> -> vector<16xi32>
        %add3A_464 = arith.addi %add3A_416, %masked_cumsum3A_459 : vector<16xi32>
        %sub3A_465 = arith.constant 1 : i32
        %sub3A_466 = vector.broadcast %sub3A_465 : i32 to vector<16xi32>
        %sub3A_467 = arith.subi %add3A_464, %sub3A_466 : vector<16xi32>
        %min3A_468 = arith.constant 63 : i32
        %min3A_469 = vector.broadcast %min3A_468 : i32 to vector<16xi32>
        %min3A_470 = arith.minsi %sub3A_467, %min3A_469 : vector<16xi32>
        tpu.vector_store_idx %arg16[%min3A_470], %add3A_449 masked %lt3A_452 : memref<64xi32, #tpu.memory_space<vmem>>[vector<16xi32>], vector<16xi32>, vector<16xi1>
        %add3A_471 = arith.addi %add3A_417, %masked_cumsum3A_463 : vector<16xi32>
        %sub3A_472 = arith.constant 1 : i32
        %sub3A_473 = vector.broadcast %sub3A_472 : i32 to vector<16xi32>
        %sub3A_474 = arith.subi %add3A_471, %sub3A_473 : vector<16xi32>
        %min3A_475 = arith.constant 95 : i32
        %min3A_476 = vector.broadcast %min3A_475 : i32 to vector<16xi32>
        %min3A_477 = arith.minsi %sub3A_474, %min3A_476 : vector<16xi32>
        tpu.vector_store_idx %arg17[%min3A_477], %add3A_449 masked %lt3A_455 : memref<96xi32, #tpu.memory_space<vmem>>[vector<16xi32>], vector<16xi32>, vector<16xi1>
        %all_reduce_population_count3A_478 = tpu.all_reduce %lt3A_452 {dim = 0 : i64, kind = #tpu.reduction_kind<sum>} : vector<16xi1> -> vector<16xi32>
        %all_reduce_population_count3A_479 = tpu.all_reduce %lt3A_455 {dim = 0 : i64, kind = #tpu.reduction_kind<sum>} : vector<16xi1> -> vector<16xi32>
        %add3A_480 = arith.addi %add3A_416, %all_reduce_population_count3A_478 : vector<16xi32>
        %add3A_481 = arith.addi %add3A_417, %all_reduce_population_count3A_479 : vector<16xi32>
        %mul3A_482 = arith.constant 4 : i32
        %mul3A_483 = arith.muli %mul3A_482, %while3A_292 : i32
        %add3A_484 = arith.constant 3 : i32
        %add3A_485 = arith.addi %mul3A_483, %add3A_484 : i32
        %mul3A_486 = arith.constant 16 : i32
        %mul3A_487 = arith.muli %add3A_485, %mul3A_486 : i32
        %get3A_488 = arith.index_cast %mul3A_487 : i32 to index
        %get3A_489 = tpu.vector_load %arg8[%get3A_488] {strides = array<i32>} : memref<8192xf32, #tpu.memory_space<vmem>>, vector<16xf32>,
        %mul3A_490 = vector.broadcast %reduce_sum3A_141 : f32 to vector<16xf32>
        %mul3A_491 = arith.mulf %mul3A_490, %get3A_489 : vector<16xf32>
        %get3A_492 = arith.index_cast %mul3A_487 : i32 to index
        %get3A_493 = tpu.vector_load %arg9[%get3A_492] {strides = array<i32>} : memref<8192xf32, #tpu.memory_space<vmem>>, vector<16xf32>,
        %mul3A_494 = vector.broadcast %reduce_sum3A_150 : f32 to vector<16xf32>
        %mul3A_495 = arith.mulf %mul3A_494, %get3A_493 : vector<16xf32>
        %add3A_496 = arith.addf %mul3A_491, %mul3A_495 : vector<16xf32>
        %get3A_497 = arith.index_cast %mul3A_487 : i32 to index
        %get3A_498 = tpu.vector_load %arg10[%get3A_497] {strides = array<i32>} : memref<8192xf32, #tpu.memory_space<vmem>>, vector<16xf32>,
        %mul3A_499 = vector.broadcast %reduce_sum3A_159 : f32 to vector<16xf32>
        %mul3A_500 = arith.mulf %mul3A_499, %get3A_498 : vector<16xf32>
        %add3A_501 = arith.addf %add3A_496, %mul3A_500 : vector<16xf32>
        %get3A_502 = arith.index_cast %mul3A_487 : i32 to index
        %get3A_503 = tpu.vector_load %arg11[%get3A_502] {strides = array<i32>} : memref<8192xf32, #tpu.memory_space<vmem>>, vector<16xf32>,
        %add3A_504 = vector.broadcast %reduce_sum3A_168 : f32 to vector<16xf32>
        %add3A_505 = arith.addf %add3A_504, %get3A_503 : vector<16xf32>
        %mul3A_506 = arith.constant 2.000000e+00 : f32
        %mul3A_507 = vector.broadcast %mul3A_506 : f32 to vector<16xf32>
        %mul3A_508 = arith.mulf %mul3A_507, %add3A_501 : vector<16xf32>
        %sub3A_509 = arith.subf %add3A_505, %mul3A_508 : vector<16xf32>
        %mul3A_510 = arith.constant 16 : i32
        %mul3A_511 = arith.muli %add3A_485, %mul3A_510 : i32
        %add3A_512 = vector.broadcast %mul3A_511 : i32 to vector<16xi32>
        %add3A_513 = arith.addi %iota3A, %add3A_512 : vector<16xi32>
        %lt3A_514 = arith.constant 4.000000e-02 : f32
        %lt3A_515 = vector.broadcast %lt3A_514 : f32 to vector<16xf32>
        %lt3A_516 = arith.cmpf olt, %sub3A_509, %lt3A_515 : vector<16xf32>
        %lt3A_517 = arith.constant 1.600000e-01 : f32
        %lt3A_518 = vector.broadcast %lt3A_517 : f32 to vector<16xf32>
        %lt3A_519 = arith.cmpf olt, %sub3A_509, %lt3A_518 : vector<16xf32>
        %convert_element_type3A_520 = arith.extui %lt3A_516 : vector<16xi1> to vector<16xi32>
        %broadcast_in_dim3A_521 = arith.constant true
        %broadcast_in_dim3A_522 = vector.broadcast %broadcast_in_dim3A_521 : i1 to vector<16xi1>
        %masked_cumsum3A_523 = tpu.scan <sum>, %convert_element_type3A_520 masked %broadcast_in_dim3A_522 : vector<16xi32>, vector<16xi1> -> vector<16xi32>
        %convert_element_type3A_524 = arith.extui %lt3A_519 : vector<16xi1> to vector<16xi32>
        %broadcast_in_dim3A_525 = arith.constant true
        %broadcast_in_dim3A_526 = vector.broadcast %broadcast_in_dim3A_525 : i1 to vector<16xi1>
        %masked_cumsum3A_527 = tpu.scan <sum>, %convert_element_type3A_524 masked %broadcast_in_dim3A_526 : vector<16xi32>, vector<16xi1> -> vector<16xi32>
        %add3A_528 = arith.addi %add3A_480, %masked_cumsum3A_523 : vector<16xi32>
        %sub3A_529 = arith.constant 1 : i32
        %sub3A_530 = vector.broadcast %sub3A_529 : i32 to vector<16xi32>
        %sub3A_531 = arith.subi %add3A_528, %sub3A_530 : vector<16xi32>
        %min3A_532 = arith.constant 63 : i32
        %min3A_533 = vector.broadcast %min3A_532 : i32 to vector<16xi32>
        %min3A_534 = arith.minsi %sub3A_531, %min3A_533 : vector<16xi32>
        tpu.vector_store_idx %arg16[%min3A_534], %add3A_513 masked %lt3A_516 : memref<64xi32, #tpu.memory_space<vmem>>[vector<16xi32>], vector<16xi32>, vector<16xi1>
        %add3A_535 = arith.addi %add3A_481, %masked_cumsum3A_527 : vector<16xi32>
        %sub3A_536 = arith.constant 1 : i32
        %sub3A_537 = vector.broadcast %sub3A_536 : i32 to vector<16xi32>
        %sub3A_538 = arith.subi %add3A_535, %sub3A_537 : vector<16xi32>
        %min3A_539 = arith.constant 95 : i32
        %min3A_540 = vector.broadcast %min3A_539 : i32 to vector<16xi32>
        %min3A_541 = arith.minsi %sub3A_538, %min3A_540 : vector<16xi32>
        tpu.vector_store_idx %arg17[%min3A_541], %add3A_513 masked %lt3A_519 : memref<96xi32, #tpu.memory_space<vmem>>[vector<16xi32>], vector<16xi32>, vector<16xi1>
        %all_reduce_population_count3A_542 = tpu.all_reduce %lt3A_516 {dim = 0 : i64, kind = #tpu.reduction_kind<sum>} : vector<16xi1> -> vector<16xi32>
        %all_reduce_population_count3A_543 = tpu.all_reduce %lt3A_519 {dim = 0 : i64, kind = #tpu.reduction_kind<sum>} : vector<16xi1> -> vector<16xi32>
        %add3A_544 = arith.addi %add3A_480, %all_reduce_population_count3A_542 : vector<16xi32>
        %add3A_545 = arith.addi %add3A_481, %all_reduce_population_count3A_543 : vector<16xi32>
        %add3A_546 = arith.constant 1 : i32
        %add3A_547 = arith.addi %while3A_292, %add3A_546 : i32
        scf.yield %add3A_547, %add3A_544, %add3A_545 : i32, vector<16xi32>, vector<16xi32>
      }
      %min3A = arith.minsi %while3A_171#1, %broadcast_in_dim3A_60 : vector<16xi32>
      %get3A_172 = arith.constant 0 : index
      %get3A_173 = tpu.vector_load %arg16[%get3A_172] {strides = array<i32>} : memref<64xi32, #tpu.memory_space<vmem>>, vector<16xi32>,
      %eq3A_174 = arith.constant 0 : i32
      %eq3A_175 = vector.broadcast %eq3A_174 : i32 to vector<16xi32>
      %eq3A_176 = arith.cmpi eq, %iota3A, %eq3A_175 : vector<16xi32>
      %jit3A_177 = arith.constant 0 : i32
      %broadcast_in_dim3A_178 = vector.broadcast %jit3A_177 : i32 to vector<16xi32>
      %select_n3A_179 = arith.select %eq3A_176, %get3A_173, %broadcast_in_dim3A_178 : vector<16xi1>, vector<16xi32>
      %reduce_sum3A_180 = arith.constant true
      %reduce_sum3A_181 = vector.broadcast %reduce_sum3A_180 : i1 to vector<16xi1>
      %reduce_sum3A_182 = tpu.scan <sum>, %select_n3A_179 masked %reduce_sum3A_181 : vector<16xi32>, vector<16xi1> -> vector<16xi32>
      %reduce_sum3A_183 = vector.extract %reduce_sum3A_182[15] : i32 from vector<16xi32>
      %get3A_184 = arith.constant 0 : index
      %get3A_185 = tpu.vector_load %arg16[%get3A_184] {strides = array<i32>} : memref<64xi32, #tpu.memory_space<vmem>>, vector<16xi32>,
      %add3A_186 = arith.constant 0 : i32
      %add3A_187 = vector.broadcast %add3A_186 : i32 to vector<16xi32>
      %add3A_188 = arith.addi %iota3A, %add3A_187 : vector<16xi32>
      %lt3A_189 = arith.cmpi slt, %add3A_188, %min3A : vector<16xi32>
      %broadcast_in_dim3A_190 = vector.broadcast %reduce_sum3A_183 : i32 to vector<16xi32>
      %select_n3A_191 = arith.select %lt3A_189, %get3A_185, %broadcast_in_dim3A_190 : vector<16xi1>, vector<16xi32>
      %add3A_192 = vector.broadcast %mul3A_59 : i32 to vector<16xi32>
      %add3A_193 = arith.addi %select_n3A_191, %add3A_192 : vector<16xi32>
      %mul3A_194 = arith.constant 32 : i32
      %mul3A_195 = arith.muli %scan3A_90, %mul3A_194 : i32
      %add3A_196 = arith.constant 0 : i32
      %add3A_197 = arith.addi %mul3A_195, %add3A_196 : i32
      %swap3A = arith.index_cast %add3A_197 : i32 to index
      %swap3A_198 = tpu.vector_load %arg18[%swap3A] {strides = array<i32>} : memref<4096xi32, #tpu.memory_space<vmem>>, vector<16xi32>,
      tpu.vector_store %arg18[%swap3A], %add3A_193 {strides = array<i32>} : memref<4096xi32, #tpu.memory_space<vmem>>, vector<16xi32>,
      %get3A_199 = arith.constant 16 : index
      %get3A_200 = tpu.vector_load %arg16[%get3A_199] {strides = array<i32>} : memref<64xi32, #tpu.memory_space<vmem>>, vector<16xi32>,
      %add3A_201 = arith.constant 16 : i32
      %add3A_202 = vector.broadcast %add3A_201 : i32 to vector<16xi32>
      %add3A_203 = arith.addi %iota3A, %add3A_202 : vector<16xi32>
      %lt3A_204 = arith.cmpi slt, %add3A_203, %min3A : vector<16xi32>
      %broadcast_in_dim3A_205 = vector.broadcast %reduce_sum3A_183 : i32 to vector<16xi32>
      %select_n3A_206 = arith.select %lt3A_204, %get3A_200, %broadcast_in_dim3A_205 : vector<16xi1>, vector<16xi32>
      %add3A_207 = vector.broadcast %mul3A_59 : i32 to vector<16xi32>
      %add3A_208 = arith.addi %select_n3A_206, %add3A_207 : vector<16xi32>
      %mul3A_209 = arith.constant 32 : i32
      %mul3A_210 = arith.muli %scan3A_90, %mul3A_209 : i32
      %add3A_211 = arith.constant 16 : i32
      %add3A_212 = arith.addi %mul3A_210, %add3A_211 : i32
      %swap3A_213 = arith.index_cast %add3A_212 : i32 to index
      %swap3A_214 = tpu.vector_load %arg18[%swap3A_213] {strides = array<i32>} : memref<4096xi32, #tpu.memory_space<vmem>>, vector<16xi32>,
      tpu.vector_store %arg18[%swap3A_213], %add3A_208 {strides = array<i32>} : memref<4096xi32, #tpu.memory_space<vmem>>, vector<16xi32>,
      %min3A_215 = arith.minsi %while3A_171#2, %broadcast_in_dim3A_62 : vector<16xi32>
      %get3A_216 = arith.constant 0 : index
      %get3A_217 = tpu.vector_load %arg17[%get3A_216] {strides = array<i32>} : memref<96xi32, #tpu.memory_space<vmem>>, vector<16xi32>,
      %eq3A_218 = arith.constant 0 : i32
      %eq3A_219 = vector.broadcast %eq3A_218 : i32 to vector<16xi32>
      %eq3A_220 = arith.cmpi eq, %iota3A, %eq3A_219 : vector<16xi32>
      %jit3A_221 = arith.constant 0 : i32
      %broadcast_in_dim3A_222 = vector.broadcast %jit3A_221 : i32 to vector<16xi32>
      %select_n3A_223 = arith.select %eq3A_220, %get3A_217, %broadcast_in_dim3A_222 : vector<16xi1>, vector<16xi32>
      %reduce_sum3A_224 = arith.constant true
      %reduce_sum3A_225 = vector.broadcast %reduce_sum3A_224 : i1 to vector<16xi1>
      %reduce_sum3A_226 = tpu.scan <sum>, %select_n3A_223 masked %reduce_sum3A_225 : vector<16xi32>, vector<16xi1> -> vector<16xi32>
      %reduce_sum3A_227 = vector.extract %reduce_sum3A_226[15] : i32 from vector<16xi32>
      %get3A_228 = arith.constant 0 : index
      %get3A_229 = tpu.vector_load %arg17[%get3A_228] {strides = array<i32>} : memref<96xi32, #tpu.memory_space<vmem>>, vector<16xi32>,
      %add3A_230 = arith.constant 0 : i32
      %add3A_231 = vector.broadcast %add3A_230 : i32 to vector<16xi32>
      %add3A_232 = arith.addi %iota3A, %add3A_231 : vector<16xi32>
      %lt3A_233 = arith.cmpi slt, %add3A_232, %min3A_215 : vector<16xi32>
      %broadcast_in_dim3A_234 = vector.broadcast %reduce_sum3A_227 : i32 to vector<16xi32>
      %select_n3A_235 = arith.select %lt3A_233, %get3A_229, %broadcast_in_dim3A_234 : vector<16xi1>, vector<16xi32>
      %add3A_236 = vector.broadcast %mul3A_59 : i32 to vector<16xi32>
      %add3A_237 = arith.addi %select_n3A_235, %add3A_236 : vector<16xi32>
      %mul3A_238 = arith.constant 64 : i32
      %mul3A_239 = arith.muli %scan3A_90, %mul3A_238 : i32
      %add3A_240 = arith.constant 0 : i32
      %add3A_241 = arith.addi %mul3A_239, %add3A_240 : i32
      %swap3A_242 = arith.index_cast %add3A_241 : i32 to index
      %swap3A_243 = tpu.vector_load %arg19[%swap3A_242] {strides = array<i32>} : memref<8192xi32, #tpu.memory_space<vmem>>, vector<16xi32>,
      tpu.vector_store %arg19[%swap3A_242], %add3A_237 {strides = array<i32>} : memref<8192xi32, #tpu.memory_space<vmem>>, vector<16xi32>,
      %get3A_244 = arith.constant 16 : index
      %get3A_245 = tpu.vector_load %arg17[%get3A_244] {strides = array<i32>} : memref<96xi32, #tpu.memory_space<vmem>>, vector<16xi32>,
      %add3A_246 = arith.constant 16 : i32
      %add3A_247 = vector.broadcast %add3A_246 : i32 to vector<16xi32>
      %add3A_248 = arith.addi %iota3A, %add3A_247 : vector<16xi32>
      %lt3A_249 = arith.cmpi slt, %add3A_248, %min3A_215 : vector<16xi32>
      %broadcast_in_dim3A_250 = vector.broadcast %reduce_sum3A_227 : i32 to vector<16xi32>
      %select_n3A_251 = arith.select %lt3A_249, %get3A_245, %broadcast_in_dim3A_250 : vector<16xi1>, vector<16xi32>
      %add3A_252 = vector.broadcast %mul3A_59 : i32 to vector<16xi32>
      %add3A_253 = arith.addi %select_n3A_251, %add3A_252 : vector<16xi32>
      %mul3A_254 = arith.constant 64 : i32
      %mul3A_255 = arith.muli %scan3A_90, %mul3A_254 : i32
      %add3A_256 = arith.constant 16 : i32
      %add3A_257 = arith.addi %mul3A_255, %add3A_256 : i32
      %swap3A_258 = arith.index_cast %add3A_257 : i32 to index
      %swap3A_259 = tpu.vector_load %arg19[%swap3A_258] {strides = array<i32>} : memref<8192xi32, #tpu.memory_space<vmem>>, vector<16xi32>,
      tpu.vector_store %arg19[%swap3A_258], %add3A_253 {strides = array<i32>} : memref<8192xi32, #tpu.memory_space<vmem>>, vector<16xi32>,
      %get3A_260 = arith.constant 32 : index
      %get3A_261 = tpu.vector_load %arg17[%get3A_260] {strides = array<i32>} : memref<96xi32, #tpu.memory_space<vmem>>, vector<16xi32>,
      %add3A_262 = arith.constant 32 : i32
      %add3A_263 = vector.broadcast %add3A_262 : i32 to vector<16xi32>
      %add3A_264 = arith.addi %iota3A, %add3A_263 : vector<16xi32>
      %lt3A_265 = arith.cmpi slt, %add3A_264, %min3A_215 : vector<16xi32>
      %broadcast_in_dim3A_266 = vector.broadcast %reduce_sum3A_227 : i32 to vector<16xi32>
      %select_n3A_267 = arith.select %lt3A_265, %get3A_261, %broadcast_in_dim3A_266 : vector<16xi1>, vector<16xi32>
      %add3A_268 = vector.broadcast %mul3A_59 : i32 to vector<16xi32>
      %add3A_269 = arith.addi %select_n3A_267, %add3A_268 : vector<16xi32>
      %mul3A_270 = arith.constant 64 : i32
      %mul3A_271 = arith.muli %scan3A_90, %mul3A_270 : i32
      %add3A_272 = arith.constant 32 : i32
      %add3A_273 = arith.addi %mul3A_271, %add3A_272 : i32
      %swap3A_274 = arith.index_cast %add3A_273 : i32 to index
      %swap3A_275 = tpu.vector_load %arg19[%swap3A_274] {strides = array<i32>} : memref<8192xi32, #tpu.memory_space<vmem>>, vector<16xi32>,
      tpu.vector_store %arg19[%swap3A_274], %add3A_269 {strides = array<i32>} : memref<8192xi32, #tpu.memory_space<vmem>>, vector<16xi32>,
      %get3A_276 = arith.constant 48 : index
      %get3A_277 = tpu.vector_load %arg17[%get3A_276] {strides = array<i32>} : memref<96xi32, #tpu.memory_space<vmem>>, vector<16xi32>,
      %add3A_278 = arith.constant 48 : i32
      %add3A_279 = vector.broadcast %add3A_278 : i32 to vector<16xi32>
      %add3A_280 = arith.addi %iota3A, %add3A_279 : vector<16xi32>
      %lt3A_281 = arith.cmpi slt, %add3A_280, %min3A_215 : vector<16xi32>
      %broadcast_in_dim3A_282 = vector.broadcast %reduce_sum3A_227 : i32 to vector<16xi32>
      %select_n3A_283 = arith.select %lt3A_281, %get3A_277, %broadcast_in_dim3A_282 : vector<16xi1>, vector<16xi32>
      %add3A_284 = vector.broadcast %mul3A_59 : i32 to vector<16xi32>
      %add3A_285 = arith.addi %select_n3A_283, %add3A_284 : vector<16xi32>
      %mul3A_286 = arith.constant 64 : i32
      %mul3A_287 = arith.muli %scan3A_90, %mul3A_286 : i32
      %add3A_288 = arith.constant 48 : i32
      %add3A_289 = arith.addi %mul3A_287, %add3A_288 : i32
      %swap3A_290 = arith.index_cast %add3A_289 : i32 to index
      %swap3A_291 = tpu.vector_load %arg19[%swap3A_290] {strides = array<i32>} : memref<8192xi32, #tpu.memory_space<vmem>>, vector<16xi32>,
      tpu.vector_store %arg19[%swap3A_290], %add3A_285 {strides = array<i32>} : memref<8192xi32, #tpu.memory_space<vmem>>, vector<16xi32>,
    }
    %scan3A_73 = arith.constant 128 : i32
    %mul3A_74 = arith.constant 32 : i32
    %mul3A_75 = arith.muli %add3A_35, %mul3A_74 : i32
    %scan3A_76 = arith.constant 0 : i32
    %scan3A_77 = arith.constant 0 : i32
    %scan3A_78 = arith.constant 16 : i32
    %scan3A_79 = arith.addi %scan3A_77, %scan3A_78 : i32
    %scan3A_80 = arith.constant 1 : i32
    scf.for %scan3A_90 = %scan3A_77 to %scan3A_79 step %scan3A_80  : i32 {
      %mul3A_91 = arith.constant 2 : i32
      %mul3A_92 = arith.muli %mul3A_91, %scan3A_90 : i32
      %mul3A_93 = arith.constant 2 : i32
      %mul3A_94 = arith.muli %mul3A_93, %scan3A_90 : i32
      %add3A_95 = arith.constant 1 : i32
      %add3A_96 = arith.addi %mul3A_94, %add3A_95 : i32
      %mul3A_97 = arith.constant 128 : i32
      %mul3A_98 = arith.muli %mul3A_92, %mul3A_97 : i32
      %dma_start3A = tpu.memref_slice %arg18[%mul3A_98] : memref<4096xi32, #tpu.memory_space<vmem>> -> memref<128xi32, #tpu.memory_space<vmem>>
      %dma_start3A_99 = arith.constant 0 : i32
      %dma_start3A_100 = arith.constant 0 : i32
      %dma_start3A_101 = tpu.memref_slice %arg4[%dma_start3A_99, %dma_start3A_100] : memref<32768x128xf32, #tpu.memory_space<hbm>> -> memref<32768x128xf32, #tpu.memory_space<hbm>>
      tpu.enqueue_indirect_dma source(%dma_start3A_101 : memref<32768x128xf32, #tpu.memory_space<hbm>>) target(%arg20 : memref<128x128xf32, #tpu.memory_space<vmem>>) offsets(%dma_start3A : memref<128xi32, #tpu.memory_space<vmem>>) semaphore(%arg24 : memref<!tpu.dma_semaphore, #tpu.memory_space<semaphore_mem>>)
      %mul3A_102 = arith.constant 128 : i32
      %mul3A_103 = arith.muli %add3A_96, %mul3A_102 : i32
      %dma_start3A_104 = tpu.memref_slice %arg18[%mul3A_103] : memref<4096xi32, #tpu.memory_space<vmem>> -> memref<128xi32, #tpu.memory_space<vmem>>
      %dma_start3A_105 = arith.constant 0 : i32
      %dma_start3A_106 = arith.constant 0 : i32
      %dma_start3A_107 = tpu.memref_slice %arg4[%dma_start3A_105, %dma_start3A_106] : memref<32768x128xf32, #tpu.memory_space<hbm>> -> memref<32768x128xf32, #tpu.memory_space<hbm>>
      tpu.enqueue_indirect_dma source(%dma_start3A_107 : memref<32768x128xf32, #tpu.memory_space<hbm>>) target(%arg21 : memref<128x128xf32, #tpu.memory_space<vmem>>) offsets(%dma_start3A_104 : memref<128xi32, #tpu.memory_space<vmem>>) semaphore(%arg25 : memref<!tpu.dma_semaphore, #tpu.memory_space<semaphore_mem>>)
      %dma_wait3A = tpu.memref_slice %arg18[%mul3A_98] : memref<4096xi32, #tpu.memory_space<vmem>> -> memref<128xi32, #tpu.memory_space<vmem>>
      %dma_wait3A_108 = arith.constant 0 : i32
      %dma_wait3A_109 = arith.constant 0 : i32
      %dma_wait3A_110 = tpu.memref_slice %arg4[%dma_wait3A_108, %dma_wait3A_109] : memref<32768x128xf32, #tpu.memory_space<hbm>> -> memref<32768x128xf32, #tpu.memory_space<hbm>>
      tpu.wait_indirect_dma semaphore(%arg24 : memref<!tpu.dma_semaphore, #tpu.memory_space<semaphore_mem>>) src(%dma_wait3A_110 : memref<32768x128xf32, #tpu.memory_space<hbm>>) dst(%arg20 : memref<128x128xf32, #tpu.memory_space<vmem>>)
      %mul3A_111 = arith.constant 128 : i32
      %mul3A_112 = arith.muli %mul3A_92, %mul3A_111 : i32
      %add3A_113 = arith.addi %mul3A_75, %mul3A_112 : i32
      "tpu.region"() ({
        %run_scoped3A = tpu.sem_alloc : memref<!tpu.dma_semaphore, #tpu.memory_space<semaphore_mem>>
        %dma_start3A_121 = arith.constant 0 : i32
        %dma_start3A_122 = tpu.memref_slice %arg6[%add3A_113, %dma_start3A_121] : memref<131072x128xf32, #tpu.memory_space<hbm>> -> memref<128x128xf32, #tpu.memory_space<hbm>>
        %dma_start3A_123 = arith.constant 0 : i32
        %dma_start3A_124 = tpu.memref_slice %arg6[%add3A_113, %dma_start3A_123] : memref<131072x128xf32, #tpu.memory_space<hbm>> -> memref<128x128xf32, #tpu.memory_space<hbm>>
        tpu.enqueue_dma source(%arg20 : memref<128x128xf32, #tpu.memory_space<vmem>>) target(%dma_start3A_124 : memref<128x128xf32, #tpu.memory_space<hbm>>) target_semaphore(%run_scoped3A : memref<!tpu.dma_semaphore, #tpu.memory_space<semaphore_mem>>)
        %dma_wait3A_125 = arith.constant 0 : i32
        %dma_wait3A_126 = tpu.memref_slice %arg6[%add3A_113, %dma_wait3A_125] : memref<131072x128xf32, #tpu.memory_space<hbm>> -> memref<128x128xf32, #tpu.memory_space<hbm>>
        %dma_wait3A_127 = arith.constant 0 : i32
        %dma_wait3A_128 = tpu.memref_slice %arg6[%add3A_113, %dma_wait3A_127] : memref<131072x128xf32, #tpu.memory_space<hbm>> -> memref<128x128xf32, #tpu.memory_space<hbm>>
        tpu.wait_dma2 semaphore(%run_scoped3A : memref<!tpu.dma_semaphore, #tpu.memory_space<semaphore_mem>>) src(%arg20 : memref<128x128xf32, #tpu.memory_space<vmem>>) dst(%dma_wait3A_128 : memref<128x128xf32, #tpu.memory_space<hbm>>)
        tpu.yield
      }) : () -> ()
      %dma_wait3A_114 = tpu.memref_slice %arg18[%mul3A_103] : memref<4096xi32, #tpu.memory_space<vmem>> -> memref<128xi32, #tpu.memory_space<vmem>>
      %dma_wait3A_115 = arith.constant 0 : i32
      %dma_wait3A_116 = arith.constant 0 : i32
      %dma_wait3A_117 = tpu.memref_slice %arg4[%dma_wait3A_115, %dma_wait3A_116] : memref<32768x128xf32, #tpu.memory_space<hbm>> -> memref<32768x128xf32, #tpu.memory_space<hbm>>
      tpu.wait_indirect_dma semaphore(%arg25 : memref<!tpu.dma_semaphore, #tpu.memory_space<semaphore_mem>>) src(%dma_wait3A_117 : memref<32768x128xf32, #tpu.memory_space<hbm>>) dst(%arg21 : memref<128x128xf32, #tpu.memory_space<vmem>>)
      %mul3A_118 = arith.constant 128 : i32
      %mul3A_119 = arith.muli %add3A_96, %mul3A_118 : i32
      %add3A_120 = arith.addi %mul3A_75, %mul3A_119 : i32
      "tpu.region"() ({
        %run_scoped3A = tpu.sem_alloc : memref<!tpu.dma_semaphore, #tpu.memory_space<semaphore_mem>>
        %dma_start3A_121 = arith.constant 0 : i32
        %dma_start3A_122 = tpu.memref_slice %arg6[%add3A_120, %dma_start3A_121] : memref<131072x128xf32, #tpu.memory_space<hbm>> -> memref<128x128xf32, #tpu.memory_space<hbm>>
        %dma_start3A_123 = arith.constant 0 : i32
        %dma_start3A_124 = tpu.memref_slice %arg6[%add3A_120, %dma_start3A_123] : memref<131072x128xf32, #tpu.memory_space<hbm>> -> memref<128x128xf32, #tpu.memory_space<hbm>>
        tpu.enqueue_dma source(%arg21 : memref<128x128xf32, #tpu.memory_space<vmem>>) target(%dma_start3A_124 : memref<128x128xf32, #tpu.memory_space<hbm>>) target_semaphore(%run_scoped3A : memref<!tpu.dma_semaphore, #tpu.memory_space<semaphore_mem>>)
        %dma_wait3A_125 = arith.constant 0 : i32
        %dma_wait3A_126 = tpu.memref_slice %arg6[%add3A_120, %dma_wait3A_125] : memref<131072x128xf32, #tpu.memory_space<hbm>> -> memref<128x128xf32, #tpu.memory_space<hbm>>
        %dma_wait3A_127 = arith.constant 0 : i32
        %dma_wait3A_128 = tpu.memref_slice %arg6[%add3A_120, %dma_wait3A_127] : memref<131072x128xf32, #tpu.memory_space<hbm>> -> memref<128x128xf32, #tpu.memory_space<hbm>>
        tpu.wait_dma2 semaphore(%run_scoped3A : memref<!tpu.dma_semaphore, #tpu.memory_space<semaphore_mem>>) src(%arg21 : memref<128x128xf32, #tpu.memory_space<vmem>>) dst(%dma_wait3A_128 : memref<128x128xf32, #tpu.memory_space<hbm>>)
        tpu.yield
      }) : () -> ()
    }
    %scan3A_81 = arith.constant 16 : i32
    %mul3A_82 = arith.constant 64 : i32
    %mul3A_83 = arith.muli %add3A_35, %mul3A_82 : i32
    %scan3A_84 = arith.constant 0 : i32
    %scan3A_85 = arith.constant 0 : i32
    %scan3A_86 = arith.constant 32 : i32
    %scan3A_87 = arith.addi %scan3A_85, %scan3A_86 : i32
    %scan3A_88 = arith.constant 1 : i32
    scf.for %scan3A_90 = %scan3A_85 to %scan3A_87 step %scan3A_88  : i32 {
      %mul3A_91 = arith.constant 2 : i32
      %mul3A_92 = arith.muli %mul3A_91, %scan3A_90 : i32
      %mul3A_93 = arith.constant 2 : i32
      %mul3A_94 = arith.muli %mul3A_93, %scan3A_90 : i32
      %add3A_95 = arith.constant 1 : i32
      %add3A_96 = arith.addi %mul3A_94, %add3A_95 : i32
      %mul3A_97 = arith.constant 128 : i32
      %mul3A_98 = arith.muli %mul3A_92, %mul3A_97 : i32
      %dma_start3A = tpu.memref_slice %arg19[%mul3A_98] : memref<8192xi32, #tpu.memory_space<vmem>> -> memref<128xi32, #tpu.memory_space<vmem>>
      %dma_start3A_99 = arith.constant 0 : i32
      %dma_start3A_100 = arith.constant 0 : i32
      %dma_start3A_101 = tpu.memref_slice %arg5[%dma_start3A_99, %dma_start3A_100] : memref<32768x128xf32, #tpu.memory_space<hbm>> -> memref<32768x128xf32, #tpu.memory_space<hbm>>
      tpu.enqueue_indirect_dma source(%dma_start3A_101 : memref<32768x128xf32, #tpu.memory_space<hbm>>) target(%arg22 : memref<128x128xf32, #tpu.memory_space<vmem>>) offsets(%dma_start3A : memref<128xi32, #tpu.memory_space<vmem>>) semaphore(%arg24 : memref<!tpu.dma_semaphore, #tpu.memory_space<semaphore_mem>>)
      %mul3A_102 = arith.constant 128 : i32
      %mul3A_103 = arith.muli %add3A_96, %mul3A_102 : i32
      %dma_start3A_104 = tpu.memref_slice %arg19[%mul3A_103] : memref<8192xi32, #tpu.memory_space<vmem>> -> memref<128xi32, #tpu.memory_space<vmem>>
      %dma_start3A_105 = arith.constant 0 : i32
      %dma_start3A_106 = arith.constant 0 : i32
      %dma_start3A_107 = tpu.memref_slice %arg5[%dma_start3A_105, %dma_start3A_106] : memref<32768x128xf32, #tpu.memory_space<hbm>> -> memref<32768x128xf32, #tpu.memory_space<hbm>>
      tpu.enqueue_indirect_dma source(%dma_start3A_107 : memref<32768x128xf32, #tpu.memory_space<hbm>>) target(%arg23 : memref<128x128xf32, #tpu.memory_space<vmem>>) offsets(%dma_start3A_104 : memref<128xi32, #tpu.memory_space<vmem>>) semaphore(%arg25 : memref<!tpu.dma_semaphore, #tpu.memory_space<semaphore_mem>>)
      %dma_wait3A = tpu.memref_slice %arg19[%mul3A_98] : memref<8192xi32, #tpu.memory_space<vmem>> -> memref<128xi32, #tpu.memory_space<vmem>>
      %dma_wait3A_108 = arith.constant 0 : i32
      %dma_wait3A_109 = arith.constant 0 : i32
      %dma_wait3A_110 = tpu.memref_slice %arg5[%dma_wait3A_108, %dma_wait3A_109] : memref<32768x128xf32, #tpu.memory_space<hbm>> -> memref<32768x128xf32, #tpu.memory_space<hbm>>
      tpu.wait_indirect_dma semaphore(%arg24 : memref<!tpu.dma_semaphore, #tpu.memory_space<semaphore_mem>>) src(%dma_wait3A_110 : memref<32768x128xf32, #tpu.memory_space<hbm>>) dst(%arg22 : memref<128x128xf32, #tpu.memory_space<vmem>>)
      %mul3A_111 = arith.constant 128 : i32
      %mul3A_112 = arith.muli %mul3A_92, %mul3A_111 : i32
      %add3A_113 = arith.addi %mul3A_83, %mul3A_112 : i32
      "tpu.region"() ({
        %run_scoped3A = tpu.sem_alloc : memref<!tpu.dma_semaphore, #tpu.memory_space<semaphore_mem>>
        %dma_start3A_121 = arith.constant 0 : i32
        %dma_start3A_122 = tpu.memref_slice %arg7[%add3A_113, %dma_start3A_121] : memref<262144x128xf32, #tpu.memory_space<hbm>> -> memref<128x128xf32, #tpu.memory_space<hbm>>
        %dma_start3A_123 = arith.constant 0 : i32
        %dma_start3A_124 = tpu.memref_slice %arg7[%add3A_113, %dma_start3A_123] : memref<262144x128xf32, #tpu.memory_space<hbm>> -> memref<128x128xf32, #tpu.memory_space<hbm>>
        tpu.enqueue_dma source(%arg22 : memref<128x128xf32, #tpu.memory_space<vmem>>) target(%dma_start3A_124 : memref<128x128xf32, #tpu.memory_space<hbm>>) target_semaphore(%run_scoped3A : memref<!tpu.dma_semaphore, #tpu.memory_space<semaphore_mem>>)
        %dma_wait3A_125 = arith.constant 0 : i32
        %dma_wait3A_126 = tpu.memref_slice %arg7[%add3A_113, %dma_wait3A_125] : memref<262144x128xf32, #tpu.memory_space<hbm>> -> memref<128x128xf32, #tpu.memory_space<hbm>>
        %dma_wait3A_127 = arith.constant 0 : i32
        %dma_wait3A_128 = tpu.memref_slice %arg7[%add3A_113, %dma_wait3A_127] : memref<262144x128xf32, #tpu.memory_space<hbm>> -> memref<128x128xf32, #tpu.memory_space<hbm>>
        tpu.wait_dma2 semaphore(%run_scoped3A : memref<!tpu.dma_semaphore, #tpu.memory_space<semaphore_mem>>) src(%arg22 : memref<128x128xf32, #tpu.memory_space<vmem>>) dst(%dma_wait3A_128 : memref<128x128xf32, #tpu.memory_space<hbm>>)
        tpu.yield
      }) : () -> ()
      %dma_wait3A_114 = tpu.memref_slice %arg19[%mul3A_103] : memref<8192xi32, #tpu.memory_space<vmem>> -> memref<128xi32, #tpu.memory_space<vmem>>
      %dma_wait3A_115 = arith.constant 0 : i32
      %dma_wait3A_116 = arith.constant 0 : i32
      %dma_wait3A_117 = tpu.memref_slice %arg5[%dma_wait3A_115, %dma_wait3A_116] : memref<32768x128xf32, #tpu.memory_space<hbm>> -> memref<32768x128xf32, #tpu.memory_space<hbm>>
      tpu.wait_indirect_dma semaphore(%arg25 : memref<!tpu.dma_semaphore, #tpu.memory_space<semaphore_mem>>) src(%dma_wait3A_117 : memref<32768x128xf32, #tpu.memory_space<hbm>>) dst(%arg23 : memref<128x128xf32, #tpu.memory_space<vmem>>)
      %mul3A_118 = arith.constant 128 : i32
      %mul3A_119 = arith.muli %add3A_96, %mul3A_118 : i32
      %add3A_120 = arith.addi %mul3A_83, %mul3A_119 : i32
      "tpu.region"() ({
        %run_scoped3A = tpu.sem_alloc : memref<!tpu.dma_semaphore, #tpu.memory_space<semaphore_mem>>
        %dma_start3A_121 = arith.constant 0 : i32
        %dma_start3A_122 = tpu.memref_slice %arg7[%add3A_120, %dma_start3A_121] : memref<262144x128xf32, #tpu.memory_space<hbm>> -> memref<128x128xf32, #tpu.memory_space<hbm>>
        %dma_start3A_123 = arith.constant 0 : i32
        %dma_start3A_124 = tpu.memref_slice %arg7[%add3A_120, %dma_start3A_123] : memref<262144x128xf32, #tpu.memory_space<hbm>> -> memref<128x128xf32, #tpu.memory_space<hbm>>
        tpu.enqueue_dma source(%arg23 : memref<128x128xf32, #tpu.memory_space<vmem>>) target(%dma_start3A_124 : memref<128x128xf32, #tpu.memory_space<hbm>>) target_semaphore(%run_scoped3A : memref<!tpu.dma_semaphore, #tpu.memory_space<semaphore_mem>>)
        %dma_wait3A_125 = arith.constant 0 : i32
        %dma_wait3A_126 = tpu.memref_slice %arg7[%add3A_120, %dma_wait3A_125] : memref<262144x128xf32, #tpu.memory_space<hbm>> -> memref<128x128xf32, #tpu.memory_space<hbm>>
        %dma_wait3A_127 = arith.constant 0 : i32
        %dma_wait3A_128 = tpu.memref_slice %arg7[%add3A_120, %dma_wait3A_127] : memref<262144x128xf32, #tpu.memory_space<hbm>> -> memref<128x128xf32, #tpu.memory_space<hbm>>
        tpu.wait_dma2 semaphore(%run_scoped3A : memref<!tpu.dma_semaphore, #tpu.memory_space<semaphore_mem>>) src(%arg23 : memref<128x128xf32, #tpu.memory_space<vmem>>) dst(%dma_wait3A_128 : memref<128x128xf32, #tpu.memory_space<hbm>>)
        tpu.yield
      }) : () -> ()
    }
    %scan3A_89 = arith.constant 32 : i32
    return
  }
}

#map = affine_map<(d0, d1) -> (0)>
#map1 = affine_map<(d0, d1) -> (0, 0)>
module attributes {stable_mosaic.version = 14 : i64} {
  func.func @_sc_centers_body(%arg0: i32, %arg1: i32, %arg2: memref<98304xf32, #tpu.memory_space<hbm>>, %arg3: memref<4096xi32, #tpu.memory_space<hbm>>, %arg4: memref<4096x3xf32, #tpu.memory_space<hbm>>, %arg5: memref<16384xf32, #tpu.memory_space<hbm>>, %arg6: memref<8192xf32, #tpu.memory_space<vmem>>, %arg7: memref<8192xf32, #tpu.memory_space<vmem>>, %arg8: memref<8192xf32, #tpu.memory_space<vmem>>, %arg9: memref<128xi32, #tpu.memory_space<vmem>>, %arg10: memref<128x3xf32, #tpu.memory_space<vmem>>, %arg11: memref<128xf32, #tpu.memory_space<vmem>>, %arg12: memref<128xf32, #tpu.memory_space<vmem>>, %arg13: memref<128xf32, #tpu.memory_space<vmem>>, %arg14: memref<128xf32, #tpu.memory_space<vmem>>) attributes {dimension_semantics = [#tpu.dimension_semantics<core_parallel>, #tpu.dimension_semantics<subcore_parallel>], iteration_bounds = array<i64: 2, 16>, scalar_prefetch = 0 : i64, scratch_operands = 9 : i64, tpu.core_type = #tpu.core_type<sc_vector_subcore>, window_params = [{transform_indices = #map}, {transform_indices = #map}, {transform_indices = #map1}, {transform_indices = #map}]} {
    %mul3A = arith.constant 2 : i32
    %mul3A_0 = arith.muli %arg1, %mul3A : i32
    %add3A = arith.addi %mul3A_0, %arg0 : i32
    %jit3A = arith.constant 8 : i32
    %div3A = arith.divsi %add3A, %jit3A : i32
    %sign3A = arith.constant 0 : i32
    %sign3A_1 = arith.cmpi sgt, %add3A, %sign3A : i32
    %sign3A_2 = arith.extui %sign3A_1 : i1 to i32
    %sign3A_3 = arith.constant 0 : i32
    %sign3A_4 = arith.cmpi slt, %add3A, %sign3A_3 : i32
    %sign3A_5 = arith.extui %sign3A_4 : i1 to i32
    %sign3A_6 = arith.subi %sign3A_2, %sign3A_5 : i32
    %sign3A_7 = arith.constant 0 : i32
    %sign3A_8 = arith.cmpi sgt, %jit3A, %sign3A_7 : i32
    %sign3A_9 = arith.extui %sign3A_8 : i1 to i32
    %sign3A_10 = arith.constant 0 : i32
    %sign3A_11 = arith.cmpi slt, %jit3A, %sign3A_10 : i32
    %sign3A_12 = arith.extui %sign3A_11 : i1 to i32
    %sign3A_13 = arith.subi %sign3A_9, %sign3A_12 : i32
    %ne3A = arith.cmpi ne, %sign3A_6, %sign3A_13 : i32
    %rem3A = arith.remsi %add3A, %jit3A : i32
    %ne3A_14 = arith.constant 0 : i32
    %ne3A_15 = arith.cmpi ne, %rem3A, %ne3A_14 : i32
    %and3A = arith.andi %ne3A, %ne3A_15 : i1
    %sub3A = arith.constant 1 : i32
    %sub3A_16 = arith.subi %div3A, %sub3A : i32
    %select_n3A = arith.select %and3A, %sub3A_16, %div3A : i32
    %jit3A_17 = arith.constant 8 : i32
    %eq3A = arith.constant 0 : i32
    %eq3A_18 = arith.cmpi eq, %jit3A_17, %eq3A : i32
    %jit3A_19 = arith.constant 1 : i32
    %select_n3A_20 = arith.select %eq3A_18, %jit3A_19, %jit3A_17 : i32
    %rem3A_21 = arith.remsi %add3A, %select_n3A_20 : i32
    %ne3A_22 = arith.constant 0 : i32
    %ne3A_23 = arith.cmpi ne, %rem3A_21, %ne3A_22 : i32
    %lt3A = arith.constant 0 : i32
    %lt3A_24 = arith.cmpi slt, %rem3A_21, %lt3A : i32
    %lt3A_25 = arith.constant 0 : i32
    %lt3A_26 = arith.cmpi slt, %select_n3A_20, %lt3A_25 : i32
    %ne3A_27 = arith.xori %lt3A_24, %lt3A_26 : i1
    %and3A_28 = arith.andi %ne3A_27, %ne3A_23 : i1
    %add3A_29 = arith.addi %rem3A_21, %select_n3A_20 : i32
    %select_n3A_30 = arith.select %and3A_28, %add3A_29, %rem3A_21 : i32
    %mul3A_31 = arith.constant 128 : i32
    %mul3A_32 = arith.muli %select_n3A_30, %mul3A_31 : i32
    %mul3A_33 = arith.constant 3 : i32
    %mul3A_34 = arith.muli %select_n3A, %mul3A_33 : i32
    %mul3A_35 = arith.constant 8192 : i32
    %mul3A_36 = arith.muli %mul3A_34, %mul3A_35 : i32
    "tpu.region"() ({
      %run_scoped3A = tpu.sem_alloc : memref<!tpu.dma_semaphore, #tpu.memory_space<semaphore_mem>>
      %dma_start3A = tpu.memref_slice %arg2[%mul3A_36] : memref<98304xf32, #tpu.memory_space<hbm>> -> memref<8192xf32, #tpu.memory_space<hbm>>
      %dma_start3A_643 = tpu.memref_slice %arg2[%mul3A_36] : memref<98304xf32, #tpu.memory_space<hbm>> -> memref<8192xf32, #tpu.memory_space<hbm>>
      tpu.enqueue_dma source(%dma_start3A_643 : memref<8192xf32, #tpu.memory_space<hbm>>) target(%arg6 : memref<8192xf32, #tpu.memory_space<vmem>>) target_semaphore(%run_scoped3A : memref<!tpu.dma_semaphore, #tpu.memory_space<semaphore_mem>>)
      %dma_wait3A = tpu.memref_slice %arg2[%mul3A_36] : memref<98304xf32, #tpu.memory_space<hbm>> -> memref<8192xf32, #tpu.memory_space<hbm>>
      %dma_wait3A_644 = tpu.memref_slice %arg2[%mul3A_36] : memref<98304xf32, #tpu.memory_space<hbm>> -> memref<8192xf32, #tpu.memory_space<hbm>>
      tpu.wait_dma2 semaphore(%run_scoped3A : memref<!tpu.dma_semaphore, #tpu.memory_space<semaphore_mem>>) src(%dma_wait3A_644 : memref<8192xf32, #tpu.memory_space<hbm>>) dst(%arg6 : memref<8192xf32, #tpu.memory_space<vmem>>)
      tpu.yield
    }) : () -> ()
    %mul3A_37 = arith.constant 3 : i32
    %mul3A_38 = arith.muli %select_n3A, %mul3A_37 : i32
    %mul3A_39 = arith.constant 8192 : i32
    %mul3A_40 = arith.muli %mul3A_38, %mul3A_39 : i32
    %add3A_41 = arith.constant 8192 : i32
    %add3A_42 = arith.addi %mul3A_40, %add3A_41 : i32
    "tpu.region"() ({
      %run_scoped3A = tpu.sem_alloc : memref<!tpu.dma_semaphore, #tpu.memory_space<semaphore_mem>>
      %dma_start3A = tpu.memref_slice %arg2[%add3A_42] : memref<98304xf32, #tpu.memory_space<hbm>> -> memref<8192xf32, #tpu.memory_space<hbm>>
      %dma_start3A_643 = tpu.memref_slice %arg2[%add3A_42] : memref<98304xf32, #tpu.memory_space<hbm>> -> memref<8192xf32, #tpu.memory_space<hbm>>
      tpu.enqueue_dma source(%dma_start3A_643 : memref<8192xf32, #tpu.memory_space<hbm>>) target(%arg7 : memref<8192xf32, #tpu.memory_space<vmem>>) target_semaphore(%run_scoped3A : memref<!tpu.dma_semaphore, #tpu.memory_space<semaphore_mem>>)
      %dma_wait3A = tpu.memref_slice %arg2[%add3A_42] : memref<98304xf32, #tpu.memory_space<hbm>> -> memref<8192xf32, #tpu.memory_space<hbm>>
      %dma_wait3A_644 = tpu.memref_slice %arg2[%add3A_42] : memref<98304xf32, #tpu.memory_space<hbm>> -> memref<8192xf32, #tpu.memory_space<hbm>>
      tpu.wait_dma2 semaphore(%run_scoped3A : memref<!tpu.dma_semaphore, #tpu.memory_space<semaphore_mem>>) src(%dma_wait3A_644 : memref<8192xf32, #tpu.memory_space<hbm>>) dst(%arg7 : memref<8192xf32, #tpu.memory_space<vmem>>)
      tpu.yield
    }) : () -> ()
    %mul3A_43 = arith.constant 3 : i32
    %mul3A_44 = arith.muli %select_n3A, %mul3A_43 : i32
    %mul3A_45 = arith.constant 8192 : i32
    %mul3A_46 = arith.muli %mul3A_44, %mul3A_45 : i32
    %add3A_47 = arith.constant 16384 : i32
    %add3A_48 = arith.addi %mul3A_46, %add3A_47 : i32
    "tpu.region"() ({
      %run_scoped3A = tpu.sem_alloc : memref<!tpu.dma_semaphore, #tpu.memory_space<semaphore_mem>>
      %dma_start3A = tpu.memref_slice %arg2[%add3A_48] : memref<98304xf32, #tpu.memory_space<hbm>> -> memref<8192xf32, #tpu.memory_space<hbm>>
      %dma_start3A_643 = tpu.memref_slice %arg2[%add3A_48] : memref<98304xf32, #tpu.memory_space<hbm>> -> memref<8192xf32, #tpu.memory_space<hbm>>
      tpu.enqueue_dma source(%dma_start3A_643 : memref<8192xf32, #tpu.memory_space<hbm>>) target(%arg8 : memref<8192xf32, #tpu.memory_space<vmem>>) target_semaphore(%run_scoped3A : memref<!tpu.dma_semaphore, #tpu.memory_space<semaphore_mem>>)
      %dma_wait3A = tpu.memref_slice %arg2[%add3A_48] : memref<98304xf32, #tpu.memory_space<hbm>> -> memref<8192xf32, #tpu.memory_space<hbm>>
      %dma_wait3A_644 = tpu.memref_slice %arg2[%add3A_48] : memref<98304xf32, #tpu.memory_space<hbm>> -> memref<8192xf32, #tpu.memory_space<hbm>>
      tpu.wait_dma2 semaphore(%run_scoped3A : memref<!tpu.dma_semaphore, #tpu.memory_space<semaphore_mem>>) src(%dma_wait3A_644 : memref<8192xf32, #tpu.memory_space<hbm>>) dst(%arg8 : memref<8192xf32, #tpu.memory_space<vmem>>)
      tpu.yield
    }) : () -> ()
    %mul3A_49 = arith.constant 1024 : i32
    %mul3A_50 = arith.muli %select_n3A, %mul3A_49 : i32
    %add3A_51 = arith.addi %mul3A_50, %mul3A_32 : i32
    "tpu.region"() ({
      %run_scoped3A = tpu.sem_alloc : memref<!tpu.dma_semaphore, #tpu.memory_space<semaphore_mem>>
      %dma_start3A = tpu.memref_slice %arg3[%add3A_51] : memref<4096xi32, #tpu.memory_space<hbm>> -> memref<128xi32, #tpu.memory_space<hbm>>
      %dma_start3A_643 = tpu.memref_slice %arg3[%add3A_51] : memref<4096xi32, #tpu.memory_space<hbm>> -> memref<128xi32, #tpu.memory_space<hbm>>
      tpu.enqueue_dma source(%dma_start3A_643 : memref<128xi32, #tpu.memory_space<hbm>>) target(%arg9 : memref<128xi32, #tpu.memory_space<vmem>>) target_semaphore(%run_scoped3A : memref<!tpu.dma_semaphore, #tpu.memory_space<semaphore_mem>>)
      %dma_wait3A = tpu.memref_slice %arg3[%add3A_51] : memref<4096xi32, #tpu.memory_space<hbm>> -> memref<128xi32, #tpu.memory_space<hbm>>
      %dma_wait3A_644 = tpu.memref_slice %arg3[%add3A_51] : memref<4096xi32, #tpu.memory_space<hbm>> -> memref<128xi32, #tpu.memory_space<hbm>>
      tpu.wait_dma2 semaphore(%run_scoped3A : memref<!tpu.dma_semaphore, #tpu.memory_space<semaphore_mem>>) src(%dma_wait3A_644 : memref<128xi32, #tpu.memory_space<hbm>>) dst(%arg9 : memref<128xi32, #tpu.memory_space<vmem>>)
      tpu.yield
    }) : () -> ()
    %iota3A = tpu.iota {dimensions = array<i32: 0>} : vector<16xi32>
    %get3A = arith.constant 0 : index
    %get3A_52 = tpu.vector_load %arg9[%get3A] {strides = array<i32>} : memref<128xi32, #tpu.memory_space<vmem>>, vector<16xi32>,
    %gather3A = tpu.vector_load_idx %arg6[%get3A_52] : memref<8192xf32, #tpu.memory_space<vmem>>[vector<16xi32>], vector<16xf32>,
    %gather3A_53 = tpu.vector_load_idx %arg7[%get3A_52] : memref<8192xf32, #tpu.memory_space<vmem>>[vector<16xi32>], vector<16xf32>,
    %gather3A_54 = tpu.vector_load_idx %arg8[%get3A_52] : memref<8192xf32, #tpu.memory_space<vmem>>[vector<16xi32>], vector<16xf32>,
    %add3A_55 = arith.constant 0 : i32
    %add3A_56 = vector.broadcast %add3A_55 : i32 to vector<16xi32>
    %add3A_57 = arith.addi %iota3A, %add3A_56 : vector<16xi32>
    %broadcast_in_dim3A = arith.constant 0 : i32
    %broadcast_in_dim3A_58 = vector.broadcast %broadcast_in_dim3A : i32 to vector<16xi32>
    tpu.vector_store_idx %arg10[%add3A_57, %broadcast_in_dim3A_58], %gather3A : memref<128x3xf32, #tpu.memory_space<vmem>>[vector<16xi32>, vector<16xi32>], vector<16xf32>,
    %broadcast_in_dim3A_59 = arith.constant 1 : i32
    %broadcast_in_dim3A_60 = vector.broadcast %broadcast_in_dim3A_59 : i32 to vector<16xi32>
    tpu.vector_store_idx %arg10[%add3A_57, %broadcast_in_dim3A_60], %gather3A_53 : memref<128x3xf32, #tpu.memory_space<vmem>>[vector<16xi32>, vector<16xi32>], vector<16xf32>,
    %broadcast_in_dim3A_61 = arith.constant 2 : i32
    %broadcast_in_dim3A_62 = vector.broadcast %broadcast_in_dim3A_61 : i32 to vector<16xi32>
    tpu.vector_store_idx %arg10[%add3A_57, %broadcast_in_dim3A_62], %gather3A_54 : memref<128x3xf32, #tpu.memory_space<vmem>>[vector<16xi32>, vector<16xi32>], vector<16xf32>,
    %bitcast3A = vector.bitcast %gather3A : vector<16xf32> to vector<16xi32>
    %add3A_63 = arith.constant 32767 : i32
    %add3A_64 = vector.broadcast %add3A_63 : i32 to vector<16xi32>
    %add3A_65 = arith.addi %bitcast3A, %add3A_64 : vector<16xi32>
    %shift_right_logical3A = arith.constant 16 : i32
    %shift_right_logical3A_66 = vector.broadcast %shift_right_logical3A : i32 to vector<16xi32>
    %shift_right_logical3A_67 = arith.shrui %bitcast3A, %shift_right_logical3A_66 : vector<16xi32>
    %and3A_68 = arith.constant 1 : i32
    %and3A_69 = vector.broadcast %and3A_68 : i32 to vector<16xi32>
    %and3A_70 = arith.andi %shift_right_logical3A_67, %and3A_69 : vector<16xi32>
    %add3A_71 = arith.addi %add3A_65, %and3A_70 : vector<16xi32>
    %and3A_72 = arith.constant -65536 : i32
    %and3A_73 = vector.broadcast %and3A_72 : i32 to vector<16xi32>
    %and3A_74 = arith.andi %add3A_71, %and3A_73 : vector<16xi32>
    %bitcast3A_75 = vector.bitcast %and3A_74 : vector<16xi32> to vector<16xf32>
    %swap3A = arith.constant 0 : index
    %swap3A_76 = tpu.vector_load %arg11[%swap3A] {strides = array<i32>} : memref<128xf32, #tpu.memory_space<vmem>>, vector<16xf32>,
    tpu.vector_store %arg11[%swap3A], %bitcast3A_75 {strides = array<i32>} : memref<128xf32, #tpu.memory_space<vmem>>, vector<16xf32>,
    %bitcast3A_77 = vector.bitcast %gather3A_53 : vector<16xf32> to vector<16xi32>
    %add3A_78 = arith.constant 32767 : i32
    %add3A_79 = vector.broadcast %add3A_78 : i32 to vector<16xi32>
    %add3A_80 = arith.addi %bitcast3A_77, %add3A_79 : vector<16xi32>
    %shift_right_logical3A_81 = arith.constant 16 : i32
    %shift_right_logical3A_82 = vector.broadcast %shift_right_logical3A_81 : i32 to vector<16xi32>
    %shift_right_logical3A_83 = arith.shrui %bitcast3A_77, %shift_right_logical3A_82 : vector<16xi32>
    %and3A_84 = arith.constant 1 : i32
    %and3A_85 = vector.broadcast %and3A_84 : i32 to vector<16xi32>
    %and3A_86 = arith.andi %shift_right_logical3A_83, %and3A_85 : vector<16xi32>
    %add3A_87 = arith.addi %add3A_80, %and3A_86 : vector<16xi32>
    %and3A_88 = arith.constant -65536 : i32
    %and3A_89 = vector.broadcast %and3A_88 : i32 to vector<16xi32>
    %and3A_90 = arith.andi %add3A_87, %and3A_89 : vector<16xi32>
    %bitcast3A_91 = vector.bitcast %and3A_90 : vector<16xi32> to vector<16xf32>
    %swap3A_92 = arith.constant 0 : index
    %swap3A_93 = tpu.vector_load %arg12[%swap3A_92] {strides = array<i32>} : memref<128xf32, #tpu.memory_space<vmem>>, vector<16xf32>,
    tpu.vector_store %arg12[%swap3A_92], %bitcast3A_91 {strides = array<i32>} : memref<128xf32, #tpu.memory_space<vmem>>, vector<16xf32>,
    %bitcast3A_94 = vector.bitcast %gather3A_54 : vector<16xf32> to vector<16xi32>
    %add3A_95 = arith.constant 32767 : i32
    %add3A_96 = vector.broadcast %add3A_95 : i32 to vector<16xi32>
    %add3A_97 = arith.addi %bitcast3A_94, %add3A_96 : vector<16xi32>
    %shift_right_logical3A_98 = arith.constant 16 : i32
    %shift_right_logical3A_99 = vector.broadcast %shift_right_logical3A_98 : i32 to vector<16xi32>
    %shift_right_logical3A_100 = arith.shrui %bitcast3A_94, %shift_right_logical3A_99 : vector<16xi32>
    %and3A_101 = arith.constant 1 : i32
    %and3A_102 = vector.broadcast %and3A_101 : i32 to vector<16xi32>
    %and3A_103 = arith.andi %shift_right_logical3A_100, %and3A_102 : vector<16xi32>
    %add3A_104 = arith.addi %add3A_97, %and3A_103 : vector<16xi32>
    %and3A_105 = arith.constant -65536 : i32
    %and3A_106 = vector.broadcast %and3A_105 : i32 to vector<16xi32>
    %and3A_107 = arith.andi %add3A_104, %and3A_106 : vector<16xi32>
    %bitcast3A_108 = vector.bitcast %and3A_107 : vector<16xi32> to vector<16xf32>
    %swap3A_109 = arith.constant 0 : index
    %swap3A_110 = tpu.vector_load %arg13[%swap3A_109] {strides = array<i32>} : memref<128xf32, #tpu.memory_space<vmem>>, vector<16xf32>,
    tpu.vector_store %arg13[%swap3A_109], %bitcast3A_108 {strides = array<i32>} : memref<128xf32, #tpu.memory_space<vmem>>, vector<16xf32>,
    %mul3A_111 = arith.mulf %gather3A, %gather3A : vector<16xf32>
    %mul3A_112 = arith.mulf %gather3A_53, %gather3A_53 : vector<16xf32>
    %add3A_113 = arith.addf %mul3A_111, %mul3A_112 : vector<16xf32>
    %mul3A_114 = arith.mulf %gather3A_54, %gather3A_54 : vector<16xf32>
    %add3A_115 = arith.addf %add3A_113, %mul3A_114 : vector<16xf32>
    %swap3A_116 = arith.constant 0 : index
    %swap3A_117 = tpu.vector_load %arg14[%swap3A_116] {strides = array<i32>} : memref<128xf32, #tpu.memory_space<vmem>>, vector<16xf32>,
    tpu.vector_store %arg14[%swap3A_116], %add3A_115 {strides = array<i32>} : memref<128xf32, #tpu.memory_space<vmem>>, vector<16xf32>,
    %get3A_118 = arith.constant 16 : index
    %get3A_119 = tpu.vector_load %arg9[%get3A_118] {strides = array<i32>} : memref<128xi32, #tpu.memory_space<vmem>>, vector<16xi32>,
    %gather3A_120 = tpu.vector_load_idx %arg6[%get3A_119] : memref<8192xf32, #tpu.memory_space<vmem>>[vector<16xi32>], vector<16xf32>,
    %gather3A_121 = tpu.vector_load_idx %arg7[%get3A_119] : memref<8192xf32, #tpu.memory_space<vmem>>[vector<16xi32>], vector<16xf32>,
    %gather3A_122 = tpu.vector_load_idx %arg8[%get3A_119] : memref<8192xf32, #tpu.memory_space<vmem>>[vector<16xi32>], vector<16xf32>,
    %add3A_123 = arith.constant 16 : i32
    %add3A_124 = vector.broadcast %add3A_123 : i32 to vector<16xi32>
    %add3A_125 = arith.addi %iota3A, %add3A_124 : vector<16xi32>
    %broadcast_in_dim3A_126 = arith.constant 0 : i32
    %broadcast_in_dim3A_127 = vector.broadcast %broadcast_in_dim3A_126 : i32 to vector<16xi32>
    tpu.vector_store_idx %arg10[%add3A_125, %broadcast_in_dim3A_127], %gather3A_120 : memref<128x3xf32, #tpu.memory_space<vmem>>[vector<16xi32>, vector<16xi32>], vector<16xf32>,
    %broadcast_in_dim3A_128 = arith.constant 1 : i32
    %broadcast_in_dim3A_129 = vector.broadcast %broadcast_in_dim3A_128 : i32 to vector<16xi32>
    tpu.vector_store_idx %arg10[%add3A_125, %broadcast_in_dim3A_129], %gather3A_121 : memref<128x3xf32, #tpu.memory_space<vmem>>[vector<16xi32>, vector<16xi32>], vector<16xf32>,
    %broadcast_in_dim3A_130 = arith.constant 2 : i32
    %broadcast_in_dim3A_131 = vector.broadcast %broadcast_in_dim3A_130 : i32 to vector<16xi32>
    tpu.vector_store_idx %arg10[%add3A_125, %broadcast_in_dim3A_131], %gather3A_122 : memref<128x3xf32, #tpu.memory_space<vmem>>[vector<16xi32>, vector<16xi32>], vector<16xf32>,
    %bitcast3A_132 = vector.bitcast %gather3A_120 : vector<16xf32> to vector<16xi32>
    %add3A_133 = arith.constant 32767 : i32
    %add3A_134 = vector.broadcast %add3A_133 : i32 to vector<16xi32>
    %add3A_135 = arith.addi %bitcast3A_132, %add3A_134 : vector<16xi32>
    %shift_right_logical3A_136 = arith.constant 16 : i32
    %shift_right_logical3A_137 = vector.broadcast %shift_right_logical3A_136 : i32 to vector<16xi32>
    %shift_right_logical3A_138 = arith.shrui %bitcast3A_132, %shift_right_logical3A_137 : vector<16xi32>
    %and3A_139 = arith.constant 1 : i32
    %and3A_140 = vector.broadcast %and3A_139 : i32 to vector<16xi32>
    %and3A_141 = arith.andi %shift_right_logical3A_138, %and3A_140 : vector<16xi32>
    %add3A_142 = arith.addi %add3A_135, %and3A_141 : vector<16xi32>
    %and3A_143 = arith.constant -65536 : i32
    %and3A_144 = vector.broadcast %and3A_143 : i32 to vector<16xi32>
    %and3A_145 = arith.andi %add3A_142, %and3A_144 : vector<16xi32>
    %bitcast3A_146 = vector.bitcast %and3A_145 : vector<16xi32> to vector<16xf32>
    %swap3A_147 = arith.constant 16 : index
    %swap3A_148 = tpu.vector_load %arg11[%swap3A_147] {strides = array<i32>} : memref<128xf32, #tpu.memory_space<vmem>>, vector<16xf32>,
    tpu.vector_store %arg11[%swap3A_147], %bitcast3A_146 {strides = array<i32>} : memref<128xf32, #tpu.memory_space<vmem>>, vector<16xf32>,
    %bitcast3A_149 = vector.bitcast %gather3A_121 : vector<16xf32> to vector<16xi32>
    %add3A_150 = arith.constant 32767 : i32
    %add3A_151 = vector.broadcast %add3A_150 : i32 to vector<16xi32>
    %add3A_152 = arith.addi %bitcast3A_149, %add3A_151 : vector<16xi32>
    %shift_right_logical3A_153 = arith.constant 16 : i32
    %shift_right_logical3A_154 = vector.broadcast %shift_right_logical3A_153 : i32 to vector<16xi32>
    %shift_right_logical3A_155 = arith.shrui %bitcast3A_149, %shift_right_logical3A_154 : vector<16xi32>
    %and3A_156 = arith.constant 1 : i32
    %and3A_157 = vector.broadcast %and3A_156 : i32 to vector<16xi32>
    %and3A_158 = arith.andi %shift_right_logical3A_155, %and3A_157 : vector<16xi32>
    %add3A_159 = arith.addi %add3A_152, %and3A_158 : vector<16xi32>
    %and3A_160 = arith.constant -65536 : i32
    %and3A_161 = vector.broadcast %and3A_160 : i32 to vector<16xi32>
    %and3A_162 = arith.andi %add3A_159, %and3A_161 : vector<16xi32>
    %bitcast3A_163 = vector.bitcast %and3A_162 : vector<16xi32> to vector<16xf32>
    %swap3A_164 = arith.constant 16 : index
    %swap3A_165 = tpu.vector_load %arg12[%swap3A_164] {strides = array<i32>} : memref<128xf32, #tpu.memory_space<vmem>>, vector<16xf32>,
    tpu.vector_store %arg12[%swap3A_164], %bitcast3A_163 {strides = array<i32>} : memref<128xf32, #tpu.memory_space<vmem>>, vector<16xf32>,
    %bitcast3A_166 = vector.bitcast %gather3A_122 : vector<16xf32> to vector<16xi32>
    %add3A_167 = arith.constant 32767 : i32
    %add3A_168 = vector.broadcast %add3A_167 : i32 to vector<16xi32>
    %add3A_169 = arith.addi %bitcast3A_166, %add3A_168 : vector<16xi32>
    %shift_right_logical3A_170 = arith.constant 16 : i32
    %shift_right_logical3A_171 = vector.broadcast %shift_right_logical3A_170 : i32 to vector<16xi32>
    %shift_right_logical3A_172 = arith.shrui %bitcast3A_166, %shift_right_logical3A_171 : vector<16xi32>
    %and3A_173 = arith.constant 1 : i32
    %and3A_174 = vector.broadcast %and3A_173 : i32 to vector<16xi32>
    %and3A_175 = arith.andi %shift_right_logical3A_172, %and3A_174 : vector<16xi32>
    %add3A_176 = arith.addi %add3A_169, %and3A_175 : vector<16xi32>
    %and3A_177 = arith.constant -65536 : i32
    %and3A_178 = vector.broadcast %and3A_177 : i32 to vector<16xi32>
    %and3A_179 = arith.andi %add3A_176, %and3A_178 : vector<16xi32>
    %bitcast3A_180 = vector.bitcast %and3A_179 : vector<16xi32> to vector<16xf32>
    %swap3A_181 = arith.constant 16 : index
    %swap3A_182 = tpu.vector_load %arg13[%swap3A_181] {strides = array<i32>} : memref<128xf32, #tpu.memory_space<vmem>>, vector<16xf32>,
    tpu.vector_store %arg13[%swap3A_181], %bitcast3A_180 {strides = array<i32>} : memref<128xf32, #tpu.memory_space<vmem>>, vector<16xf32>,
    %mul3A_183 = arith.mulf %gather3A_120, %gather3A_120 : vector<16xf32>
    %mul3A_184 = arith.mulf %gather3A_121, %gather3A_121 : vector<16xf32>
    %add3A_185 = arith.addf %mul3A_183, %mul3A_184 : vector<16xf32>
    %mul3A_186 = arith.mulf %gather3A_122, %gather3A_122 : vector<16xf32>
    %add3A_187 = arith.addf %add3A_185, %mul3A_186 : vector<16xf32>
    %swap3A_188 = arith.constant 16 : index
    %swap3A_189 = tpu.vector_load %arg14[%swap3A_188] {strides = array<i32>} : memref<128xf32, #tpu.memory_space<vmem>>, vector<16xf32>,
    tpu.vector_store %arg14[%swap3A_188], %add3A_187 {strides = array<i32>} : memref<128xf32, #tpu.memory_space<vmem>>, vector<16xf32>,
    %get3A_190 = arith.constant 32 : index
    %get3A_191 = tpu.vector_load %arg9[%get3A_190] {strides = array<i32>} : memref<128xi32, #tpu.memory_space<vmem>>, vector<16xi32>,
    %gather3A_192 = tpu.vector_load_idx %arg6[%get3A_191] : memref<8192xf32, #tpu.memory_space<vmem>>[vector<16xi32>], vector<16xf32>,
    %gather3A_193 = tpu.vector_load_idx %arg7[%get3A_191] : memref<8192xf32, #tpu.memory_space<vmem>>[vector<16xi32>], vector<16xf32>,
    %gather3A_194 = tpu.vector_load_idx %arg8[%get3A_191] : memref<8192xf32, #tpu.memory_space<vmem>>[vector<16xi32>], vector<16xf32>,
    %add3A_195 = arith.constant 32 : i32
    %add3A_196 = vector.broadcast %add3A_195 : i32 to vector<16xi32>
    %add3A_197 = arith.addi %iota3A, %add3A_196 : vector<16xi32>
    %broadcast_in_dim3A_198 = arith.constant 0 : i32
    %broadcast_in_dim3A_199 = vector.broadcast %broadcast_in_dim3A_198 : i32 to vector<16xi32>
    tpu.vector_store_idx %arg10[%add3A_197, %broadcast_in_dim3A_199], %gather3A_192 : memref<128x3xf32, #tpu.memory_space<vmem>>[vector<16xi32>, vector<16xi32>], vector<16xf32>,
    %broadcast_in_dim3A_200 = arith.constant 1 : i32
    %broadcast_in_dim3A_201 = vector.broadcast %broadcast_in_dim3A_200 : i32 to vector<16xi32>
    tpu.vector_store_idx %arg10[%add3A_197, %broadcast_in_dim3A_201], %gather3A_193 : memref<128x3xf32, #tpu.memory_space<vmem>>[vector<16xi32>, vector<16xi32>], vector<16xf32>,
    %broadcast_in_dim3A_202 = arith.constant 2 : i32
    %broadcast_in_dim3A_203 = vector.broadcast %broadcast_in_dim3A_202 : i32 to vector<16xi32>
    tpu.vector_store_idx %arg10[%add3A_197, %broadcast_in_dim3A_203], %gather3A_194 : memref<128x3xf32, #tpu.memory_space<vmem>>[vector<16xi32>, vector<16xi32>], vector<16xf32>,
    %bitcast3A_204 = vector.bitcast %gather3A_192 : vector<16xf32> to vector<16xi32>
    %add3A_205 = arith.constant 32767 : i32
    %add3A_206 = vector.broadcast %add3A_205 : i32 to vector<16xi32>
    %add3A_207 = arith.addi %bitcast3A_204, %add3A_206 : vector<16xi32>
    %shift_right_logical3A_208 = arith.constant 16 : i32
    %shift_right_logical3A_209 = vector.broadcast %shift_right_logical3A_208 : i32 to vector<16xi32>
    %shift_right_logical3A_210 = arith.shrui %bitcast3A_204, %shift_right_logical3A_209 : vector<16xi32>
    %and3A_211 = arith.constant 1 : i32
    %and3A_212 = vector.broadcast %and3A_211 : i32 to vector<16xi32>
    %and3A_213 = arith.andi %shift_right_logical3A_210, %and3A_212 : vector<16xi32>
    %add3A_214 = arith.addi %add3A_207, %and3A_213 : vector<16xi32>
    %and3A_215 = arith.constant -65536 : i32
    %and3A_216 = vector.broadcast %and3A_215 : i32 to vector<16xi32>
    %and3A_217 = arith.andi %add3A_214, %and3A_216 : vector<16xi32>
    %bitcast3A_218 = vector.bitcast %and3A_217 : vector<16xi32> to vector<16xf32>
    %swap3A_219 = arith.constant 32 : index
    %swap3A_220 = tpu.vector_load %arg11[%swap3A_219] {strides = array<i32>} : memref<128xf32, #tpu.memory_space<vmem>>, vector<16xf32>,
    tpu.vector_store %arg11[%swap3A_219], %bitcast3A_218 {strides = array<i32>} : memref<128xf32, #tpu.memory_space<vmem>>, vector<16xf32>,
    %bitcast3A_221 = vector.bitcast %gather3A_193 : vector<16xf32> to vector<16xi32>
    %add3A_222 = arith.constant 32767 : i32
    %add3A_223 = vector.broadcast %add3A_222 : i32 to vector<16xi32>
    %add3A_224 = arith.addi %bitcast3A_221, %add3A_223 : vector<16xi32>
    %shift_right_logical3A_225 = arith.constant 16 : i32
    %shift_right_logical3A_226 = vector.broadcast %shift_right_logical3A_225 : i32 to vector<16xi32>
    %shift_right_logical3A_227 = arith.shrui %bitcast3A_221, %shift_right_logical3A_226 : vector<16xi32>
    %and3A_228 = arith.constant 1 : i32
    %and3A_229 = vector.broadcast %and3A_228 : i32 to vector<16xi32>
    %and3A_230 = arith.andi %shift_right_logical3A_227, %and3A_229 : vector<16xi32>
    %add3A_231 = arith.addi %add3A_224, %and3A_230 : vector<16xi32>
    %and3A_232 = arith.constant -65536 : i32
    %and3A_233 = vector.broadcast %and3A_232 : i32 to vector<16xi32>
    %and3A_234 = arith.andi %add3A_231, %and3A_233 : vector<16xi32>
    %bitcast3A_235 = vector.bitcast %and3A_234 : vector<16xi32> to vector<16xf32>
    %swap3A_236 = arith.constant 32 : index
    %swap3A_237 = tpu.vector_load %arg12[%swap3A_236] {strides = array<i32>} : memref<128xf32, #tpu.memory_space<vmem>>, vector<16xf32>,
    tpu.vector_store %arg12[%swap3A_236], %bitcast3A_235 {strides = array<i32>} : memref<128xf32, #tpu.memory_space<vmem>>, vector<16xf32>,
    %bitcast3A_238 = vector.bitcast %gather3A_194 : vector<16xf32> to vector<16xi32>
    %add3A_239 = arith.constant 32767 : i32
    %add3A_240 = vector.broadcast %add3A_239 : i32 to vector<16xi32>
    %add3A_241 = arith.addi %bitcast3A_238, %add3A_240 : vector<16xi32>
    %shift_right_logical3A_242 = arith.constant 16 : i32
    %shift_right_logical3A_243 = vector.broadcast %shift_right_logical3A_242 : i32 to vector<16xi32>
    %shift_right_logical3A_244 = arith.shrui %bitcast3A_238, %shift_right_logical3A_243 : vector<16xi32>
    %and3A_245 = arith.constant 1 : i32
    %and3A_246 = vector.broadcast %and3A_245 : i32 to vector<16xi32>
    %and3A_247 = arith.andi %shift_right_logical3A_244, %and3A_246 : vector<16xi32>
    %add3A_248 = arith.addi %add3A_241, %and3A_247 : vector<16xi32>
    %and3A_249 = arith.constant -65536 : i32
    %and3A_250 = vector.broadcast %and3A_249 : i32 to vector<16xi32>
    %and3A_251 = arith.andi %add3A_248, %and3A_250 : vector<16xi32>
    %bitcast3A_252 = vector.bitcast %and3A_251 : vector<16xi32> to vector<16xf32>
    %swap3A_253 = arith.constant 32 : index
    %swap3A_254 = tpu.vector_load %arg13[%swap3A_253] {strides = array<i32>} : memref<128xf32, #tpu.memory_space<vmem>>, vector<16xf32>,
    tpu.vector_store %arg13[%swap3A_253], %bitcast3A_252 {strides = array<i32>} : memref<128xf32, #tpu.memory_space<vmem>>, vector<16xf32>,
    %mul3A_255 = arith.mulf %gather3A_192, %gather3A_192 : vector<16xf32>
    %mul3A_256 = arith.mulf %gather3A_193, %gather3A_193 : vector<16xf32>
    %add3A_257 = arith.addf %mul3A_255, %mul3A_256 : vector<16xf32>
    %mul3A_258 = arith.mulf %gather3A_194, %gather3A_194 : vector<16xf32>
    %add3A_259 = arith.addf %add3A_257, %mul3A_258 : vector<16xf32>
    %swap3A_260 = arith.constant 32 : index
    %swap3A_261 = tpu.vector_load %arg14[%swap3A_260] {strides = array<i32>} : memref<128xf32, #tpu.memory_space<vmem>>, vector<16xf32>,
    tpu.vector_store %arg14[%swap3A_260], %add3A_259 {strides = array<i32>} : memref<128xf32, #tpu.memory_space<vmem>>, vector<16xf32>,
    %get3A_262 = arith.constant 48 : index
    %get3A_263 = tpu.vector_load %arg9[%get3A_262] {strides = array<i32>} : memref<128xi32, #tpu.memory_space<vmem>>, vector<16xi32>,
    %gather3A_264 = tpu.vector_load_idx %arg6[%get3A_263] : memref<8192xf32, #tpu.memory_space<vmem>>[vector<16xi32>], vector<16xf32>,
    %gather3A_265 = tpu.vector_load_idx %arg7[%get3A_263] : memref<8192xf32, #tpu.memory_space<vmem>>[vector<16xi32>], vector<16xf32>,
    %gather3A_266 = tpu.vector_load_idx %arg8[%get3A_263] : memref<8192xf32, #tpu.memory_space<vmem>>[vector<16xi32>], vector<16xf32>,
    %add3A_267 = arith.constant 48 : i32
    %add3A_268 = vector.broadcast %add3A_267 : i32 to vector<16xi32>
    %add3A_269 = arith.addi %iota3A, %add3A_268 : vector<16xi32>
    %broadcast_in_dim3A_270 = arith.constant 0 : i32
    %broadcast_in_dim3A_271 = vector.broadcast %broadcast_in_dim3A_270 : i32 to vector<16xi32>
    tpu.vector_store_idx %arg10[%add3A_269, %broadcast_in_dim3A_271], %gather3A_264 : memref<128x3xf32, #tpu.memory_space<vmem>>[vector<16xi32>, vector<16xi32>], vector<16xf32>,
    %broadcast_in_dim3A_272 = arith.constant 1 : i32
    %broadcast_in_dim3A_273 = vector.broadcast %broadcast_in_dim3A_272 : i32 to vector<16xi32>
    tpu.vector_store_idx %arg10[%add3A_269, %broadcast_in_dim3A_273], %gather3A_265 : memref<128x3xf32, #tpu.memory_space<vmem>>[vector<16xi32>, vector<16xi32>], vector<16xf32>,
    %broadcast_in_dim3A_274 = arith.constant 2 : i32
    %broadcast_in_dim3A_275 = vector.broadcast %broadcast_in_dim3A_274 : i32 to vector<16xi32>
    tpu.vector_store_idx %arg10[%add3A_269, %broadcast_in_dim3A_275], %gather3A_266 : memref<128x3xf32, #tpu.memory_space<vmem>>[vector<16xi32>, vector<16xi32>], vector<16xf32>,
    %bitcast3A_276 = vector.bitcast %gather3A_264 : vector<16xf32> to vector<16xi32>
    %add3A_277 = arith.constant 32767 : i32
    %add3A_278 = vector.broadcast %add3A_277 : i32 to vector<16xi32>
    %add3A_279 = arith.addi %bitcast3A_276, %add3A_278 : vector<16xi32>
    %shift_right_logical3A_280 = arith.constant 16 : i32
    %shift_right_logical3A_281 = vector.broadcast %shift_right_logical3A_280 : i32 to vector<16xi32>
    %shift_right_logical3A_282 = arith.shrui %bitcast3A_276, %shift_right_logical3A_281 : vector<16xi32>
    %and3A_283 = arith.constant 1 : i32
    %and3A_284 = vector.broadcast %and3A_283 : i32 to vector<16xi32>
    %and3A_285 = arith.andi %shift_right_logical3A_282, %and3A_284 : vector<16xi32>
    %add3A_286 = arith.addi %add3A_279, %and3A_285 : vector<16xi32>
    %and3A_287 = arith.constant -65536 : i32
    %and3A_288 = vector.broadcast %and3A_287 : i32 to vector<16xi32>
    %and3A_289 = arith.andi %add3A_286, %and3A_288 : vector<16xi32>
    %bitcast3A_290 = vector.bitcast %and3A_289 : vector<16xi32> to vector<16xf32>
    %swap3A_291 = arith.constant 48 : index
    %swap3A_292 = tpu.vector_load %arg11[%swap3A_291] {strides = array<i32>} : memref<128xf32, #tpu.memory_space<vmem>>, vector<16xf32>,
    tpu.vector_store %arg11[%swap3A_291], %bitcast3A_290 {strides = array<i32>} : memref<128xf32, #tpu.memory_space<vmem>>, vector<16xf32>,
    %bitcast3A_293 = vector.bitcast %gather3A_265 : vector<16xf32> to vector<16xi32>
    %add3A_294 = arith.constant 32767 : i32
    %add3A_295 = vector.broadcast %add3A_294 : i32 to vector<16xi32>
    %add3A_296 = arith.addi %bitcast3A_293, %add3A_295 : vector<16xi32>
    %shift_right_logical3A_297 = arith.constant 16 : i32
    %shift_right_logical3A_298 = vector.broadcast %shift_right_logical3A_297 : i32 to vector<16xi32>
    %shift_right_logical3A_299 = arith.shrui %bitcast3A_293, %shift_right_logical3A_298 : vector<16xi32>
    %and3A_300 = arith.constant 1 : i32
    %and3A_301 = vector.broadcast %and3A_300 : i32 to vector<16xi32>
    %and3A_302 = arith.andi %shift_right_logical3A_299, %and3A_301 : vector<16xi32>
    %add3A_303 = arith.addi %add3A_296, %and3A_302 : vector<16xi32>
    %and3A_304 = arith.constant -65536 : i32
    %and3A_305 = vector.broadcast %and3A_304 : i32 to vector<16xi32>
    %and3A_306 = arith.andi %add3A_303, %and3A_305 : vector<16xi32>
    %bitcast3A_307 = vector.bitcast %and3A_306 : vector<16xi32> to vector<16xf32>
    %swap3A_308 = arith.constant 48 : index
    %swap3A_309 = tpu.vector_load %arg12[%swap3A_308] {strides = array<i32>} : memref<128xf32, #tpu.memory_space<vmem>>, vector<16xf32>,
    tpu.vector_store %arg12[%swap3A_308], %bitcast3A_307 {strides = array<i32>} : memref<128xf32, #tpu.memory_space<vmem>>, vector<16xf32>,
    %bitcast3A_310 = vector.bitcast %gather3A_266 : vector<16xf32> to vector<16xi32>
    %add3A_311 = arith.constant 32767 : i32
    %add3A_312 = vector.broadcast %add3A_311 : i32 to vector<16xi32>
    %add3A_313 = arith.addi %bitcast3A_310, %add3A_312 : vector<16xi32>
    %shift_right_logical3A_314 = arith.constant 16 : i32
    %shift_right_logical3A_315 = vector.broadcast %shift_right_logical3A_314 : i32 to vector<16xi32>
    %shift_right_logical3A_316 = arith.shrui %bitcast3A_310, %shift_right_logical3A_315 : vector<16xi32>
    %and3A_317 = arith.constant 1 : i32
    %and3A_318 = vector.broadcast %and3A_317 : i32 to vector<16xi32>
    %and3A_319 = arith.andi %shift_right_logical3A_316, %and3A_318 : vector<16xi32>
    %add3A_320 = arith.addi %add3A_313, %and3A_319 : vector<16xi32>
    %and3A_321 = arith.constant -65536 : i32
    %and3A_322 = vector.broadcast %and3A_321 : i32 to vector<16xi32>
    %and3A_323 = arith.andi %add3A_320, %and3A_322 : vector<16xi32>
    %bitcast3A_324 = vector.bitcast %and3A_323 : vector<16xi32> to vector<16xf32>
    %swap3A_325 = arith.constant 48 : index
    %swap3A_326 = tpu.vector_load %arg13[%swap3A_325] {strides = array<i32>} : memref<128xf32, #tpu.memory_space<vmem>>, vector<16xf32>,
    tpu.vector_store %arg13[%swap3A_325], %bitcast3A_324 {strides = array<i32>} : memref<128xf32, #tpu.memory_space<vmem>>, vector<16xf32>,
    %mul3A_327 = arith.mulf %gather3A_264, %gather3A_264 : vector<16xf32>
    %mul3A_328 = arith.mulf %gather3A_265, %gather3A_265 : vector<16xf32>
    %add3A_329 = arith.addf %mul3A_327, %mul3A_328 : vector<16xf32>
    %mul3A_330 = arith.mulf %gather3A_266, %gather3A_266 : vector<16xf32>
    %add3A_331 = arith.addf %add3A_329, %mul3A_330 : vector<16xf32>
    %swap3A_332 = arith.constant 48 : index
    %swap3A_333 = tpu.vector_load %arg14[%swap3A_332] {strides = array<i32>} : memref<128xf32, #tpu.memory_space<vmem>>, vector<16xf32>,
    tpu.vector_store %arg14[%swap3A_332], %add3A_331 {strides = array<i32>} : memref<128xf32, #tpu.memory_space<vmem>>, vector<16xf32>,
    %get3A_334 = arith.constant 64 : index
    %get3A_335 = tpu.vector_load %arg9[%get3A_334] {strides = array<i32>} : memref<128xi32, #tpu.memory_space<vmem>>, vector<16xi32>,
    %gather3A_336 = tpu.vector_load_idx %arg6[%get3A_335] : memref<8192xf32, #tpu.memory_space<vmem>>[vector<16xi32>], vector<16xf32>,
    %gather3A_337 = tpu.vector_load_idx %arg7[%get3A_335] : memref<8192xf32, #tpu.memory_space<vmem>>[vector<16xi32>], vector<16xf32>,
    %gather3A_338 = tpu.vector_load_idx %arg8[%get3A_335] : memref<8192xf32, #tpu.memory_space<vmem>>[vector<16xi32>], vector<16xf32>,
    %add3A_339 = arith.constant 64 : i32
    %add3A_340 = vector.broadcast %add3A_339 : i32 to vector<16xi32>
    %add3A_341 = arith.addi %iota3A, %add3A_340 : vector<16xi32>
    %broadcast_in_dim3A_342 = arith.constant 0 : i32
    %broadcast_in_dim3A_343 = vector.broadcast %broadcast_in_dim3A_342 : i32 to vector<16xi32>
    tpu.vector_store_idx %arg10[%add3A_341, %broadcast_in_dim3A_343], %gather3A_336 : memref<128x3xf32, #tpu.memory_space<vmem>>[vector<16xi32>, vector<16xi32>], vector<16xf32>,
    %broadcast_in_dim3A_344 = arith.constant 1 : i32
    %broadcast_in_dim3A_345 = vector.broadcast %broadcast_in_dim3A_344 : i32 to vector<16xi32>
    tpu.vector_store_idx %arg10[%add3A_341, %broadcast_in_dim3A_345], %gather3A_337 : memref<128x3xf32, #tpu.memory_space<vmem>>[vector<16xi32>, vector<16xi32>], vector<16xf32>,
    %broadcast_in_dim3A_346 = arith.constant 2 : i32
    %broadcast_in_dim3A_347 = vector.broadcast %broadcast_in_dim3A_346 : i32 to vector<16xi32>
    tpu.vector_store_idx %arg10[%add3A_341, %broadcast_in_dim3A_347], %gather3A_338 : memref<128x3xf32, #tpu.memory_space<vmem>>[vector<16xi32>, vector<16xi32>], vector<16xf32>,
    %bitcast3A_348 = vector.bitcast %gather3A_336 : vector<16xf32> to vector<16xi32>
    %add3A_349 = arith.constant 32767 : i32
    %add3A_350 = vector.broadcast %add3A_349 : i32 to vector<16xi32>
    %add3A_351 = arith.addi %bitcast3A_348, %add3A_350 : vector<16xi32>
    %shift_right_logical3A_352 = arith.constant 16 : i32
    %shift_right_logical3A_353 = vector.broadcast %shift_right_logical3A_352 : i32 to vector<16xi32>
    %shift_right_logical3A_354 = arith.shrui %bitcast3A_348, %shift_right_logical3A_353 : vector<16xi32>
    %and3A_355 = arith.constant 1 : i32
    %and3A_356 = vector.broadcast %and3A_355 : i32 to vector<16xi32>
    %and3A_357 = arith.andi %shift_right_logical3A_354, %and3A_356 : vector<16xi32>
    %add3A_358 = arith.addi %add3A_351, %and3A_357 : vector<16xi32>
    %and3A_359 = arith.constant -65536 : i32
    %and3A_360 = vector.broadcast %and3A_359 : i32 to vector<16xi32>
    %and3A_361 = arith.andi %add3A_358, %and3A_360 : vector<16xi32>
    %bitcast3A_362 = vector.bitcast %and3A_361 : vector<16xi32> to vector<16xf32>
    %swap3A_363 = arith.constant 64 : index
    %swap3A_364 = tpu.vector_load %arg11[%swap3A_363] {strides = array<i32>} : memref<128xf32, #tpu.memory_space<vmem>>, vector<16xf32>,
    tpu.vector_store %arg11[%swap3A_363], %bitcast3A_362 {strides = array<i32>} : memref<128xf32, #tpu.memory_space<vmem>>, vector<16xf32>,
    %bitcast3A_365 = vector.bitcast %gather3A_337 : vector<16xf32> to vector<16xi32>
    %add3A_366 = arith.constant 32767 : i32
    %add3A_367 = vector.broadcast %add3A_366 : i32 to vector<16xi32>
    %add3A_368 = arith.addi %bitcast3A_365, %add3A_367 : vector<16xi32>
    %shift_right_logical3A_369 = arith.constant 16 : i32
    %shift_right_logical3A_370 = vector.broadcast %shift_right_logical3A_369 : i32 to vector<16xi32>
    %shift_right_logical3A_371 = arith.shrui %bitcast3A_365, %shift_right_logical3A_370 : vector<16xi32>
    %and3A_372 = arith.constant 1 : i32
    %and3A_373 = vector.broadcast %and3A_372 : i32 to vector<16xi32>
    %and3A_374 = arith.andi %shift_right_logical3A_371, %and3A_373 : vector<16xi32>
    %add3A_375 = arith.addi %add3A_368, %and3A_374 : vector<16xi32>
    %and3A_376 = arith.constant -65536 : i32
    %and3A_377 = vector.broadcast %and3A_376 : i32 to vector<16xi32>
    %and3A_378 = arith.andi %add3A_375, %and3A_377 : vector<16xi32>
    %bitcast3A_379 = vector.bitcast %and3A_378 : vector<16xi32> to vector<16xf32>
    %swap3A_380 = arith.constant 64 : index
    %swap3A_381 = tpu.vector_load %arg12[%swap3A_380] {strides = array<i32>} : memref<128xf32, #tpu.memory_space<vmem>>, vector<16xf32>,
    tpu.vector_store %arg12[%swap3A_380], %bitcast3A_379 {strides = array<i32>} : memref<128xf32, #tpu.memory_space<vmem>>, vector<16xf32>,
    %bitcast3A_382 = vector.bitcast %gather3A_338 : vector<16xf32> to vector<16xi32>
    %add3A_383 = arith.constant 32767 : i32
    %add3A_384 = vector.broadcast %add3A_383 : i32 to vector<16xi32>
    %add3A_385 = arith.addi %bitcast3A_382, %add3A_384 : vector<16xi32>
    %shift_right_logical3A_386 = arith.constant 16 : i32
    %shift_right_logical3A_387 = vector.broadcast %shift_right_logical3A_386 : i32 to vector<16xi32>
    %shift_right_logical3A_388 = arith.shrui %bitcast3A_382, %shift_right_logical3A_387 : vector<16xi32>
    %and3A_389 = arith.constant 1 : i32
    %and3A_390 = vector.broadcast %and3A_389 : i32 to vector<16xi32>
    %and3A_391 = arith.andi %shift_right_logical3A_388, %and3A_390 : vector<16xi32>
    %add3A_392 = arith.addi %add3A_385, %and3A_391 : vector<16xi32>
    %and3A_393 = arith.constant -65536 : i32
    %and3A_394 = vector.broadcast %and3A_393 : i32 to vector<16xi32>
    %and3A_395 = arith.andi %add3A_392, %and3A_394 : vector<16xi32>
    %bitcast3A_396 = vector.bitcast %and3A_395 : vector<16xi32> to vector<16xf32>
    %swap3A_397 = arith.constant 64 : index
    %swap3A_398 = tpu.vector_load %arg13[%swap3A_397] {strides = array<i32>} : memref<128xf32, #tpu.memory_space<vmem>>, vector<16xf32>,
    tpu.vector_store %arg13[%swap3A_397], %bitcast3A_396 {strides = array<i32>} : memref<128xf32, #tpu.memory_space<vmem>>, vector<16xf32>,
    %mul3A_399 = arith.mulf %gather3A_336, %gather3A_336 : vector<16xf32>
    %mul3A_400 = arith.mulf %gather3A_337, %gather3A_337 : vector<16xf32>
    %add3A_401 = arith.addf %mul3A_399, %mul3A_400 : vector<16xf32>
    %mul3A_402 = arith.mulf %gather3A_338, %gather3A_338 : vector<16xf32>
    %add3A_403 = arith.addf %add3A_401, %mul3A_402 : vector<16xf32>
    %swap3A_404 = arith.constant 64 : index
    %swap3A_405 = tpu.vector_load %arg14[%swap3A_404] {strides = array<i32>} : memref<128xf32, #tpu.memory_space<vmem>>, vector<16xf32>,
    tpu.vector_store %arg14[%swap3A_404], %add3A_403 {strides = array<i32>} : memref<128xf32, #tpu.memory_space<vmem>>, vector<16xf32>,
    %get3A_406 = arith.constant 80 : index
    %get3A_407 = tpu.vector_load %arg9[%get3A_406] {strides = array<i32>} : memref<128xi32, #tpu.memory_space<vmem>>, vector<16xi32>,
    %gather3A_408 = tpu.vector_load_idx %arg6[%get3A_407] : memref<8192xf32, #tpu.memory_space<vmem>>[vector<16xi32>], vector<16xf32>,
    %gather3A_409 = tpu.vector_load_idx %arg7[%get3A_407] : memref<8192xf32, #tpu.memory_space<vmem>>[vector<16xi32>], vector<16xf32>,
    %gather3A_410 = tpu.vector_load_idx %arg8[%get3A_407] : memref<8192xf32, #tpu.memory_space<vmem>>[vector<16xi32>], vector<16xf32>,
    %add3A_411 = arith.constant 80 : i32
    %add3A_412 = vector.broadcast %add3A_411 : i32 to vector<16xi32>
    %add3A_413 = arith.addi %iota3A, %add3A_412 : vector<16xi32>
    %broadcast_in_dim3A_414 = arith.constant 0 : i32
    %broadcast_in_dim3A_415 = vector.broadcast %broadcast_in_dim3A_414 : i32 to vector<16xi32>
    tpu.vector_store_idx %arg10[%add3A_413, %broadcast_in_dim3A_415], %gather3A_408 : memref<128x3xf32, #tpu.memory_space<vmem>>[vector<16xi32>, vector<16xi32>], vector<16xf32>,
    %broadcast_in_dim3A_416 = arith.constant 1 : i32
    %broadcast_in_dim3A_417 = vector.broadcast %broadcast_in_dim3A_416 : i32 to vector<16xi32>
    tpu.vector_store_idx %arg10[%add3A_413, %broadcast_in_dim3A_417], %gather3A_409 : memref<128x3xf32, #tpu.memory_space<vmem>>[vector<16xi32>, vector<16xi32>], vector<16xf32>,
    %broadcast_in_dim3A_418 = arith.constant 2 : i32
    %broadcast_in_dim3A_419 = vector.broadcast %broadcast_in_dim3A_418 : i32 to vector<16xi32>
    tpu.vector_store_idx %arg10[%add3A_413, %broadcast_in_dim3A_419], %gather3A_410 : memref<128x3xf32, #tpu.memory_space<vmem>>[vector<16xi32>, vector<16xi32>], vector<16xf32>,
    %bitcast3A_420 = vector.bitcast %gather3A_408 : vector<16xf32> to vector<16xi32>
    %add3A_421 = arith.constant 32767 : i32
    %add3A_422 = vector.broadcast %add3A_421 : i32 to vector<16xi32>
    %add3A_423 = arith.addi %bitcast3A_420, %add3A_422 : vector<16xi32>
    %shift_right_logical3A_424 = arith.constant 16 : i32
    %shift_right_logical3A_425 = vector.broadcast %shift_right_logical3A_424 : i32 to vector<16xi32>
    %shift_right_logical3A_426 = arith.shrui %bitcast3A_420, %shift_right_logical3A_425 : vector<16xi32>
    %and3A_427 = arith.constant 1 : i32
    %and3A_428 = vector.broadcast %and3A_427 : i32 to vector<16xi32>
    %and3A_429 = arith.andi %shift_right_logical3A_426, %and3A_428 : vector<16xi32>
    %add3A_430 = arith.addi %add3A_423, %and3A_429 : vector<16xi32>
    %and3A_431 = arith.constant -65536 : i32
    %and3A_432 = vector.broadcast %and3A_431 : i32 to vector<16xi32>
    %and3A_433 = arith.andi %add3A_430, %and3A_432 : vector<16xi32>
    %bitcast3A_434 = vector.bitcast %and3A_433 : vector<16xi32> to vector<16xf32>
    %swap3A_435 = arith.constant 80 : index
    %swap3A_436 = tpu.vector_load %arg11[%swap3A_435] {strides = array<i32>} : memref<128xf32, #tpu.memory_space<vmem>>, vector<16xf32>,
    tpu.vector_store %arg11[%swap3A_435], %bitcast3A_434 {strides = array<i32>} : memref<128xf32, #tpu.memory_space<vmem>>, vector<16xf32>,
    %bitcast3A_437 = vector.bitcast %gather3A_409 : vector<16xf32> to vector<16xi32>
    %add3A_438 = arith.constant 32767 : i32
    %add3A_439 = vector.broadcast %add3A_438 : i32 to vector<16xi32>
    %add3A_440 = arith.addi %bitcast3A_437, %add3A_439 : vector<16xi32>
    %shift_right_logical3A_441 = arith.constant 16 : i32
    %shift_right_logical3A_442 = vector.broadcast %shift_right_logical3A_441 : i32 to vector<16xi32>
    %shift_right_logical3A_443 = arith.shrui %bitcast3A_437, %shift_right_logical3A_442 : vector<16xi32>
    %and3A_444 = arith.constant 1 : i32
    %and3A_445 = vector.broadcast %and3A_444 : i32 to vector<16xi32>
    %and3A_446 = arith.andi %shift_right_logical3A_443, %and3A_445 : vector<16xi32>
    %add3A_447 = arith.addi %add3A_440, %and3A_446 : vector<16xi32>
    %and3A_448 = arith.constant -65536 : i32
    %and3A_449 = vector.broadcast %and3A_448 : i32 to vector<16xi32>
    %and3A_450 = arith.andi %add3A_447, %and3A_449 : vector<16xi32>
    %bitcast3A_451 = vector.bitcast %and3A_450 : vector<16xi32> to vector<16xf32>
    %swap3A_452 = arith.constant 80 : index
    %swap3A_453 = tpu.vector_load %arg12[%swap3A_452] {strides = array<i32>} : memref<128xf32, #tpu.memory_space<vmem>>, vector<16xf32>,
    tpu.vector_store %arg12[%swap3A_452], %bitcast3A_451 {strides = array<i32>} : memref<128xf32, #tpu.memory_space<vmem>>, vector<16xf32>,
    %bitcast3A_454 = vector.bitcast %gather3A_410 : vector<16xf32> to vector<16xi32>
    %add3A_455 = arith.constant 32767 : i32
    %add3A_456 = vector.broadcast %add3A_455 : i32 to vector<16xi32>
    %add3A_457 = arith.addi %bitcast3A_454, %add3A_456 : vector<16xi32>
    %shift_right_logical3A_458 = arith.constant 16 : i32
    %shift_right_logical3A_459 = vector.broadcast %shift_right_logical3A_458 : i32 to vector<16xi32>
    %shift_right_logical3A_460 = arith.shrui %bitcast3A_454, %shift_right_logical3A_459 : vector<16xi32>
    %and3A_461 = arith.constant 1 : i32
    %and3A_462 = vector.broadcast %and3A_461 : i32 to vector<16xi32>
    %and3A_463 = arith.andi %shift_right_logical3A_460, %and3A_462 : vector<16xi32>
    %add3A_464 = arith.addi %add3A_457, %and3A_463 : vector<16xi32>
    %and3A_465 = arith.constant -65536 : i32
    %and3A_466 = vector.broadcast %and3A_465 : i32 to vector<16xi32>
    %and3A_467 = arith.andi %add3A_464, %and3A_466 : vector<16xi32>
    %bitcast3A_468 = vector.bitcast %and3A_467 : vector<16xi32> to vector<16xf32>
    %swap3A_469 = arith.constant 80 : index
    %swap3A_470 = tpu.vector_load %arg13[%swap3A_469] {strides = array<i32>} : memref<128xf32, #tpu.memory_space<vmem>>, vector<16xf32>,
    tpu.vector_store %arg13[%swap3A_469], %bitcast3A_468 {strides = array<i32>} : memref<128xf32, #tpu.memory_space<vmem>>, vector<16xf32>,
    %mul3A_471 = arith.mulf %gather3A_408, %gather3A_408 : vector<16xf32>
    %mul3A_472 = arith.mulf %gather3A_409, %gather3A_409 : vector<16xf32>
    %add3A_473 = arith.addf %mul3A_471, %mul3A_472 : vector<16xf32>
    %mul3A_474 = arith.mulf %gather3A_410, %gather3A_410 : vector<16xf32>
    %add3A_475 = arith.addf %add3A_473, %mul3A_474 : vector<16xf32>
    %swap3A_476 = arith.constant 80 : index
    %swap3A_477 = tpu.vector_load %arg14[%swap3A_476] {strides = array<i32>} : memref<128xf32, #tpu.memory_space<vmem>>, vector<16xf32>,
    tpu.vector_store %arg14[%swap3A_476], %add3A_475 {strides = array<i32>} : memref<128xf32, #tpu.memory_space<vmem>>, vector<16xf32>,
    %get3A_478 = arith.constant 96 : index
    %get3A_479 = tpu.vector_load %arg9[%get3A_478] {strides = array<i32>} : memref<128xi32, #tpu.memory_space<vmem>>, vector<16xi32>,
    %gather3A_480 = tpu.vector_load_idx %arg6[%get3A_479] : memref<8192xf32, #tpu.memory_space<vmem>>[vector<16xi32>], vector<16xf32>,
    %gather3A_481 = tpu.vector_load_idx %arg7[%get3A_479] : memref<8192xf32, #tpu.memory_space<vmem>>[vector<16xi32>], vector<16xf32>,
    %gather3A_482 = tpu.vector_load_idx %arg8[%get3A_479] : memref<8192xf32, #tpu.memory_space<vmem>>[vector<16xi32>], vector<16xf32>,
    %add3A_483 = arith.constant 96 : i32
    %add3A_484 = vector.broadcast %add3A_483 : i32 to vector<16xi32>
    %add3A_485 = arith.addi %iota3A, %add3A_484 : vector<16xi32>
    %broadcast_in_dim3A_486 = arith.constant 0 : i32
    %broadcast_in_dim3A_487 = vector.broadcast %broadcast_in_dim3A_486 : i32 to vector<16xi32>
    tpu.vector_store_idx %arg10[%add3A_485, %broadcast_in_dim3A_487], %gather3A_480 : memref<128x3xf32, #tpu.memory_space<vmem>>[vector<16xi32>, vector<16xi32>], vector<16xf32>,
    %broadcast_in_dim3A_488 = arith.constant 1 : i32
    %broadcast_in_dim3A_489 = vector.broadcast %broadcast_in_dim3A_488 : i32 to vector<16xi32>
    tpu.vector_store_idx %arg10[%add3A_485, %broadcast_in_dim3A_489], %gather3A_481 : memref<128x3xf32, #tpu.memory_space<vmem>>[vector<16xi32>, vector<16xi32>], vector<16xf32>,
    %broadcast_in_dim3A_490 = arith.constant 2 : i32
    %broadcast_in_dim3A_491 = vector.broadcast %broadcast_in_dim3A_490 : i32 to vector<16xi32>
    tpu.vector_store_idx %arg10[%add3A_485, %broadcast_in_dim3A_491], %gather3A_482 : memref<128x3xf32, #tpu.memory_space<vmem>>[vector<16xi32>, vector<16xi32>], vector<16xf32>,
    %bitcast3A_492 = vector.bitcast %gather3A_480 : vector<16xf32> to vector<16xi32>
    %add3A_493 = arith.constant 32767 : i32
    %add3A_494 = vector.broadcast %add3A_493 : i32 to vector<16xi32>
    %add3A_495 = arith.addi %bitcast3A_492, %add3A_494 : vector<16xi32>
    %shift_right_logical3A_496 = arith.constant 16 : i32
    %shift_right_logical3A_497 = vector.broadcast %shift_right_logical3A_496 : i32 to vector<16xi32>
    %shift_right_logical3A_498 = arith.shrui %bitcast3A_492, %shift_right_logical3A_497 : vector<16xi32>
    %and3A_499 = arith.constant 1 : i32
    %and3A_500 = vector.broadcast %and3A_499 : i32 to vector<16xi32>
    %and3A_501 = arith.andi %shift_right_logical3A_498, %and3A_500 : vector<16xi32>
    %add3A_502 = arith.addi %add3A_495, %and3A_501 : vector<16xi32>
    %and3A_503 = arith.constant -65536 : i32
    %and3A_504 = vector.broadcast %and3A_503 : i32 to vector<16xi32>
    %and3A_505 = arith.andi %add3A_502, %and3A_504 : vector<16xi32>
    %bitcast3A_506 = vector.bitcast %and3A_505 : vector<16xi32> to vector<16xf32>
    %swap3A_507 = arith.constant 96 : index
    %swap3A_508 = tpu.vector_load %arg11[%swap3A_507] {strides = array<i32>} : memref<128xf32, #tpu.memory_space<vmem>>, vector<16xf32>,
    tpu.vector_store %arg11[%swap3A_507], %bitcast3A_506 {strides = array<i32>} : memref<128xf32, #tpu.memory_space<vmem>>, vector<16xf32>,
    %bitcast3A_509 = vector.bitcast %gather3A_481 : vector<16xf32> to vector<16xi32>
    %add3A_510 = arith.constant 32767 : i32
    %add3A_511 = vector.broadcast %add3A_510 : i32 to vector<16xi32>
    %add3A_512 = arith.addi %bitcast3A_509, %add3A_511 : vector<16xi32>
    %shift_right_logical3A_513 = arith.constant 16 : i32
    %shift_right_logical3A_514 = vector.broadcast %shift_right_logical3A_513 : i32 to vector<16xi32>
    %shift_right_logical3A_515 = arith.shrui %bitcast3A_509, %shift_right_logical3A_514 : vector<16xi32>
    %and3A_516 = arith.constant 1 : i32
    %and3A_517 = vector.broadcast %and3A_516 : i32 to vector<16xi32>
    %and3A_518 = arith.andi %shift_right_logical3A_515, %and3A_517 : vector<16xi32>
    %add3A_519 = arith.addi %add3A_512, %and3A_518 : vector<16xi32>
    %and3A_520 = arith.constant -65536 : i32
    %and3A_521 = vector.broadcast %and3A_520 : i32 to vector<16xi32>
    %and3A_522 = arith.andi %add3A_519, %and3A_521 : vector<16xi32>
    %bitcast3A_523 = vector.bitcast %and3A_522 : vector<16xi32> to vector<16xf32>
    %swap3A_524 = arith.constant 96 : index
    %swap3A_525 = tpu.vector_load %arg12[%swap3A_524] {strides = array<i32>} : memref<128xf32, #tpu.memory_space<vmem>>, vector<16xf32>,
    tpu.vector_store %arg12[%swap3A_524], %bitcast3A_523 {strides = array<i32>} : memref<128xf32, #tpu.memory_space<vmem>>, vector<16xf32>,
    %bitcast3A_526 = vector.bitcast %gather3A_482 : vector<16xf32> to vector<16xi32>
    %add3A_527 = arith.constant 32767 : i32
    %add3A_528 = vector.broadcast %add3A_527 : i32 to vector<16xi32>
    %add3A_529 = arith.addi %bitcast3A_526, %add3A_528 : vector<16xi32>
    %shift_right_logical3A_530 = arith.constant 16 : i32
    %shift_right_logical3A_531 = vector.broadcast %shift_right_logical3A_530 : i32 to vector<16xi32>
    %shift_right_logical3A_532 = arith.shrui %bitcast3A_526, %shift_right_logical3A_531 : vector<16xi32>
    %and3A_533 = arith.constant 1 : i32
    %and3A_534 = vector.broadcast %and3A_533 : i32 to vector<16xi32>
    %and3A_535 = arith.andi %shift_right_logical3A_532, %and3A_534 : vector<16xi32>
    %add3A_536 = arith.addi %add3A_529, %and3A_535 : vector<16xi32>
    %and3A_537 = arith.constant -65536 : i32
    %and3A_538 = vector.broadcast %and3A_537 : i32 to vector<16xi32>
    %and3A_539 = arith.andi %add3A_536, %and3A_538 : vector<16xi32>
    %bitcast3A_540 = vector.bitcast %and3A_539 : vector<16xi32> to vector<16xf32>
    %swap3A_541 = arith.constant 96 : index
    %swap3A_542 = tpu.vector_load %arg13[%swap3A_541] {strides = array<i32>} : memref<128xf32, #tpu.memory_space<vmem>>, vector<16xf32>,
    tpu.vector_store %arg13[%swap3A_541], %bitcast3A_540 {strides = array<i32>} : memref<128xf32, #tpu.memory_space<vmem>>, vector<16xf32>,
    %mul3A_543 = arith.mulf %gather3A_480, %gather3A_480 : vector<16xf32>
    %mul3A_544 = arith.mulf %gather3A_481, %gather3A_481 : vector<16xf32>
    %add3A_545 = arith.addf %mul3A_543, %mul3A_544 : vector<16xf32>
    %mul3A_546 = arith.mulf %gather3A_482, %gather3A_482 : vector<16xf32>
    %add3A_547 = arith.addf %add3A_545, %mul3A_546 : vector<16xf32>
    %swap3A_548 = arith.constant 96 : index
    %swap3A_549 = tpu.vector_load %arg14[%swap3A_548] {strides = array<i32>} : memref<128xf32, #tpu.memory_space<vmem>>, vector<16xf32>,
    tpu.vector_store %arg14[%swap3A_548], %add3A_547 {strides = array<i32>} : memref<128xf32, #tpu.memory_space<vmem>>, vector<16xf32>,
    %get3A_550 = arith.constant 112 : index
    %get3A_551 = tpu.vector_load %arg9[%get3A_550] {strides = array<i32>} : memref<128xi32, #tpu.memory_space<vmem>>, vector<16xi32>,
    %gather3A_552 = tpu.vector_load_idx %arg6[%get3A_551] : memref<8192xf32, #tpu.memory_space<vmem>>[vector<16xi32>], vector<16xf32>,
    %gather3A_553 = tpu.vector_load_idx %arg7[%get3A_551] : memref<8192xf32, #tpu.memory_space<vmem>>[vector<16xi32>], vector<16xf32>,
    %gather3A_554 = tpu.vector_load_idx %arg8[%get3A_551] : memref<8192xf32, #tpu.memory_space<vmem>>[vector<16xi32>], vector<16xf32>,
    %add3A_555 = arith.constant 112 : i32
    %add3A_556 = vector.broadcast %add3A_555 : i32 to vector<16xi32>
    %add3A_557 = arith.addi %iota3A, %add3A_556 : vector<16xi32>
    %broadcast_in_dim3A_558 = arith.constant 0 : i32
    %broadcast_in_dim3A_559 = vector.broadcast %broadcast_in_dim3A_558 : i32 to vector<16xi32>
    tpu.vector_store_idx %arg10[%add3A_557, %broadcast_in_dim3A_559], %gather3A_552 : memref<128x3xf32, #tpu.memory_space<vmem>>[vector<16xi32>, vector<16xi32>], vector<16xf32>,
    %broadcast_in_dim3A_560 = arith.constant 1 : i32
    %broadcast_in_dim3A_561 = vector.broadcast %broadcast_in_dim3A_560 : i32 to vector<16xi32>
    tpu.vector_store_idx %arg10[%add3A_557, %broadcast_in_dim3A_561], %gather3A_553 : memref<128x3xf32, #tpu.memory_space<vmem>>[vector<16xi32>, vector<16xi32>], vector<16xf32>,
    %broadcast_in_dim3A_562 = arith.constant 2 : i32
    %broadcast_in_dim3A_563 = vector.broadcast %broadcast_in_dim3A_562 : i32 to vector<16xi32>
    tpu.vector_store_idx %arg10[%add3A_557, %broadcast_in_dim3A_563], %gather3A_554 : memref<128x3xf32, #tpu.memory_space<vmem>>[vector<16xi32>, vector<16xi32>], vector<16xf32>,
    %bitcast3A_564 = vector.bitcast %gather3A_552 : vector<16xf32> to vector<16xi32>
    %add3A_565 = arith.constant 32767 : i32
    %add3A_566 = vector.broadcast %add3A_565 : i32 to vector<16xi32>
    %add3A_567 = arith.addi %bitcast3A_564, %add3A_566 : vector<16xi32>
    %shift_right_logical3A_568 = arith.constant 16 : i32
    %shift_right_logical3A_569 = vector.broadcast %shift_right_logical3A_568 : i32 to vector<16xi32>
    %shift_right_logical3A_570 = arith.shrui %bitcast3A_564, %shift_right_logical3A_569 : vector<16xi32>
    %and3A_571 = arith.constant 1 : i32
    %and3A_572 = vector.broadcast %and3A_571 : i32 to vector<16xi32>
    %and3A_573 = arith.andi %shift_right_logical3A_570, %and3A_572 : vector<16xi32>
    %add3A_574 = arith.addi %add3A_567, %and3A_573 : vector<16xi32>
    %and3A_575 = arith.constant -65536 : i32
    %and3A_576 = vector.broadcast %and3A_575 : i32 to vector<16xi32>
    %and3A_577 = arith.andi %add3A_574, %and3A_576 : vector<16xi32>
    %bitcast3A_578 = vector.bitcast %and3A_577 : vector<16xi32> to vector<16xf32>
    %swap3A_579 = arith.constant 112 : index
    %swap3A_580 = tpu.vector_load %arg11[%swap3A_579] {strides = array<i32>} : memref<128xf32, #tpu.memory_space<vmem>>, vector<16xf32>,
    tpu.vector_store %arg11[%swap3A_579], %bitcast3A_578 {strides = array<i32>} : memref<128xf32, #tpu.memory_space<vmem>>, vector<16xf32>,
    %bitcast3A_581 = vector.bitcast %gather3A_553 : vector<16xf32> to vector<16xi32>
    %add3A_582 = arith.constant 32767 : i32
    %add3A_583 = vector.broadcast %add3A_582 : i32 to vector<16xi32>
    %add3A_584 = arith.addi %bitcast3A_581, %add3A_583 : vector<16xi32>
    %shift_right_logical3A_585 = arith.constant 16 : i32
    %shift_right_logical3A_586 = vector.broadcast %shift_right_logical3A_585 : i32 to vector<16xi32>
    %shift_right_logical3A_587 = arith.shrui %bitcast3A_581, %shift_right_logical3A_586 : vector<16xi32>
    %and3A_588 = arith.constant 1 : i32
    %and3A_589 = vector.broadcast %and3A_588 : i32 to vector<16xi32>
    %and3A_590 = arith.andi %shift_right_logical3A_587, %and3A_589 : vector<16xi32>
    %add3A_591 = arith.addi %add3A_584, %and3A_590 : vector<16xi32>
    %and3A_592 = arith.constant -65536 : i32
    %and3A_593 = vector.broadcast %and3A_592 : i32 to vector<16xi32>
    %and3A_594 = arith.andi %add3A_591, %and3A_593 : vector<16xi32>
    %bitcast3A_595 = vector.bitcast %and3A_594 : vector<16xi32> to vector<16xf32>
    %swap3A_596 = arith.constant 112 : index
    %swap3A_597 = tpu.vector_load %arg12[%swap3A_596] {strides = array<i32>} : memref<128xf32, #tpu.memory_space<vmem>>, vector<16xf32>,
    tpu.vector_store %arg12[%swap3A_596], %bitcast3A_595 {strides = array<i32>} : memref<128xf32, #tpu.memory_space<vmem>>, vector<16xf32>,
    %bitcast3A_598 = vector.bitcast %gather3A_554 : vector<16xf32> to vector<16xi32>
    %add3A_599 = arith.constant 32767 : i32
    %add3A_600 = vector.broadcast %add3A_599 : i32 to vector<16xi32>
    %add3A_601 = arith.addi %bitcast3A_598, %add3A_600 : vector<16xi32>
    %shift_right_logical3A_602 = arith.constant 16 : i32
    %shift_right_logical3A_603 = vector.broadcast %shift_right_logical3A_602 : i32 to vector<16xi32>
    %shift_right_logical3A_604 = arith.shrui %bitcast3A_598, %shift_right_logical3A_603 : vector<16xi32>
    %and3A_605 = arith.constant 1 : i32
    %and3A_606 = vector.broadcast %and3A_605 : i32 to vector<16xi32>
    %and3A_607 = arith.andi %shift_right_logical3A_604, %and3A_606 : vector<16xi32>
    %add3A_608 = arith.addi %add3A_601, %and3A_607 : vector<16xi32>
    %and3A_609 = arith.constant -65536 : i32
    %and3A_610 = vector.broadcast %and3A_609 : i32 to vector<16xi32>
    %and3A_611 = arith.andi %add3A_608, %and3A_610 : vector<16xi32>
    %bitcast3A_612 = vector.bitcast %and3A_611 : vector<16xi32> to vector<16xf32>
    %swap3A_613 = arith.constant 112 : index
    %swap3A_614 = tpu.vector_load %arg13[%swap3A_613] {strides = array<i32>} : memref<128xf32, #tpu.memory_space<vmem>>, vector<16xf32>,
    tpu.vector_store %arg13[%swap3A_613], %bitcast3A_612 {strides = array<i32>} : memref<128xf32, #tpu.memory_space<vmem>>, vector<16xf32>,
    %mul3A_615 = arith.mulf %gather3A_552, %gather3A_552 : vector<16xf32>
    %mul3A_616 = arith.mulf %gather3A_553, %gather3A_553 : vector<16xf32>
    %add3A_617 = arith.addf %mul3A_615, %mul3A_616 : vector<16xf32>
    %mul3A_618 = arith.mulf %gather3A_554, %gather3A_554 : vector<16xf32>
    %add3A_619 = arith.addf %add3A_617, %mul3A_618 : vector<16xf32>
    %swap3A_620 = arith.constant 112 : index
    %swap3A_621 = tpu.vector_load %arg14[%swap3A_620] {strides = array<i32>} : memref<128xf32, #tpu.memory_space<vmem>>, vector<16xf32>,
    tpu.vector_store %arg14[%swap3A_620], %add3A_619 {strides = array<i32>} : memref<128xf32, #tpu.memory_space<vmem>>, vector<16xf32>,
    %mul3A_622 = arith.constant 1024 : i32
    %mul3A_623 = arith.muli %select_n3A, %mul3A_622 : i32
    %add3A_624 = arith.addi %mul3A_623, %mul3A_32 : i32
    "tpu.region"() ({
      %run_scoped3A = tpu.sem_alloc : memref<!tpu.dma_semaphore, #tpu.memory_space<semaphore_mem>>
      %dma_start3A = arith.constant 0 : i32
      %dma_start3A_643 = tpu.memref_slice %arg4[%add3A_624, %dma_start3A] : memref<4096x3xf32, #tpu.memory_space<hbm>> -> memref<128x3xf32, #tpu.memory_space<hbm>>
      %dma_start3A_644 = arith.constant 0 : i32
      %dma_start3A_645 = tpu.memref_slice %arg4[%add3A_624, %dma_start3A_644] : memref<4096x3xf32, #tpu.memory_space<hbm>> -> memref<128x3xf32, #tpu.memory_space<hbm>>
      tpu.enqueue_dma source(%arg10 : memref<128x3xf32, #tpu.memory_space<vmem>>) target(%dma_start3A_645 : memref<128x3xf32, #tpu.memory_space<hbm>>) target_semaphore(%run_scoped3A : memref<!tpu.dma_semaphore, #tpu.memory_space<semaphore_mem>>)
      %dma_wait3A = arith.constant 0 : i32
      %dma_wait3A_646 = tpu.memref_slice %arg4[%add3A_624, %dma_wait3A] : memref<4096x3xf32, #tpu.memory_space<hbm>> -> memref<128x3xf32, #tpu.memory_space<hbm>>
      %dma_wait3A_647 = arith.constant 0 : i32
      %dma_wait3A_648 = tpu.memref_slice %arg4[%add3A_624, %dma_wait3A_647] : memref<4096x3xf32, #tpu.memory_space<hbm>> -> memref<128x3xf32, #tpu.memory_space<hbm>>
      tpu.wait_dma2 semaphore(%run_scoped3A : memref<!tpu.dma_semaphore, #tpu.memory_space<semaphore_mem>>) src(%arg10 : memref<128x3xf32, #tpu.memory_space<vmem>>) dst(%dma_wait3A_648 : memref<128x3xf32, #tpu.memory_space<hbm>>)
      tpu.yield
    }) : () -> ()
    %mul3A_625 = arith.constant 1024 : i32
    %mul3A_626 = arith.muli %select_n3A, %mul3A_625 : i32
    %add3A_627 = arith.addi %mul3A_626, %mul3A_32 : i32
    "tpu.region"() ({
      %run_scoped3A = tpu.sem_alloc : memref<!tpu.dma_semaphore, #tpu.memory_space<semaphore_mem>>
      %dma_start3A = tpu.memref_slice %arg5[%add3A_627] : memref<16384xf32, #tpu.memory_space<hbm>> -> memref<128xf32, #tpu.memory_space<hbm>>
      %dma_start3A_643 = tpu.memref_slice %arg5[%add3A_627] : memref<16384xf32, #tpu.memory_space<hbm>> -> memref<128xf32, #tpu.memory_space<hbm>>
      tpu.enqueue_dma source(%arg11 : memref<128xf32, #tpu.memory_space<vmem>>) target(%dma_start3A_643 : memref<128xf32, #tpu.memory_space<hbm>>) target_semaphore(%run_scoped3A : memref<!tpu.dma_semaphore, #tpu.memory_space<semaphore_mem>>)
      %dma_wait3A = tpu.memref_slice %arg5[%add3A_627] : memref<16384xf32, #tpu.memory_space<hbm>> -> memref<128xf32, #tpu.memory_space<hbm>>
      %dma_wait3A_644 = tpu.memref_slice %arg5[%add3A_627] : memref<16384xf32, #tpu.memory_space<hbm>> -> memref<128xf32, #tpu.memory_space<hbm>>
      tpu.wait_dma2 semaphore(%run_scoped3A : memref<!tpu.dma_semaphore, #tpu.memory_space<semaphore_mem>>) src(%arg11 : memref<128xf32, #tpu.memory_space<vmem>>) dst(%dma_wait3A_644 : memref<128xf32, #tpu.memory_space<hbm>>)
      tpu.yield
    }) : () -> ()
    %mul3A_628 = arith.constant 1024 : i32
    %mul3A_629 = arith.muli %select_n3A, %mul3A_628 : i32
    %add3A_630 = arith.constant 4096 : i32
    %add3A_631 = arith.addi %add3A_630, %mul3A_629 : i32
    %add3A_632 = arith.addi %add3A_631, %mul3A_32 : i32
    "tpu.region"() ({
      %run_scoped3A = tpu.sem_alloc : memref<!tpu.dma_semaphore, #tpu.memory_space<semaphore_mem>>
      %dma_start3A = tpu.memref_slice %arg5[%add3A_632] : memref<16384xf32, #tpu.memory_space<hbm>> -> memref<128xf32, #tpu.memory_space<hbm>>
      %dma_start3A_643 = tpu.memref_slice %arg5[%add3A_632] : memref<16384xf32, #tpu.memory_space<hbm>> -> memref<128xf32, #tpu.memory_space<hbm>>
      tpu.enqueue_dma source(%arg12 : memref<128xf32, #tpu.memory_space<vmem>>) target(%dma_start3A_643 : memref<128xf32, #tpu.memory_space<hbm>>) target_semaphore(%run_scoped3A : memref<!tpu.dma_semaphore, #tpu.memory_space<semaphore_mem>>)
      %dma_wait3A = tpu.memref_slice %arg5[%add3A_632] : memref<16384xf32, #tpu.memory_space<hbm>> -> memref<128xf32, #tpu.memory_space<hbm>>
      %dma_wait3A_644 = tpu.memref_slice %arg5[%add3A_632] : memref<16384xf32, #tpu.memory_space<hbm>> -> memref<128xf32, #tpu.memory_space<hbm>>
      tpu.wait_dma2 semaphore(%run_scoped3A : memref<!tpu.dma_semaphore, #tpu.memory_space<semaphore_mem>>) src(%arg12 : memref<128xf32, #tpu.memory_space<vmem>>) dst(%dma_wait3A_644 : memref<128xf32, #tpu.memory_space<hbm>>)
      tpu.yield
    }) : () -> ()
    %mul3A_633 = arith.constant 1024 : i32
    %mul3A_634 = arith.muli %select_n3A, %mul3A_633 : i32
    %add3A_635 = arith.constant 8192 : i32
    %add3A_636 = arith.addi %add3A_635, %mul3A_634 : i32
    %add3A_637 = arith.addi %add3A_636, %mul3A_32 : i32
    "tpu.region"() ({
      %run_scoped3A = tpu.sem_alloc : memref<!tpu.dma_semaphore, #tpu.memory_space<semaphore_mem>>
      %dma_start3A = tpu.memref_slice %arg5[%add3A_637] : memref<16384xf32, #tpu.memory_space<hbm>> -> memref<128xf32, #tpu.memory_space<hbm>>
      %dma_start3A_643 = tpu.memref_slice %arg5[%add3A_637] : memref<16384xf32, #tpu.memory_space<hbm>> -> memref<128xf32, #tpu.memory_space<hbm>>
      tpu.enqueue_dma source(%arg13 : memref<128xf32, #tpu.memory_space<vmem>>) target(%dma_start3A_643 : memref<128xf32, #tpu.memory_space<hbm>>) target_semaphore(%run_scoped3A : memref<!tpu.dma_semaphore, #tpu.memory_space<semaphore_mem>>)
      %dma_wait3A = tpu.memref_slice %arg5[%add3A_637] : memref<16384xf32, #tpu.memory_space<hbm>> -> memref<128xf32, #tpu.memory_space<hbm>>
      %dma_wait3A_644 = tpu.memref_slice %arg5[%add3A_637] : memref<16384xf32, #tpu.memory_space<hbm>> -> memref<128xf32, #tpu.memory_space<hbm>>
      tpu.wait_dma2 semaphore(%run_scoped3A : memref<!tpu.dma_semaphore, #tpu.memory_space<semaphore_mem>>) src(%arg13 : memref<128xf32, #tpu.memory_space<vmem>>) dst(%dma_wait3A_644 : memref<128xf32, #tpu.memory_space<hbm>>)
      tpu.yield
    }) : () -> ()
    %mul3A_638 = arith.constant 1024 : i32
    %mul3A_639 = arith.muli %select_n3A, %mul3A_638 : i32
    %add3A_640 = arith.constant 12288 : i32
    %add3A_641 = arith.addi %add3A_640, %mul3A_639 : i32
    %add3A_642 = arith.addi %add3A_641, %mul3A_32 : i32
    "tpu.region"() ({
      %run_scoped3A = tpu.sem_alloc : memref<!tpu.dma_semaphore, #tpu.memory_space<semaphore_mem>>
      %dma_start3A = tpu.memref_slice %arg5[%add3A_642] : memref<16384xf32, #tpu.memory_space<hbm>> -> memref<128xf32, #tpu.memory_space<hbm>>
      %dma_start3A_643 = tpu.memref_slice %arg5[%add3A_642] : memref<16384xf32, #tpu.memory_space<hbm>> -> memref<128xf32, #tpu.memory_space<hbm>>
      tpu.enqueue_dma source(%arg14 : memref<128xf32, #tpu.memory_space<vmem>>) target(%dma_start3A_643 : memref<128xf32, #tpu.memory_space<hbm>>) target_semaphore(%run_scoped3A : memref<!tpu.dma_semaphore, #tpu.memory_space<semaphore_mem>>)
      %dma_wait3A = tpu.memref_slice %arg5[%add3A_642] : memref<16384xf32, #tpu.memory_space<hbm>> -> memref<128xf32, #tpu.memory_space<hbm>>
      %dma_wait3A_644 = tpu.memref_slice %arg5[%add3A_642] : memref<16384xf32, #tpu.memory_space<hbm>> -> memref<128xf32, #tpu.memory_space<hbm>>
      tpu.wait_dma2 semaphore(%run_scoped3A : memref<!tpu.dma_semaphore, #tpu.memory_space<semaphore_mem>>) src(%arg14 : memref<128xf32, #tpu.memory_space<vmem>>) dst(%dma_wait3A_644 : memref<128xf32, #tpu.memory_space<hbm>>)
      tpu.yield
    }) : () -> ()
    return
  }
}

module attributes {stable_mosaic.version = 14 : i64} {
  func.func @_pointfeat_body(%arg0: i32, %arg1: memref<2048x3xf32, #tpu.memory_space<vmem>>, %arg2: memref<2048x64xf32, #tpu.memory_space<vmem>>, %arg3: memref<3x64xf32, #tpu.memory_space<vmem>>, %arg4: memref<64x64xf32, #tpu.memory_space<vmem>>, %arg5: memref<1x64xf32, #tpu.memory_space<vmem>>, %arg6: memref<3x96xf32, #tpu.memory_space<vmem>>, %arg7: memref<64x96xf32, #tpu.memory_space<vmem>>, %arg8: memref<1x96xf32, #tpu.memory_space<vmem>>, %arg9: memref<2048x128xf32, #tpu.memory_space<vmem>>, %arg10: memref<2048x128xf32, #tpu.memory_space<vmem>>) attributes {dimension_semantics = [#tpu.dimension_semantics<arbitrary>], iteration_bounds = array<i64: 16>, scalar_prefetch = 0 : i64, scratch_operands = 0 : i64, tpu.core_type = #tpu.core_type<tc>, window_params = [{transform_indices = @transform_0, window_bounds = array<i64: 2048, 3>}, {transform_indices = @transform_1, window_bounds = array<i64: 2048, 64>}, {pipeline_mode = #tpu.pipeline_mode<synchronous>, transform_indices = @transform_2, window_bounds = array<i64: 3, 64>}, {pipeline_mode = #tpu.pipeline_mode<synchronous>, transform_indices = @transform_3, window_bounds = array<i64: 64, 64>}, {pipeline_mode = #tpu.pipeline_mode<synchronous>, transform_indices = @transform_4, window_bounds = array<i64: 1, 64>}, {pipeline_mode = #tpu.pipeline_mode<synchronous>, transform_indices = @transform_5, window_bounds = array<i64: 3, 96>}, {pipeline_mode = #tpu.pipeline_mode<synchronous>, transform_indices = @transform_6, window_bounds = array<i64: 64, 96>}, {pipeline_mode = #tpu.pipeline_mode<synchronous>, transform_indices = @transform_7, window_bounds = array<i64: 1, 96>}, {transform_indices = @transform_8, window_bounds = array<i64: 2048, 128>}, {transform_indices = @transform_9, window_bounds = array<i64: 2048, 128>}]} {
    %get3A = arith.constant 0 : index
    %get3A_0 = arith.constant 0 : index
    %get3A_1 = vector.load %arg1[%get3A, %get3A_0] : memref<2048x3xf32, #tpu.memory_space<vmem>>, vector<2048x3xf32>
    %get3A_2 = arith.constant 0 : index
    %get3A_3 = arith.constant 0 : index
    %get3A_4 = vector.load %arg2[%get3A_2, %get3A_3] : memref<2048x64xf32, #tpu.memory_space<vmem>>, vector<2048x64xf32>
    %get3A_5 = arith.constant 0 : index
    %get3A_6 = arith.constant 0 : index
    %get3A_7 = vector.load %arg3[%get3A_5, %get3A_6] : memref<3x64xf32, #tpu.memory_space<vmem>>, vector<3x64xf32>
    %dot_general3A = arith.constant dense<0.000000e+00> : vector<2048x64xf32>
    %dot_general3A_8 = tpu.matmul %get3A_1, %get3A_7, %dot_general3A {dimension_numbers = #tpu.dot_dimension_numbers<[1], [0], [0], [1], [0, 0, 1, 1], [], []>, transpose_lhs_hint = false} : vector<2048x3xf32>, vector<3x64xf32>, vector<2048x64xf32> -> vector<2048x64xf32>
    %get3A_9 = arith.constant 0 : index
    %get3A_10 = arith.constant 0 : index
    %get3A_11 = vector.load %arg4[%get3A_9, %get3A_10] : memref<64x64xf32, #tpu.memory_space<vmem>>, vector<64x64xf32>
    %dot_general3A_12 = arith.constant dense<0.000000e+00> : vector<2048x64xf32>
    %dot_general3A_13 = tpu.matmul %get3A_4, %get3A_11, %dot_general3A_12 {dimension_numbers = #tpu.dot_dimension_numbers<[1], [0], [0], [1], [0, 0, 1, 1], [], []>, transpose_lhs_hint = false} : vector<2048x64xf32>, vector<64x64xf32>, vector<2048x64xf32> -> vector<2048x64xf32>
    %add3A = arith.addf %dot_general3A_8, %dot_general3A_13 : vector<2048x64xf32>
    %get3A_14 = arith.constant 0 : index
    %get3A_15 = arith.constant 0 : index
    %get3A_16 = vector.load %arg5[%get3A_14, %get3A_15] : memref<1x64xf32, #tpu.memory_space<vmem>>, vector<1x64xf32>
    %add3A_17 = vector.broadcast %get3A_16 : vector<1x64xf32> to vector<2048x64xf32>
    %add3A_18 = arith.addf %add3A, %add3A_17 : vector<2048x64xf32>
    %swap3A = arith.constant 0 : index
    %swap3A_19 = arith.constant 0 : index
    %swap3A_20 = vector.load %arg9[%swap3A, %swap3A_19] : memref<2048x128xf32, #tpu.memory_space<vmem>>, vector<2048x64xf32>
    tpu.vector_store %arg9[%swap3A, %swap3A_19], %add3A_18 {strides = array<i32>} : memref<2048x128xf32, #tpu.memory_space<vmem>>, vector<2048x64xf32>,
    %get3A_21 = arith.constant 0 : index
    %get3A_22 = arith.constant 0 : index
    %get3A_23 = vector.load %arg6[%get3A_21, %get3A_22] : memref<3x96xf32, #tpu.memory_space<vmem>>, vector<3x96xf32>
    %dot_general3A_24 = arith.constant dense<0.000000e+00> : vector<2048x96xf32>
    %dot_general3A_25 = tpu.matmul %get3A_1, %get3A_23, %dot_general3A_24 {dimension_numbers = #tpu.dot_dimension_numbers<[1], [0], [0], [1], [0, 0, 1, 1], [], []>, transpose_lhs_hint = false} : vector<2048x3xf32>, vector<3x96xf32>, vector<2048x96xf32> -> vector<2048x96xf32>
    %get3A_26 = arith.constant 0 : index
    %get3A_27 = arith.constant 0 : index
    %get3A_28 = vector.load %arg7[%get3A_26, %get3A_27] : memref<64x96xf32, #tpu.memory_space<vmem>>, vector<64x96xf32>
    %dot_general3A_29 = arith.constant dense<0.000000e+00> : vector<2048x96xf32>
    %dot_general3A_30 = tpu.matmul %get3A_4, %get3A_28, %dot_general3A_29 {dimension_numbers = #tpu.dot_dimension_numbers<[1], [0], [0], [1], [0, 0, 1, 1], [], []>, transpose_lhs_hint = false} : vector<2048x64xf32>, vector<64x96xf32>, vector<2048x96xf32> -> vector<2048x96xf32>
    %add3A_31 = arith.addf %dot_general3A_25, %dot_general3A_30 : vector<2048x96xf32>
    %get3A_32 = arith.constant 0 : index
    %get3A_33 = arith.constant 0 : index
    %get3A_34 = vector.load %arg8[%get3A_32, %get3A_33] : memref<1x96xf32, #tpu.memory_space<vmem>>, vector<1x96xf32>
    %add3A_35 = vector.broadcast %get3A_34 : vector<1x96xf32> to vector<2048x96xf32>
    %add3A_36 = arith.addf %add3A_31, %add3A_35 : vector<2048x96xf32>
    %swap3A_37 = arith.constant 0 : index
    %swap3A_38 = arith.constant 0 : index
    %swap3A_39 = vector.load %arg10[%swap3A_37, %swap3A_38] : memref<2048x128xf32, #tpu.memory_space<vmem>>, vector<2048x96xf32>
    tpu.vector_store %arg10[%swap3A_37, %swap3A_38], %add3A_36 {strides = array<i32>} : memref<2048x128xf32, #tpu.memory_space<vmem>>, vector<2048x96xf32>,
    return
  }
  func.func @transform_0(%arg0: i32) -> (i32, i32) {
    %c0_i32 = arith.constant 0 : i32
    %c0_i32_0 = arith.constant 0 : i32
    return %arg0, %c0_i32 : i32, i32
  }
  func.func @transform_1(%arg0: i32) -> (i32, i32) {
    %c0_i32 = arith.constant 0 : i32
    %c0_i32_0 = arith.constant 0 : i32
    return %arg0, %c0_i32 : i32, i32
  }
  func.func @transform_2(%arg0: i32) -> (i32, i32) {
    %c0_i32 = arith.constant 0 : i32
    %c0_i32_0 = arith.constant 0 : i32
    %c0_i32_1 = arith.constant 0 : i32
    return %c0_i32, %c0_i32_0 : i32, i32
  }
  func.func @transform_3(%arg0: i32) -> (i32, i32) {
    %c0_i32 = arith.constant 0 : i32
    %c0_i32_0 = arith.constant 0 : i32
    %c0_i32_1 = arith.constant 0 : i32
    return %c0_i32, %c0_i32_0 : i32, i32
  }
  func.func @transform_4(%arg0: i32) -> (i32, i32) {
    %c0_i32 = arith.constant 0 : i32
    %c0_i32_0 = arith.constant 0 : i32
    %c0_i32_1 = arith.constant 0 : i32
    return %c0_i32, %c0_i32_0 : i32, i32
  }
  func.func @transform_5(%arg0: i32) -> (i32, i32) {
    %c0_i32 = arith.constant 0 : i32
    %c0_i32_0 = arith.constant 0 : i32
    %c0_i32_1 = arith.constant 0 : i32
    return %c0_i32, %c0_i32_0 : i32, i32
  }
  func.func @transform_6(%arg0: i32) -> (i32, i32) {
    %c0_i32 = arith.constant 0 : i32
    %c0_i32_0 = arith.constant 0 : i32
    %c0_i32_1 = arith.constant 0 : i32
    return %c0_i32, %c0_i32_0 : i32, i32
  }
  func.func @transform_7(%arg0: i32) -> (i32, i32) {
    %c0_i32 = arith.constant 0 : i32
    %c0_i32_0 = arith.constant 0 : i32
    %c0_i32_1 = arith.constant 0 : i32
    return %c0_i32, %c0_i32_0 : i32, i32
  }
  func.func @transform_8(%arg0: i32) -> (i32, i32) {
    %c0_i32 = arith.constant 0 : i32
    %c0_i32_0 = arith.constant 0 : i32
    return %arg0, %c0_i32 : i32, i32
  }
  func.func @transform_9(%arg0: i32) -> (i32, i32) {
    %c0_i32 = arith.constant 0 : i32
    %c0_i32_0 = arith.constant 0 : i32
    return %arg0, %c0_i32 : i32, i32
  }
}

module attributes {stable_mosaic.version = 14 : i64} {
  func.func @_head_body(%arg0: i32, %arg1: memref<128x3xf32, #tpu.memory_space<vmem>>, %arg2: memref<4096x128xf32, #tpu.memory_space<vmem>>, %arg3: memref<8192x128xf32, #tpu.memory_space<vmem>>, %arg4: memref<3x64xf32, #tpu.memory_space<vmem>>, %arg5: memref<3x96xf32, #tpu.memory_space<vmem>>, %arg6: memref<64x128xf32, #tpu.memory_space<vmem>>, %arg7: memref<1x128xf32, #tpu.memory_space<vmem>>, %arg8: memref<96x128xf32, #tpu.memory_space<vmem>>, %arg9: memref<1x128xf32, #tpu.memory_space<vmem>>, %arg10: memref<1x256x128xf32, #tpu.memory_space<vmem>>) attributes {dimension_semantics = [#tpu.dimension_semantics<arbitrary>], iteration_bounds = array<i64: 32>, scalar_prefetch = 0 : i64, scratch_operands = 0 : i64, tpu.core_type = #tpu.core_type<tc>, window_params = [{transform_indices = @transform_0, window_bounds = array<i64: 128, 3>}, {transform_indices = @transform_1, window_bounds = array<i64: 4096, 128>}, {transform_indices = @transform_2, window_bounds = array<i64: 8192, 128>}, {pipeline_mode = #tpu.pipeline_mode<synchronous>, transform_indices = @transform_3, window_bounds = array<i64: 3, 64>}, {pipeline_mode = #tpu.pipeline_mode<synchronous>, transform_indices = @transform_4, window_bounds = array<i64: 3, 96>}, {pipeline_mode = #tpu.pipeline_mode<synchronous>, transform_indices = @transform_5, window_bounds = array<i64: 64, 128>}, {pipeline_mode = #tpu.pipeline_mode<synchronous>, transform_indices = @transform_6, window_bounds = array<i64: 1, 128>}, {pipeline_mode = #tpu.pipeline_mode<synchronous>, transform_indices = @transform_7, window_bounds = array<i64: 96, 128>}, {pipeline_mode = #tpu.pipeline_mode<synchronous>, transform_indices = @transform_8, window_bounds = array<i64: 1, 128>}, {transform_indices = @transform_9, window_bounds = array<i64: 1, 256, 128>}]} {
    %get3A = arith.constant 0 : index
    %get3A_0 = arith.constant 0 : index
    %get3A_1 = vector.load %arg1[%get3A, %get3A_0] : memref<128x3xf32, #tpu.memory_space<vmem>>, vector<128x3xf32>
    %get3A_2 = arith.constant 0 : index
    %get3A_3 = arith.constant 0 : index
    %get3A_4 = vector.load %arg4[%get3A_2, %get3A_3] : memref<3x64xf32, #tpu.memory_space<vmem>>, vector<3x64xf32>
    %dot_general3A = arith.constant dense<0.000000e+00> : vector<128x64xf32>
    %dot_general3A_5 = tpu.matmul %get3A_1, %get3A_4, %dot_general3A {dimension_numbers = #tpu.dot_dimension_numbers<[1], [0], [0], [1], [0, 0, 1, 1], [], []>, transpose_lhs_hint = false} : vector<128x3xf32>, vector<3x64xf32>, vector<128x64xf32> -> vector<128x64xf32>
    %get3A_6 = arith.constant 0 : index
    %get3A_7 = arith.constant 0 : index
    %get3A_8 = vector.load %arg2[%get3A_6, %get3A_7] : memref<4096x128xf32, #tpu.memory_space<vmem>>, vector<4096x64xf32>
    %reshape3A = vector.shape_cast %get3A_8 : vector<4096x64xf32> to vector<128x32x64xf32>
    %broadcast_in_dim3A = vector.shape_cast %dot_general3A_5 : vector<128x64xf32> to vector<128x1x64xf32>
    %sub3A = vector.broadcast %broadcast_in_dim3A : vector<128x1x64xf32> to vector<128x32x64xf32>
    %sub3A_9 = arith.subf %reshape3A, %sub3A : vector<128x32x64xf32>
    %max3A = arith.constant 0.000000e+00 : f32
    %max3A_10 = vector.broadcast %max3A : f32 to vector<128x32x64xf32>
    %max3A_11 = arith.maximumf %sub3A_9, %max3A_10 : vector<128x32x64xf32>
    %reshape3A_12 = vector.shape_cast %max3A_11 : vector<128x32x64xf32> to vector<4096x64xf32>
    %get3A_13 = arith.constant 0 : index
    %get3A_14 = arith.constant 0 : index
    %get3A_15 = vector.load %arg6[%get3A_13, %get3A_14] : memref<64x128xf32, #tpu.memory_space<vmem>>, vector<64x128xf32>
    %dot_general3A_16 = arith.constant dense<0.000000e+00> : vector<4096x128xf32>
    %dot_general3A_17 = tpu.matmul %reshape3A_12, %get3A_15, %dot_general3A_16 {dimension_numbers = #tpu.dot_dimension_numbers<[1], [0], [0], [1], [0, 0, 1, 1], [], []>, transpose_lhs_hint = false} : vector<4096x64xf32>, vector<64x128xf32>, vector<4096x128xf32> -> vector<4096x128xf32>
    %get3A_18 = arith.constant 0 : index
    %get3A_19 = arith.constant 0 : index
    %get3A_20 = vector.load %arg7[%get3A_18, %get3A_19] : memref<1x128xf32, #tpu.memory_space<vmem>>, vector<1x128xf32>
    %add3A = vector.broadcast %get3A_20 : vector<1x128xf32> to vector<4096x128xf32>
    %add3A_21 = arith.addf %dot_general3A_17, %add3A : vector<4096x128xf32>
    %max3A_22 = arith.constant 0.000000e+00 : f32
    %max3A_23 = vector.broadcast %max3A_22 : f32 to vector<4096x128xf32>
    %max3A_24 = arith.maximumf %add3A_21, %max3A_23 : vector<4096x128xf32>
    %reshape3A_25 = vector.shape_cast %max3A_24 : vector<4096x128xf32> to vector<128x32x128xf32>
    %reduce_max3A = arith.constant dense<0xFF800000> : vector<128x128xf32>
    %reduce_max3A_26 = vector.multi_reduction <maximumf>, %reshape3A_25, %reduce_max3A [1] : vector<128x32x128xf32> to vector<128x128xf32>
    %get3A_27 = arith.constant 0 : index
    %get3A_28 = arith.constant 0 : index
    %get3A_29 = vector.load %arg5[%get3A_27, %get3A_28] : memref<3x96xf32, #tpu.memory_space<vmem>>, vector<3x96xf32>
    %dot_general3A_30 = arith.constant dense<0.000000e+00> : vector<128x96xf32>
    %dot_general3A_31 = tpu.matmul %get3A_1, %get3A_29, %dot_general3A_30 {dimension_numbers = #tpu.dot_dimension_numbers<[1], [0], [0], [1], [0, 0, 1, 1], [], []>, transpose_lhs_hint = false} : vector<128x3xf32>, vector<3x96xf32>, vector<128x96xf32> -> vector<128x96xf32>
    %get3A_32 = arith.constant 0 : index
    %get3A_33 = arith.constant 0 : index
    %get3A_34 = vector.load %arg3[%get3A_32, %get3A_33] : memref<8192x128xf32, #tpu.memory_space<vmem>>, vector<8192x96xf32>
    %reshape3A_35 = vector.shape_cast %get3A_34 : vector<8192x96xf32> to vector<128x64x96xf32>
    %broadcast_in_dim3A_36 = vector.shape_cast %dot_general3A_31 : vector<128x96xf32> to vector<128x1x96xf32>
    %sub3A_37 = vector.broadcast %broadcast_in_dim3A_36 : vector<128x1x96xf32> to vector<128x64x96xf32>
    %sub3A_38 = arith.subf %reshape3A_35, %sub3A_37 : vector<128x64x96xf32>
    %max3A_39 = arith.constant 0.000000e+00 : f32
    %max3A_40 = vector.broadcast %max3A_39 : f32 to vector<128x64x96xf32>
    %max3A_41 = arith.maximumf %sub3A_38, %max3A_40 : vector<128x64x96xf32>
    %reshape3A_42 = vector.shape_cast %max3A_41 : vector<128x64x96xf32> to vector<8192x96xf32>
    %get3A_43 = arith.constant 0 : index
    %get3A_44 = arith.constant 0 : index
    %get3A_45 = vector.load %arg8[%get3A_43, %get3A_44] : memref<96x128xf32, #tpu.memory_space<vmem>>, vector<96x128xf32>
    %dot_general3A_46 = arith.constant dense<0.000000e+00> : vector<8192x128xf32>
    %dot_general3A_47 = tpu.matmul %reshape3A_42, %get3A_45, %dot_general3A_46 {dimension_numbers = #tpu.dot_dimension_numbers<[1], [0], [0], [1], [0, 0, 1, 1], [], []>, transpose_lhs_hint = false} : vector<8192x96xf32>, vector<96x128xf32>, vector<8192x128xf32> -> vector<8192x128xf32>
    %get3A_48 = arith.constant 0 : index
    %get3A_49 = arith.constant 0 : index
    %get3A_50 = vector.load %arg9[%get3A_48, %get3A_49] : memref<1x128xf32, #tpu.memory_space<vmem>>, vector<1x128xf32>
    %add3A_51 = vector.broadcast %get3A_50 : vector<1x128xf32> to vector<8192x128xf32>
    %add3A_52 = arith.addf %dot_general3A_47, %add3A_51 : vector<8192x128xf32>
    %max3A_53 = arith.constant 0.000000e+00 : f32
    %max3A_54 = vector.broadcast %max3A_53 : f32 to vector<8192x128xf32>
    %max3A_55 = arith.maximumf %add3A_52, %max3A_54 : vector<8192x128xf32>
    %reshape3A_56 = vector.shape_cast %max3A_55 : vector<8192x128xf32> to vector<128x64x128xf32>
    %reduce_max3A_57 = arith.constant dense<0xFF800000> : vector<128x128xf32>
    %reduce_max3A_58 = vector.multi_reduction <maximumf>, %reshape3A_56, %reduce_max3A_57 [1] : vector<128x64x128xf32> to vector<128x128xf32>
    %concatenate3A = tpu.concatenate %reduce_max3A_26, %reduce_max3A_58 in 1 : vector<128x128xf32>, vector<128x128xf32> -> vector<128x256xf32>
    %transpose3A = tpu.transpose %concatenate3A, [1, 0] : vector<128x256xf32> -> vector<256x128xf32>
    %broadcast_in_dim3A_59 = vector.shape_cast %transpose3A : vector<256x128xf32> to vector<1x256x128xf32>
    %swap3A = arith.constant 0 : index
    %swap3A_60 = arith.constant 0 : index
    %swap3A_61 = arith.constant 0 : index
    %swap3A_62 = vector.load %arg10[%swap3A, %swap3A_60, %swap3A_61] : memref<1x256x128xf32, #tpu.memory_space<vmem>>, vector<1x256x128xf32>
    tpu.vector_store %arg10[%swap3A, %swap3A_60, %swap3A_61], %broadcast_in_dim3A_59 {strides = array<i32>} : memref<1x256x128xf32, #tpu.memory_space<vmem>>, vector<1x256x128xf32>,
    return
  }
  func.func @transform_0(%arg0: i32) -> (i32, i32) {
    %c0_i32 = arith.constant 0 : i32
    %c0_i32_0 = arith.constant 0 : i32
    return %arg0, %c0_i32 : i32, i32
  }
  func.func @transform_1(%arg0: i32) -> (i32, i32) {
    %c0_i32 = arith.constant 0 : i32
    %c0_i32_0 = arith.constant 0 : i32
    return %arg0, %c0_i32 : i32, i32
  }
  func.func @transform_2(%arg0: i32) -> (i32, i32) {
    %c0_i32 = arith.constant 0 : i32
    %c0_i32_0 = arith.constant 0 : i32
    return %arg0, %c0_i32 : i32, i32
  }
  func.func @transform_3(%arg0: i32) -> (i32, i32) {
    %c0_i32 = arith.constant 0 : i32
    %c0_i32_0 = arith.constant 0 : i32
    %c0_i32_1 = arith.constant 0 : i32
    return %c0_i32, %c0_i32_0 : i32, i32
  }
  func.func @transform_4(%arg0: i32) -> (i32, i32) {
    %c0_i32 = arith.constant 0 : i32
    %c0_i32_0 = arith.constant 0 : i32
    %c0_i32_1 = arith.constant 0 : i32
    return %c0_i32, %c0_i32_0 : i32, i32
  }
  func.func @transform_5(%arg0: i32) -> (i32, i32) {
    %c0_i32 = arith.constant 0 : i32
    %c0_i32_0 = arith.constant 0 : i32
    %c0_i32_1 = arith.constant 0 : i32
    return %c0_i32, %c0_i32_0 : i32, i32
  }
  func.func @transform_6(%arg0: i32) -> (i32, i32) {
    %c0_i32 = arith.constant 0 : i32
    %c0_i32_0 = arith.constant 0 : i32
    %c0_i32_1 = arith.constant 0 : i32
    return %c0_i32, %c0_i32_0 : i32, i32
  }
  func.func @transform_7(%arg0: i32) -> (i32, i32) {
    %c0_i32 = arith.constant 0 : i32
    %c0_i32_0 = arith.constant 0 : i32
    %c0_i32_1 = arith.constant 0 : i32
    return %c0_i32, %c0_i32_0 : i32, i32
  }
  func.func @transform_8(%arg0: i32) -> (i32, i32) {
    %c0_i32 = arith.constant 0 : i32
    %c0_i32_0 = arith.constant 0 : i32
    %c0_i32_1 = arith.constant 0 : i32
    return %c0_i32, %c0_i32_0 : i32, i32
  }
  func.func @transform_9(%arg0: i32) -> (i32, i32, i32) {
    %jit3A = arith.constant 8 : i32
    %div3A = arith.divsi %arg0, %jit3A : i32
    %sign3A = arith.constant 0 : i32
    %sign3A_0 = arith.cmpi sgt, %arg0, %sign3A : i32
    %sign3A_1 = arith.extui %sign3A_0 : i1 to i32
    %sign3A_2 = arith.constant 0 : i32
    %sign3A_3 = arith.cmpi slt, %arg0, %sign3A_2 : i32
    %sign3A_4 = arith.extui %sign3A_3 : i1 to i32
    %sign3A_5 = arith.subi %sign3A_1, %sign3A_4 : i32
    %sign3A_6 = arith.constant 0 : i32
    %sign3A_7 = arith.cmpi sgt, %jit3A, %sign3A_6 : i32
    %sign3A_8 = arith.extui %sign3A_7 : i1 to i32
    %sign3A_9 = arith.constant 0 : i32
    %sign3A_10 = arith.cmpi slt, %jit3A, %sign3A_9 : i32
    %sign3A_11 = arith.extui %sign3A_10 : i1 to i32
    %sign3A_12 = arith.subi %sign3A_8, %sign3A_11 : i32
    %ne3A = arith.cmpi ne, %sign3A_5, %sign3A_12 : i32
    %rem3A = arith.remsi %arg0, %jit3A : i32
    %ne3A_13 = arith.constant 0 : i32
    %ne3A_14 = arith.cmpi ne, %rem3A, %ne3A_13 : i32
    %and3A = arith.andi %ne3A, %ne3A_14 : i1
    %sub3A = arith.constant 1 : i32
    %sub3A_15 = arith.subi %div3A, %sub3A : i32
    %select_n3A = arith.select %and3A, %sub3A_15, %div3A : i32
    %jit3A_16 = arith.constant 8 : i32
    %eq3A = arith.constant 0 : i32
    %eq3A_17 = arith.cmpi eq, %jit3A_16, %eq3A : i32
    %jit3A_18 = arith.constant 1 : i32
    %select_n3A_19 = arith.select %eq3A_17, %jit3A_18, %jit3A_16 : i32
    %rem3A_20 = arith.remsi %arg0, %select_n3A_19 : i32
    %ne3A_21 = arith.constant 0 : i32
    %ne3A_22 = arith.cmpi ne, %rem3A_20, %ne3A_21 : i32
    %lt3A = arith.constant 0 : i32
    %lt3A_23 = arith.cmpi slt, %rem3A_20, %lt3A : i32
    %lt3A_24 = arith.constant 0 : i32
    %lt3A_25 = arith.cmpi slt, %select_n3A_19, %lt3A_24 : i32
    %ne3A_26 = arith.xori %lt3A_23, %lt3A_25 : i1
    %and3A_27 = arith.andi %ne3A_26, %ne3A_22 : i1
    %add3A = arith.addi %rem3A_20, %select_n3A_19 : i32
    %select_n3A_28 = arith.select %and3A_27, %add3A, %rem3A_20 : i32
    %c0_i32 = arith.constant 0 : i32
    %c0_i32_29 = arith.constant 0 : i32
    return %select_n3A, %c0_i32, %select_n3A_28 : i32, i32, i32
  }
}

</mosaic_0001>

<sc_bundles>
// kernel: kernel.6.cloned.1.call-start
scs
__scs_entry_jumppad:
0x0: {  	(pc) =	sbr.rel $0x88, $3  }
0x1: {  	(tag) =	ssettag $0x0;
	lr =	simm.s32 $0x1  }
0x2: {  	[smem:$0x3F86] =	sst lr;
	_ =	strace $0xD0000000  }
0x3: {  	_ = 	snop  }
0x4: {  	_ = 	snop  }
0x5: {  	_ = 	snop  }
0x6: {  	_ = 	snop  }
0x7: {  	_ = 	snop  }
__scs_overlays_trampoline_lowered:
0x8: {  	[smem:$0x3F95] =	sst s0  }
0x9: {  	[smem:$0x3F96] =	sst s1  }
0xa: {  	[smem:$0x3F97] =	sst s2  }
0xb: {  	[smem:$0x3F98] =	sst s3  }
0xc: {  	[smem:$0x3F99] =	sst s4  }
0xd: {  	[smem:$0x3F9A] =	sst s5  }
0xe: {  	[smem:$0x3F9B] =	sst s6  }
0xf: {  	[smem:$0x3F9C] =	sst s7  }
0x10: {  	[smem:$0x3F9D] =	sst s8  }
0x11: {  	[smem:$0x3F9E] =	sst s9;
	s0 =	simm.s32 @!p0 $0x0  }
0x12: {  	s1 =	sld [smem:$0x3F84];
	s0 =	simm.s32 @p0 $0x1  }
0x13: {  	[smem:$0x3F9F] =	sst s0;
	s0 =	simm.s32 @!p1 $0x0  }
0x14: {  	s2 =	sld [smem:$0x3F83];
	s0 =	simm.s32 @p1 $0x1  }
0x15: {  	[smem:$0x3FA0] =	sst s0;
	s0 =	simm.s32 @!p2 $0x0  }
0x16: {  	s3 =	sld [smem:$0x3FDB];
	s0 =	simm.s32 @p2 $0x1  }
0x17: {  	s4 =	simm.s32 $0x1BF5;
	[smem:$0x3FA2] =	sst s0  }
0x18: {  	s0 =	sld [smem:$0x3F85];
	_ =	swait.ge [sflag:s4], $0x0  }
0x19: {  	s7 =	sld [smem:$0x3F86]  }
0x1a: {  	s8 =	sadd.s32 $0xFFFFE003, lr  }
0x1b: {  	s9 =	sadd.s32 $0xFFFFFEF7, lr;
	s5 =	simm.s32 $0xFFFFFFFF;
	p2 =	slt.u32 s8, $0xFFFFF086  }
0x1c: {  	p1 =	slt.u32 s9, $0xF7A;
	s5 =	simm.s32 @!p2 $0x0  }
0x1d: {  	s5 =	simm.s32 @p1 $0x1;
	p0 =	seq.s32 s7, s2  }
0x1e: {  	s7 =	smul.u32 @!p0 $0xF7A, s2;
	p2 =	seq.s32 @!p0 s5, $0x0  }
0x1f: {  	s9 =	smul.u32 $0xF7A, s1;
	s8 =	simm.s32 @!p0 $0x1BF5;
	p2 =	por !p2, p0  }
0x20: {  	[sflag:s8] =	ssyncset.s32 @!p0 $0xFFFFF086;
	s6 =	sadd.s32 @!p0 s3, s7;
	s7 =	simm.s32 @!p0 $0x108  }
0x21: {  	s3 =	sadd.s32 s3, s9;
	s6 =	sadd.s32 @!p0 $0x88, s6;
	s7 =	simm.s32 @p2 $0x1082  }
0x22: {  	[simem:s7], [sflag:s8] =	dma.local @!p0 [hbm:s6], $0xF7A  }
0x23: {  	s9 =	sor.u32 $0xD0000000, s2;
	s6 =	simm.s32 $0x108;
	_ =	swait.ge @!p0 [sflag:s8], $0x0  }
0x24: {  	s3 =	sadd.s32 $0x88, s3;
	s6 =	simm.s32 @!p1 $0x1082;
	[sflag:s4] =	ssyncset.s32 $0xFFFFF086  }
0x25: {  	[simem:s6], [sflag:s4] =	dma.local [hbm:s3], $0xF7A  }
0x26: {  	[smem:$0x3F86] =	sst s1;
	(tag) =	ssettag s2;
	_ =	strace s9  }
0x27: {  	s1 =	sld [smem:$0x3F96]  }
0x28: {  	s2 =	sld [smem:$0x3F97]  }
0x29: {  	s4 =	sld [smem:$0x3F99]  }
0x2a: {  	p0 =	seq.s32 s5, $0x0;
	s5 =	sld [smem:$0x3F9A]  }
0x2b: {  	s6 =	sld [smem:$0x3F9B]  }
0x2c: {  	s7 =	sld [smem:$0x3F9C]  }
0x2d: {  	s3 =	simm.s32 $0x108;
	s8 =	sld [smem:$0x3F9D]  }
0x2e: {  	s3 =	simm.s32 @!p0 $0x1082;
	s9 =	sld [smem:$0x3F9E]  }
0x2f: {  	lr =	sadd.s32 s0, s3;
	s0 =	sld [smem:$0x3F95]  }
0x30: {  	s3 =	sld [smem:$0x3F98]  }
0x31: {  	[smem:$0x3FA1] =	sst s10  }
0x32: {  	s10 =	sld [smem:$0x3F9F];
	_ =	sdelay $0x3  }
0x33: {  	p0 =	seq.s32 s10, $0x1;
	s10 =	sld [smem:$0x3FA1];
	_ =	sdelay $0x3  }
0x34: {  	[smem:$0x3FA1] =	sst s10  }
0x35: {  	s10 =	sld [smem:$0x3FA0];
	_ =	sdelay $0x3  }
0x36: {  	p1 =	seq.s32 s10, $0x1;
	s10 =	sld [smem:$0x3FA1];
	_ =	sdelay $0x3  }
0x37: {  	[smem:$0x3FA1] =	sst s10  }
0x38: {  	s10 =	sld [smem:$0x3FA2]  }
0x39: {  	_ = 	snop;
	(pc) =	sbr.ind lr, $3  }
0x3a: {  	_ = 	snop  }
0x3b: {  	_ = 	snop  }
0x3c: {  	p2 =	seq.s32 s10, $0x1;
	s10 =	sld [smem:$0x3FA1]  }
0x3d: {  	_ =	shalt  }
0x3e: {  	_ =	shalt  }
0x3f: {  	_ =	shalt  }
0x40: {  	_ =	shalt  }
0x41: {  	_ =	shalt  }
0x42: {  	_ =	shalt  }
0x43: {  	_ =	shalt  }
0x44: {  	_ =	shalt  }
0x45: {  	_ =	shalt  }
0x46: {  	_ =	shalt  }
0x47: {  	_ =	shalt  }
0x48: {  	_ =	shalt  }
0x49: {  	_ =	shalt  }
0x4a: {  	_ =	shalt  }
0x4b: {  	_ =	shalt  }
0x4c: {  	_ =	shalt  }
0x4d: {  	_ =	shalt  }
0x4e: {  	_ =	shalt  }
0x4f: {  	_ =	shalt  }
0x50: {  	_ =	shalt  }
0x51: {  	_ =	shalt  }
0x52: {  	_ =	shalt  }
0x53: {  	_ =	shalt  }
0x54: {  	_ =	shalt  }
0x55: {  	_ =	shalt  }
0x56: {  	_ =	shalt  }
0x57: {  	_ =	shalt  }
0x58: {  	_ =	shalt  }
0x59: {  	_ =	shalt  }
0x5a: {  	_ =	shalt  }
0x5b: {  	_ =	shalt  }
0x5c: {  	_ =	shalt  }
0x5d: {  	_ =	shalt  }
0x5e: {  	_ =	shalt  }
0x5f: {  	_ =	shalt  }
0x60: {  	_ =	shalt  }
0x61: {  	_ =	shalt  }
0x62: {  	_ =	shalt  }
0x63: {  	_ =	shalt  }
0x64: {  	_ =	shalt  }
0x65: {  	_ =	shalt  }
0x66: {  	_ =	shalt  }
0x67: {  	_ =	shalt  }
0x68: {  	_ =	shalt  }
0x69: {  	_ =	shalt  }
0x6a: {  	_ =	shalt  }
0x6b: {  	_ =	shalt  }
0x6c: {  	_ =	shalt  }
0x6d: {  	_ =	shalt  }
0x6e: {  	_ =	shalt  }
0x6f: {  	_ =	shalt  }
0x70: {  	_ =	shalt  }
0x71: {  	_ =	shalt  }
0x72: {  	_ =	shalt  }
0x73: {  	_ =	shalt  }
0x74: {  	_ =	shalt  }
0x75: {  	_ =	shalt  }
0x76: {  	_ =	shalt  }
0x77: {  	_ =	shalt  }
0x78: {  	_ =	shalt  }
0x79: {  	_ =	shalt  }
0x7a: {  	_ =	shalt  }
0x7b: {  	_ =	shalt  }
0x7c: {  	_ =	shalt  }
0x7d: {  	_ =	shalt  }
0x7e: {  	_ =	shalt  }
0x7f: {  	_ =	shalt  }
0x80: {  	_ =	shalt  }
0x81: {  	_ =	shalt  }
0x82: {  	_ =	shalt  }
0x83: {  	_ =	shalt  }
0x84: {  	_ =	shalt  }
0x85: {  	_ =	shalt  }
0x86: {  	_ =	shalt  }
0x87: {  	_ =	shalt  }
.Lfunc_end0:
.L_simem_size_0:
called_computation_lowered:
.L_overlay_start_0:
0x88: {  	s2 =	sld [smem:$0x3FD9]  }
0x89: {  	s3 =	sld [smem:$0x3FFE];
	_ =	sdelay $0x1  }
0x8a: {  	s1 =	srdreg.scid  }
0x8b: {  	s0 =	sand.u32 $0x1, s1  }
0x8c: {  	s14 =	sshll.u32 s0, $0xA;
	s2 =	sadd.s32 s3, s2  }
0x8d: {  	s2 =	sadd.s32 s2, s14  }
0x8e: {  	[smem:$0x3FAD] =	sst s2  }
0x8f: {  	_ = 	snop  }
0x90: {  	s2 =	sld [smem:$0x3FD0];
	_ =	sdelay $0x2  }
0x91: {  	s15 =	simm.s32 $0xA;
	s4 =	simm.s32 $0x10  }
0x92: {  	[smem:s4], [sflag:s15] =	dma.local [hbm:s2], $0x1  }
0x93: {  	_ =	swait.eq [sflag:s15], $0x1  }
0x94: {  	[sflag:s15] =	ssyncset.done $0x0  }
0x95: {  	s16 =	sld [smem:$0x11];
	[sflag:s15] =	ssyncadd.s32 $0xFFFFFFFF  }
0x96: {  	s17 =	sld [smem:$0x12];
	(tm) =	ssettm $0x1  }
0x97: {  	s18 =	sld [smem:$0x3FFB];
	_ =	sdelay $0x3  }
0x98: {  	_ =	strace s18  }
0x99: {  	s4 =	sld [smem:$0x3FFC];
	_ =	sdelay $0x3  }
0x9a: {  	_ =	strace s4  }
0x9b: {  	s4 =	sld [smem:$0x3FFD];
	_ =	sdelay $0x3  }
0x9c: {  	_ =	strace s4  }
0x9d: {  	_ =	strace $0x8FFFFFFF  }
0x9e: {  	s19 =	sld [smem:$0x3FDB];
	_ =	sdelay $0x1  }
0x9f: {  	s5 =	simm.s32 $_scs_section_size  }
0xa0: {  	s6 =	simm.s32 $_size__tile_overlayer_lowered;
	s7 =	simm.s32 $_tile_overlayer_lowered  }
0xa1: {  	s22 =	simm.s32 $0x1BFF;
	s21 =	sshll.u32 s7, $0x1;
	s4 =	sadd.s32 s5, s19  }
0xa2: {  	s8 =	simm.s32 $0x0;
	s20 =	sshll.u32 s6, $0x1;
	s6 =	sadd.s32 s21, s4  }
0xa3: {  	[timem:s8], [sflag:s22] =	dma.local [hbm:s6], s20  }
0xa4: {  	_ =	swait.ge [sflag:s22], s20  }
0xa5: {  	s5 =	ssub.s32 $0x0, s20;
	[sflag:s22] =	ssyncset.done $0x0  }
0xa6: {  	[sflag:s22] =	ssyncadd.s32 s5;
	_ =	sdelay $0x1  }
0xa7: {  	s23 =	simm.s32 $0x1B8B  }
0xa8: {  	_ =	swait.ge [sflag:s23], $0x1  }
0xa9: {  	[sflag:s23] =	ssyncset.done $0x0  }
0xaa: {  	s25 =	simm.s32 $0x1B8E;
	s24 =	sld [smem:$0x3FFE];
	[sflag:s23] =	ssyncadd.s32 $0xFFFFFFFF  }
0xab: {  	s26 =	simm.s32 $execute0_lowered;
	[smem:$0x3FD2] =	sst s25  }
0xac: {  	s6 =	sshll.u32 s26, $0x1;
	_ =	strace $0x80000046;
	[dreg:$0x1] =	wrdreg $0xFFFFFFFF  }
0xad: {  	s28 =	simm.s32 $_size_execute0_lowered;
	s4 =	sadd.s32 s4, s6;
	[dreg:$0x0] =	wrdreg $0x0  }
0xae: {  	s6 =	sshll.u32 s28, $0x1;
	[dreg:$0x2] =	wrdreg s4  }
0xaf: {  	[dreg:$0x3] =	wrdreg s6  }
0xb0: {  	[dreg:$0x4] =	wrdreg $0xC0  }
0xb1: {  	_ =	task [dreg:s8], $0x5FFFF  }
0xb2: {  	[dreg:$0x1] =	wrdreg $0xFFFFFFFF  }
0xb3: {  	[dreg:$0x0] =	wrdreg $0x60  }
0xb4: {  	[dreg:$0x2] =	wrdreg s24  }
0xb5: {  	[dreg:$0x3] =	wrdreg s17  }
0xb6: {  	[dreg:$0x4] =	wrdreg s16  }
0xb7: {  	[dreg:$0x5] =	wrdreg $0x9  }
0xb8: {  	_ =	task.clear_ibuf [dreg:s8], $0x6FFFF;
	_ =	strace $0x90000046  }
0xb9: {  	s29 =	simm.s32 $0x9;
	_ =	strace $0x80000048  }
0xba: {  	_ =	swait.ge [sflag:s29], $0x1  }
0xbb: {  	[sflag:s29] =	ssyncadd.s32 $0xFFFFFFFF  }
0xbc: {  	_ =	strace $0x90000048  }
0xbd: {  	_ =	sfence  }
0xbe: {  	s30 =	sld [smem:$0x0];
	_ =	sdelay $0x2  }
0xbf: {  	s31 =	sshll.u32 s1, $0xD;
	s1 =	sshrl.u32 s1, $0x2  }
0xc0: {  	s3 =	sand.u32 $0x4000, s31;
	s1 =	sadd.s32 s1, s30  }
0xc1: {  	s0 =	sor.u32 s3, s0;
	s1 =	sshll.u32 s1, $0x11  }
0xc2: {  	s0 =	sor.u32 s1, s0  }
0xc3: {  	s0 =	sadd.s32 $0x8F2B, s0  }
0xc4: {  	[sflag:s0] =	ssyncadd.remote.s32 $0x1  }
0xc5: {  	_ =	sfence.sel $0xFFFF  }
0xc6: {  	[dreg:$0x0] =	wrdreg $0xFFFFFFFF;
	(pc) =	sbr.abs _section_cstart, $3  }
0xc7: {  	[dreg:$0x1] =	wrdreg $0xFFFFFFFF  }
0xc8: {  	_ =	task.clear_ibuf [dreg:s8], $0x2FFFF;
	_ =	strace $0x9FFFFFFF  }
0xc9: {  	(tm) =	ssettm $0x7FFFFFFF  }
tec
execute0_lowered:
.L_overlay_start_1:
0x0: {  	(tag) =	ssettag $0x1  }
0x1: {  	s0 =	stileid.u32  }
0x2: {  	s13 =	rddreg [dreg:$0x0];
	s7 =	sshrl.u32 s0, $0x2  }
0x3: {  	s9 =	rddreg [dreg:$0x1];
	s3 =	smul.u32 $0x6000, s7  }
0x4: {  	s12 =	rddreg [dreg:$0x2]  }
0x5: {  	s1 =	rddreg [dreg:$0x3];
	s2 =	simm.s32 $0x0;
	s3 =	sshrl.u32 s3, $0x3  }
0x6: {  	[smem:$0x7FF] =	sst s2;
	s8 =	sadd.s32 s3, s13  }
0x7: {  	_ =	strace $0x80000047;
	s3 =	simm.s32 $0x1;
	s4 =	sadd.s32 $0x5600, s8  }
0x8: {  	[tilespmem:s2], [sflag:$0x1] =	stream.linear.gather [hbm4b:s4+s2], $0x2000, $0x38;
	[tilespmem:$0xA280] =	vst v63  }
0x9: {  	s5 =	srdreg.scid;
	s6 =	sshll.u32 s0, $0x1;
	_ =	swait.ge [sflag:s3], $0x2000  }
0xa: {  	s15 =	sand.u32 $0x1, s5;
	s10 =	sand.u32 $0x6, s6;
	[sflag:s3] =	ssyncset.done $0x0  }
0xb: {  	s6 =	simm.s32 $0x2000;
	s5 =	sadd.s32 $0x5A00, s8;
	[sflag:s3] =	ssyncadd.s32 $0xFFFFE000  }
0xc: {  	[tilespmem:s6], [sflag:$0x1] =	stream.linear.gather [hbm4b:s5+s2], $0x2000, $0x38;
	[tilespmem:$0xA280] =	vst v63  }
0xd: {  	s10 =	sor.u32 s15, s10;
	_ =	swait.ge [sflag:s3], $0x2000  }
0xe: {  	s11 =	sshll.u32 s7, $0xA;
	s10 =	sshll.u32 s10, $0x7;
	[sflag:s3] =	ssyncset.done $0x0  }
0xf: {  	s7 =	sadd.s32 $0x5E00, s8;
	s8 =	simm.s32 $0x4000;
	[sflag:s3] =	ssyncadd.s32 $0xFFFFE000  }
0x10: {  	[tilespmem:s8], [sflag:$0x1] =	stream.linear.gather [hbm4b:s7+s2], $0x2000, $0x38;
	[tilespmem:$0xA280] =	vst v63  }
0x11: {  	s16 =	sor.u32 s11, s10;
	_ =	swait.ge [sflag:s3], $0x2000  }
0x12: {  	s14 =	sshrl.u32 s16, $0x3;
	[sflag:s3] =	ssyncset.done $0x0  }
0x13: {  	s10 =	simm.s32 $0x6000;
	s9 =	sadd.s32 s9, s14;
	[sflag:s3] =	ssyncadd.s32 $0xFFFFE000  }
0x14: {  	[tilespmem:s10], [sflag:$0x1] =	stream.linear.gather [hbm4b:s9+s2], $0x80, $0x38;
	[tilespmem:$0xA280] =	vst v63  }
0x15: {  	_ =	swait.ge [sflag:s3], $0x80  }
0x16: {  	[sflag:s3] =	ssyncset.done $0x0  }
0x17: {  	[sflag:s3] =	ssyncadd.s32 $0xFFFFFF80  }
0x18: {  	v3 =	vld [tilespmem:$0x6000];
	_ =	sdelay $0x5  }
0x19: {  	v0 =	vlaneseq.u32  }
0x1a: {  	v0 =	vmul.u32 $0x80, v0  }
0x1b: {  	v4 =	vld.idx.msk [tilespmem:v3+s2+$0x0], $0xffff  }
0x1c: {  	v1 =	vor.u32 $0x1, v0;
	v5 =	vld.idx.msk [tilespmem:v3+s6+$0x0], $0xffff  }
0x1d: {  	v2 =	vor.u32 $0x2, v0;
	v3 =	vld.idx.msk [tilespmem:v3+s8+$0x0], $0xffff;
	_ =	sdelay $0x1  }
0x1e: {  	s11 =	simm.s32 $0x6080  }
0x1f: {  	[tilespmem:v0+s11+$0x0] =	vst.idx.msk $0xffff, v4  }
0x20: {  	[tilespmem:v1+s11+$0x0] =	vst.idx.msk $0xffff, v5  }
0x21: {  	v7 =	vshrl.u32 v5, $0x10;
	v8 =	vmul.f32 v4, v4;
	v9 =	vmul.f32 v5, v5;
	[tilespmem:v2+s11+$0x0] =	vst.idx.msk $0xffff, v3  }
0x22: {  	v6 =	vshrl.u32 v4, $0x10;
	v11 =	vshrl.u32 v3, $0x10;
	v7 =	vand.u32 $0x1, v7;
	v10 =	vld [tilespmem:$0x6010]  }
0x23: {  	v6 =	vand.u32 $0x1, v6;
	v8 =	vadd.f32 v9, v8;
	v5 =	vadd.s32 v7, v5  }
0x24: {  	v7 =	vmul.f32 v3, v3;
	v4 =	vadd.s32 v6, v4;
	v5 =	vadd.s32 $0x7FFF, v5  }
0x25: {  	v6 =	vand.u32 $0x1, v11;
	v4 =	vadd.s32 $0x7FFF, v4;
	v5 =	vand.u32 $0xFFFF0000, v5  }
0x26: {  	v3 =	vadd.s32 v6, v3;
	v6 =	vadd.f32 v7, v8;
	v4 =	vand.u32 $0xFFFF0000, v4;
	[tilespmem:$0xA100] =	vst v5  }
0x27: {  	v3 =	vadd.s32 $0x7FFF, v3;
	[tilespmem:$0xA080] =	vst v4  }
0x28: {  	v3 =	vand.u32 $0xFFFF0000, v3;
	[tilespmem:$0xA200] =	vst v6  }
0x29: {  	[tilespmem:$0xA180] =	vst v3  }
0x2a: {  	v3 =	vor.u32 $0x800, v0;
	v6 =	vld.idx.msk [tilespmem:v10+s2+$0x0], $0xffff  }
0x2b: {  	v4 =	vor.u32 $0x801, v0;
	v7 =	vld.idx.msk [tilespmem:v10+s6+$0x0], $0xffff  }
0x2c: {  	v5 =	vor.u32 $0x802, v0;
	v8 =	vld.idx.msk [tilespmem:v10+s8+$0x0], $0xffff;
	_ =	sdelay $0x2  }
0x2d: {  	[tilespmem:v3+s11+$0x0] =	vst.idx.msk $0xffff, v6  }
0x2e: {  	[tilespmem:v4+s11+$0x0] =	vst.idx.msk $0xffff, v7  }
0x2f: {  	v10 =	vshrl.u32 v7, $0x10;
	v11 =	vmul.f32 v6, v6;
	v12 =	vmul.f32 v7, v7;
	[tilespmem:v5+s11+$0x0] =	vst.idx.msk $0xffff, v8  }
0x30: {  	v9 =	vshrl.u32 v6, $0x10;
	v14 =	vshrl.u32 v8, $0x10;
	v10 =	vand.u32 $0x1, v10;
	v13 =	vld [tilespmem:$0x6020]  }
0x31: {  	v9 =	vand.u32 $0x1, v9;
	v11 =	vadd.f32 v12, v11;
	v7 =	vadd.s32 v10, v7  }
0x32: {  	v10 =	vmul.f32 v8, v8;
	v6 =	vadd.s32 v9, v6;
	v7 =	vadd.s32 $0x7FFF, v7  }
0x33: {  	v9 =	vand.u32 $0x1, v14;
	v6 =	vadd.s32 $0x7FFF, v6;
	v7 =	vand.u32 $0xFFFF0000, v7  }
0x34: {  	v8 =	vadd.s32 v9, v8;
	v9 =	vadd.f32 v10, v11;
	v6 =	vand.u32 $0xFFFF0000, v6;
	[tilespmem:$0xA110] =	vst v7  }
0x35: {  	v7 =	vadd.s32 $0x7FFF, v8;
	[tilespmem:$0xA090] =	vst v6  }
0x36: {  	v6 =	vand.u32 $0xFFFF0000, v7;
	[tilespmem:$0xA210] =	vst v9  }
0x37: {  	[tilespmem:$0xA190] =	vst v6  }
0x38: {  	v6 =	vor.u32 $0x1000, v0;
	v9 =	vld.idx.msk [tilespmem:v13+s2+$0x0], $0xffff  }
0x39: {  	v7 =	vor.u32 $0x1001, v0;
	v10 =	vld.idx.msk [tilespmem:v13+s6+$0x0], $0xffff  }
0x3a: {  	v8 =	vor.u32 $0x1002, v0;
	v11 =	vld.idx.msk [tilespmem:v13+s8+$0x0], $0xffff;
	_ =	sdelay $0x2  }
0x3b: {  	[tilespmem:v6+s11+$0x0] =	vst.idx.msk $0xffff, v9  }
0x3c: {  	[tilespmem:v7+s11+$0x0] =	vst.idx.msk $0xffff, v10  }
0x3d: {  	v13 =	vshrl.u32 v10, $0x10;
	v14 =	vmul.f32 v9, v9;
	v15 =	vmul.f32 v10, v10;
	[tilespmem:v8+s11+$0x0] =	vst.idx.msk $0xffff, v11  }
0x3e: {  	v12 =	vshrl.u32 v9, $0x10;
	v17 =	vshrl.u32 v11, $0x10;
	v13 =	vand.u32 $0x1, v13;
	v16 =	vld [tilespmem:$0x6030]  }
0x3f: {  	v12 =	vand.u32 $0x1, v12;
	v14 =	vadd.f32 v15, v14;
	v10 =	vadd.s32 v13, v10  }
0x40: {  	v13 =	vmul.f32 v11, v11;
	v9 =	vadd.s32 v12, v9;
	v10 =	vadd.s32 $0x7FFF, v10  }
0x41: {  	v12 =	vand.u32 $0x1, v17;
	v9 =	vadd.s32 $0x7FFF, v9;
	v10 =	vand.u32 $0xFFFF0000, v10  }
0x42: {  	v11 =	vadd.s32 v12, v11;
	v12 =	vadd.f32 v13, v14;
	v9 =	vand.u32 $0xFFFF0000, v9;
	[tilespmem:$0xA120] =	vst v10  }
0x43: {  	v10 =	vadd.s32 $0x7FFF, v11;
	[tilespmem:$0xA0A0] =	vst v9  }
0x44: {  	v9 =	vand.u32 $0xFFFF0000, v10;
	[tilespmem:$0xA220] =	vst v12  }
0x45: {  	[tilespmem:$0xA1A0] =	vst v9  }
0x46: {  	v9 =	vor.u32 $0x1800, v0;
	v12 =	vld.idx.msk [tilespmem:v16+s2+$0x0], $0xffff  }
0x47: {  	v10 =	vor.u32 $0x1801, v0;
	v13 =	vld.idx.msk [tilespmem:v16+s6+$0x0], $0xffff  }
0x48: {  	v11 =	vor.u32 $0x1802, v0;
	v14 =	vld.idx.msk [tilespmem:v16+s8+$0x0], $0xffff;
	_ =	sdelay $0x2  }
0x49: {  	[tilespmem:v9+s11+$0x0] =	vst.idx.msk $0xffff, v12  }
0x4a: {  	[tilespmem:v10+s11+$0x0] =	vst.idx.msk $0xffff, v13  }
0x4b: {  	v15 =	vmul.f32 v12, v12;
	v16 =	vmul.f32 v13, v13;
	v17 =	vshrl.u32 v14, $0x10;
	[tilespmem:v11+s11+$0x0] =	vst.idx.msk $0xffff, v14  }
0x4c: {  	v18 =	vshrl.u32 v12, $0x10;
	v19 =	vshrl.u32 v13, $0x10;
	v17 =	vand.u32 $0x1, v17;
	v20 =	vld [tilespmem:$0x6040]  }
0x4d: {  	v15 =	vadd.f32 v16, v15;
	v16 =	vmul.f32 v14, v14;
	v14 =	vadd.s32 v17, v14  }
0x4e: {  	v17 =	vand.u32 $0x1, v18;
	v18 =	vand.u32 $0x1, v19;
	v14 =	vadd.s32 $0x7FFF, v14  }
0x4f: {  	v13 =	vadd.s32 v18, v13;
	v15 =	vadd.f32 v16, v15;
	v14 =	vand.u32 $0xFFFF0000, v14  }
0x50: {  	v12 =	vadd.s32 v17, v12;
	v13 =	vadd.s32 $0x7FFF, v13;
	[tilespmem:$0xA1B0] =	vst v14  }
0x51: {  	v12 =	vadd.s32 $0x7FFF, v12;
	v13 =	vand.u32 $0xFFFF0000, v13;
	[tilespmem:$0xA230] =	vst v15  }
0x52: {  	v12 =	vand.u32 $0xFFFF0000, v12;
	[tilespmem:$0xA130] =	vst v13  }
0x53: {  	[tilespmem:$0xA0B0] =	vst v12  }
0x54: {  	v12 =	vor.u32 $0x2000, v0;
	v15 =	vld.idx.msk [tilespmem:v20+s2+$0x0], $0xffff  }
0x55: {  	v13 =	vor.u32 $0x2001, v0;
	v16 =	vld.idx.msk [tilespmem:v20+s6+$0x0], $0xffff  }
0x56: {  	v14 =	vor.u32 $0x2002, v0;
	v17 =	vld.idx.msk [tilespmem:v20+s8+$0x0], $0xffff;
	_ =	sdelay $0x2  }
0x57: {  	[tilespmem:v12+s11+$0x0] =	vst.idx.msk $0xffff, v15  }
0x58: {  	[tilespmem:v13+s11+$0x0] =	vst.idx.msk $0xffff, v16  }
0x59: {  	v18 =	vmul.f32 v15, v15;
	v19 =	vmul.f32 v16, v16;
	v20 =	vshrl.u32 v17, $0x10;
	[tilespmem:v14+s11+$0x0] =	vst.idx.msk $0xffff, v17  }
0x5a: {  	v21 =	vshrl.u32 v15, $0x10;
	v22 =	vshrl.u32 v16, $0x10;
	v20 =	vand.u32 $0x1, v20;
	v23 =	vld [tilespmem:$0x6050]  }
0x5b: {  	v18 =	vadd.f32 v19, v18;
	v19 =	vmul.f32 v17, v17;
	v17 =	vadd.s32 v20, v17  }
0x5c: {  	v20 =	vand.u32 $0x1, v21;
	v21 =	vand.u32 $0x1, v22;
	v17 =	vadd.s32 $0x7FFF, v17  }
0x5d: {  	v16 =	vadd.s32 v21, v16;
	v18 =	vadd.f32 v19, v18;
	v17 =	vand.u32 $0xFFFF0000, v17  }
0x5e: {  	v15 =	vadd.s32 v20, v15;
	v16 =	vadd.s32 $0x7FFF, v16;
	[tilespmem:$0xA1C0] =	vst v17  }
0x5f: {  	v15 =	vadd.s32 $0x7FFF, v15;
	v16 =	vand.u32 $0xFFFF0000, v16;
	[tilespmem:$0xA240] =	vst v18  }
0x60: {  	v15 =	vand.u32 $0xFFFF0000, v15;
	[tilespmem:$0xA140] =	vst v16  }
0x61: {  	[tilespmem:$0xA0C0] =	vst v15  }
0x62: {  	v15 =	vor.u32 $0x2800, v0;
	v18 =	vld.idx.msk [tilespmem:v23+s2+$0x0], $0xffff  }
0x63: {  	v16 =	vor.u32 $0x2801, v0;
	v19 =	vld.idx.msk [tilespmem:v23+s6+$0x0], $0xffff  }
0x64: {  	v17 =	vor.u32 $0x2802, v0;
	v20 =	vld.idx.msk [tilespmem:v23+s8+$0x0], $0xffff;
	_ =	sdelay $0x2  }
0x65: {  	[tilespmem:v15+s11+$0x0] =	vst.idx.msk $0xffff, v18  }
0x66: {  	v21 =	vmul.f32 v18, v18;
	[tilespmem:v16+s11+$0x0] =	vst.idx.msk $0xffff, v19  }
0x67: {  	v22 =	vmul.f32 v19, v19;
	v23 =	vshrl.u32 v20, $0x10;
	v25 =	vshrl.u32 v19, $0x10;
	[tilespmem:v17+s11+$0x0] =	vst.idx.msk $0xffff, v20  }
0x68: {  	v23 =	vand.u32 $0x1, v23;
	v49 =	vand.u32 $0x1, v25;
	v26 =	vld [tilespmem:$0x6060]  }
0x69: {  	v21 =	vadd.f32 v22, v21;
	v22 =	vmul.f32 v20, v20;
	v20 =	vadd.s32 v23, v20  }
0x6a: {  	v24 =	vshrl.u32 v18, $0x10;
	v19 =	vadd.s32 v49, v19;
	v20 =	vadd.s32 $0x7FFF, v20  }
0x6b: {  	v23 =	vand.u32 $0x1, v24;
	v19 =	vadd.s32 $0x7FFF, v19;
	v20 =	vand.u32 $0xFFFF0000, v20  }
0x6c: {  	v18 =	vadd.s32 v23, v18;
	v21 =	vadd.f32 v22, v21;
	v19 =	vand.u32 $0xFFFF0000, v19;
	[tilespmem:$0xA1D0] =	vst v20  }
0x6d: {  	v18 =	vadd.s32 $0x7FFF, v18;
	[tilespmem:$0xA150] =	vst v19  }
0x6e: {  	v18 =	vand.u32 $0xFFFF0000, v18;
	[tilespmem:$0xA250] =	vst v21  }
0x6f: {  	[tilespmem:$0xA0D0] =	vst v18  }
0x70: {  	v18 =	vor.u32 $0x3000, v0;
	v21 =	vld.idx.msk [tilespmem:v26+s2+$0x0], $0xffff  }
0x71: {  	v19 =	vor.u32 $0x3001, v0;
	v22 =	vld.idx.msk [tilespmem:v26+s6+$0x0], $0xffff  }
0x72: {  	v20 =	vor.u32 $0x3002, v0;
	v23 =	vld.idx.msk [tilespmem:v26+s8+$0x0], $0xffff;
	_ =	sdelay $0x2  }
0x73: {  	[tilespmem:v18+s11+$0x0] =	vst.idx.msk $0xffff, v21  }
0x74: {  	v50 =	vmul.f32 v21, v21;
	[tilespmem:v19+s11+$0x0] =	vst.idx.msk $0xffff, v22  }
0x75: {  	v51 =	vmul.f32 v22, v22;
	v26 =	vshrl.u32 v23, $0x10;
	v27 =	vshrl.u32 v21, $0x10;
	[tilespmem:v20+s11+$0x0] =	vst.idx.msk $0xffff, v23  }
0x76: {  	v28 =	vshrl.u32 v22, $0x10;
	v52 =	vmul.f32 v23, v23;
	v26 =	vand.u32 $0x1, v26;
	v29 =	vld [tilespmem:$0x6070]  }
0x77: {  	v53 =	vand.u32 $0x1, v27;
	v54 =	vand.u32 $0x1, v28;
	v23 =	vadd.s32 v26, v23  }
0x78: {  	v24 =	vadd.f32 v51, v50;
	v22 =	vadd.s32 v54, v22;
	v23 =	vadd.s32 $0x7FFF, v23  }
0x79: {  	v21 =	vadd.s32 v53, v21;
	v22 =	vadd.s32 $0x7FFF, v22;
	v23 =	vand.u32 $0xFFFF0000, v23  }
0x7a: {  	v21 =	vadd.s32 $0x7FFF, v21;
	v22 =	vand.u32 $0xFFFF0000, v22;
	[tilespmem:$0xA1E0] =	vst v23  }
0x7b: {  	v24 =	vadd.f32 v52, v24;
	v21 =	vand.u32 $0xFFFF0000, v21;
	[tilespmem:$0xA160] =	vst v22  }
0x7c: {  	[tilespmem:$0xA0E0] =	vst v21  }
0x7d: {  	[tilespmem:$0xA260] =	vst v24  }
0x7e: {  	v24 =	vld.idx.msk [tilespmem:v29+s8+$0x0], $0xffff  }
0x7f: {  	v55 =	vld.idx.msk [tilespmem:v29+s2+$0x0], $0xffff  }
0x80: {  	v56 =	vld.idx.msk [tilespmem:v29+s6+$0x0], $0xffff;
	_ =	sdelay $0x1  }
0x81: {  	v21 =	vor.u32 $0x3800, v0  }
0x82: {  	v22 =	vor.u32 $0x3801, v0  }
0x83: {  	v23 =	vor.u32 $0x3802, v0;
	v57 =	vshrl.u32 v24, $0x10  }
0x84: {  	v58 =	vshrl.u32 v55, $0x10;
	v59 =	vmul.f32 v55, v55;
	v30 =	vshrl.u32 v56, $0x10  }
0x85: {  	v31 =	vmul.f32 v56, v56;
	v32 =	vmul.f32 v24, v24;
	v28 =	vand.u32 $0x1, v58  }
0x86: {  	[tilespmem:v21+s11+$0x0] =	vst.idx.msk $0xffff, v55;
	v60 =	vand.u32 $0x1, v30;
	v27 =	vand.u32 $0x1, v57;
	v25 =	vadd.s32 v28, v55  }
0x87: {  	[tilespmem:v22+s11+$0x0] =	vst.idx.msk $0xffff, v56;
	v26 =	vadd.s32 v60, v56;
	v61 =	vadd.f32 v31, v59;
	v25 =	vadd.s32 $0x7FFF, v25  }
0x88: {  	[tilespmem:v23+s11+$0x0] =	vst.idx.msk $0xffff, v24;
	v24 =	vadd.s32 v27, v24;
	v26 =	vadd.s32 $0x7FFF, v26;
	v25 =	vand.u32 $0xFFFF0000, v25  }
0x89: {  	v24 =	vadd.s32 $0x7FFF, v24;
	v62 =	vand.u32 $0xFFFF0000, v26;
	[tilespmem:$0xA0F0] =	vst v25  }
0x8a: {  	v63 =	vadd.f32 v32, v61;
	v24 =	vand.u32 $0xFFFF0000, v24;
	[tilespmem:$0xA170] =	vst v62  }
0x8b: {  	s16 =	sshll.u32 s16, $0x4;
	[tilespmem:$0xA1F0] =	vst v24  }
0x8c: {  	s12 =	sadd.s32 s12, s16;
	[tilespmem:$0xA270] =	vst v63  }
0x8d: {  	[hbm4b:s12+s2] =	stream.linear.scatter [tilespmem:s11], [sflag:$0x1], $0x4000, $0x38;
	[tilespmem:$0xA280] =	vst v63  }
0x8e: {  	_ =	swait.ge [sflag:s3], $0x4000  }
0x8f: {  	s17 =	ssub.s32 $0x2, s15;
	s19 =	sadd.s32 s14, s13;
	[sflag:s3] =	ssyncset.done $0x0  }
0x90: {  	s14 =	simm.s32 $0xA080;
	s13 =	sadd.s32 $0x8600, s19;
	[sflag:s3] =	ssyncadd.s32 $0xFFFFC000  }
0x91: {  	[hbm4b:s13+s2] =	stream.linear.scatter [tilespmem:s14], [sflag:$0x1], $0x80, $0x38;
	[tilespmem:$0xA280] =	vst v63  }
0x92: {  	s18 =	sshrl.u32 s17, $0x1;
	_ =	swait.ge [sflag:s3], $0x80  }
0x93: {  	s20 =	ssub.s32 s17, s18;
	[sflag:s3] =	ssyncset.done $0x0  }
0x94: {  	s16 =	simm.s32 $0xA100;
	s15 =	sadd.s32 $0x8800, s19;
	[sflag:s3] =	ssyncadd.s32 $0xFFFFFF80  }
0x95: {  	[hbm4b:s15+s2] =	stream.linear.scatter [tilespmem:s16], [sflag:$0x1], $0x80, $0x38;
	[tilespmem:$0xA280] =	vst v63  }
0x96: {  	s21 =	smax.u32 s20, $0x1;
	_ =	swait.ge [sflag:s3], $0x80  }
0x97: {  	s18 =	simm.s32 $0xA180;
	p0 =	sne.s32 s21, $0x1;
	[sflag:s3] =	ssyncset.done $0x0  }
.Ltmp0:
0x98: {  	s17 =	sadd.s32 $0x8A00, s19;
	[sflag:s3] =	ssyncadd.s32 $0xFFFFFF80;
	(pc) =	sbr.rel @!p0 .LBB2_2-.Ltmp0, $4  }
0x99: {  	[hbm4b:s17+s2] =	stream.linear.scatter [tilespmem:s18], [sflag:$0x1], $0x80, $0x38;
	[tilespmem:$0xA280] =	vst v63  }
0x9a: {  	_ =	swait.ge [sflag:s3], $0x80  }
0x9b: {  	s20 =	simm.s32 $0xA200;
	[sflag:s3] =	ssyncset.done $0x0  }
0x9c: {  	s21 =	sadd.s32 $0xFFFFFFFF, s21;
	s19 =	sadd.s32 $0x8C00, s19;
	[sflag:s3] =	ssyncadd.s32 $0xFFFFFF80  }
.LBB2_1:
0x9d: {  	[hbm4b:s19+s2] =	stream.linear.scatter [tilespmem:s20], [sflag:$0x1], $0x80, $0x38;
	[tilespmem:$0xA280] =	vst v63  }
0x9e: {  	p0 =	sne.s32 s21, $0x1;
	s21 =	sadd.s32 $0xFFFFFFFF, s21;
	_ =	swait.ge [sflag:s3], $0x80  }
0x9f: {  	[sflag:s3] =	ssyncset.done $0x0  }
0xa0: {  	[sflag:s3] =	ssyncadd.s32 $0xFFFFFF80  }
0xa1: {  	[tilespmem:s2], [sflag:$0x1] =	stream.linear.gather [hbm4b:s4+s2], $0x2000, $0x38;
	[tilespmem:$0xA280] =	vst v63  }
0xa2: {  	_ =	swait.ge [sflag:s3], $0x2000  }
0xa3: {  	[sflag:s3] =	ssyncset.done $0x0  }
0xa4: {  	[sflag:s3] =	ssyncadd.s32 $0xFFFFE000  }
0xa5: {  	[tilespmem:s6], [sflag:$0x1] =	stream.linear.gather [hbm4b:s5+s2], $0x2000, $0x38;
	[tilespmem:$0xA280] =	vst v63  }
0xa6: {  	_ =	swait.ge [sflag:s3], $0x2000  }
0xa7: {  	[sflag:s3] =	ssyncset.done $0x0  }
0xa8: {  	[sflag:s3] =	ssyncadd.s32 $0xFFFFE000  }
0xa9: {  	[tilespmem:s8], [sflag:$0x1] =	stream.linear.gather [hbm4b:s7+s2], $0x2000, $0x38;
	[tilespmem:$0xA280] =	vst v63  }
0xaa: {  	_ =	swait.ge [sflag:s3], $0x2000  }
0xab: {  	[sflag:s3] =	ssyncset.done $0x0  }
0xac: {  	[sflag:s3] =	ssyncadd.s32 $0xFFFFE000  }
0xad: {  	[tilespmem:s10], [sflag:$0x1] =	stream.linear.gather [hbm4b:s9+s2], $0x80, $0x38;
	[tilespmem:$0xA280] =	vst v63  }
0xae: {  	_ =	swait.ge [sflag:s3], $0x80  }
0xaf: {  	[sflag:s3] =	ssyncset.done $0x0  }
0xb0: {  	[sflag:s3] =	ssyncadd.s32 $0xFFFFFF80  }
0xb1: {  	v24 =	vld [tilespmem:$0x6000];
	_ =	sdelay $0x7  }
0xb2: {  	v25 =	vld.idx.msk [tilespmem:v24+s2+$0x0], $0xffff  }
0xb3: {  	v26 =	vld.idx.msk [tilespmem:v24+s6+$0x0], $0xffff  }
0xb4: {  	v24 =	vld.idx.msk [tilespmem:v24+s8+$0x0], $0xffff;
	_ =	sdelay $0x3  }
0xb5: {  	v27 =	vshrl.u32 v25, $0x10;
	[tilespmem:v0+s11+$0x0] =	vst.idx.msk $0xffff, v25  }
0xb6: {  	v29 =	vmul.f32 v25, v25;
	v28 =	vshrl.u32 v26, $0x10;
	v30 =	vmul.f32 v26, v26;
	[tilespmem:v1+s11+$0x0] =	vst.idx.msk $0xffff, v26  }
0xb7: {  	v27 =	vand.u32 $0x1, v27;
	v28 =	vand.u32 $0x1, v28;
	v31 =	vshrl.u32 v24, $0x10;
	[tilespmem:v2+s11+$0x0] =	vst.idx.msk $0xffff, v24  }
0xb8: {  	v31 =	vand.u32 $0x1, v31;
	v29 =	vadd.f32 v30, v29;
	v30 =	vmul.f32 v24, v24;
	v32 =	vld [tilespmem:$0x6010]  }
0xb9: {  	v25 =	vadd.s32 v27, v25;
	v26 =	vadd.s32 v28, v26;
	v24 =	vadd.s32 v31, v24  }
0xba: {  	v26 =	vadd.s32 $0x7FFF, v26;
	v24 =	vadd.s32 $0x7FFF, v24;
	v27 =	vadd.f32 v30, v29  }
0xbb: {  	v25 =	vadd.s32 $0x7FFF, v25;
	v26 =	vand.u32 $0xFFFF0000, v26;
	v24 =	vand.u32 $0xFFFF0000, v24  }
0xbc: {  	v25 =	vand.u32 $0xFFFF0000, v25;
	[tilespmem:$0xA100] =	vst v26  }
0xbd: {  	[tilespmem:$0xA080] =	vst v25  }
0xbe: {  	[tilespmem:$0xA200] =	vst v27  }
0xbf: {  	[tilespmem:$0xA180] =	vst v24  }
0xc0: {  	v24 =	vld.idx.msk [tilespmem:v32+s2+$0x0], $0xffff  }
0xc1: {  	v25 =	vld.idx.msk [tilespmem:v32+s6+$0x0], $0xffff  }
0xc2: {  	v26 =	vld.idx.msk [tilespmem:v32+s8+$0x0], $0xffff;
	_ =	sdelay $0x3  }
0xc3: {  	v27 =	vshrl.u32 v24, $0x10;
	[tilespmem:v3+s11+$0x0] =	vst.idx.msk $0xffff, v24  }
0xc4: {  	v29 =	vmul.f32 v24, v24;
	v28 =	vshrl.u32 v25, $0x10;
	v30 =	vmul.f32 v25, v25;
	[tilespmem:v4+s11+$0x0] =	vst.idx.msk $0xffff, v25  }
0xc5: {  	v27 =	vand.u32 $0x1, v27;
	v28 =	vand.u32 $0x1, v28;
	v31 =	vshrl.u32 v26, $0x10;
	[tilespmem:v5+s11+$0x0] =	vst.idx.msk $0xffff, v26  }
0xc6: {  	v31 =	vand.u32 $0x1, v31;
	v29 =	vadd.f32 v30, v29;
	v30 =	vmul.f32 v26, v26;
	v32 =	vld [tilespmem:$0x6020]  }
0xc7: {  	v24 =	vadd.s32 v27, v24;
	v25 =	vadd.s32 v28, v25;
	v26 =	vadd.s32 v31, v26  }
0xc8: {  	v25 =	vadd.s32 $0x7FFF, v25;
	v26 =	vadd.s32 $0x7FFF, v26;
	v27 =	vadd.f32 v30, v29  }
0xc9: {  	v24 =	vadd.s32 $0x7FFF, v24;
	v25 =	vand.u32 $0xFFFF0000, v25;
	v26 =	vand.u32 $0xFFFF0000, v26  }
0xca: {  	v24 =	vand.u32 $0xFFFF0000, v24;
	[tilespmem:$0xA110] =	vst v25  }
0xcb: {  	[tilespmem:$0xA090] =	vst v24  }
0xcc: {  	[tilespmem:$0xA210] =	vst v27  }
0xcd: {  	[tilespmem:$0xA190] =	vst v26  }
0xce: {  	v24 =	vld.idx.msk [tilespmem:v32+s2+$0x0], $0xffff  }
0xcf: {  	v25 =	vld.idx.msk [tilespmem:v32+s6+$0x0], $0xffff  }
0xd0: {  	v26 =	vld.idx.msk [tilespmem:v32+s8+$0x0], $0xffff;
	_ =	sdelay $0x3  }
0xd1: {  	v27 =	vshrl.u32 v24, $0x10;
	[tilespmem:v6+s11+$0x0] =	vst.idx.msk $0xffff, v24  }
0xd2: {  	v29 =	vmul.f32 v24, v24;
	v28 =	vshrl.u32 v25, $0x10;
	v30 =	vmul.f32 v25, v25;
	[tilespmem:v7+s11+$0x0] =	vst.idx.msk $0xffff, v25  }
0xd3: {  	v27 =	vand.u32 $0x1, v27;
	v28 =	vand.u32 $0x1, v28;
	v31 =	vshrl.u32 v26, $0x10;
	[tilespmem:v8+s11+$0x0] =	vst.idx.msk $0xffff, v26  }
0xd4: {  	v31 =	vand.u32 $0x1, v31;
	v29 =	vadd.f32 v30, v29;
	v30 =	vmul.f32 v26, v26;
	v32 =	vld [tilespmem:$0x6030]  }
0xd5: {  	v24 =	vadd.s32 v27, v24;
	v25 =	vadd.s32 v28, v25;
	v26 =	vadd.s32 v31, v26  }
0xd6: {  	v25 =	vadd.s32 $0x7FFF, v25;
	v26 =	vadd.s32 $0x7FFF, v26;
	v27 =	vadd.f32 v30, v29  }
0xd7: {  	v24 =	vadd.s32 $0x7FFF, v24;
	v25 =	vand.u32 $0xFFFF0000, v25;
	v26 =	vand.u32 $0xFFFF0000, v26  }
0xd8: {  	v24 =	vand.u32 $0xFFFF0000, v24;
	[tilespmem:$0xA120] =	vst v25  }
0xd9: {  	[tilespmem:$0xA0A0] =	vst v24  }
0xda: {  	[tilespmem:$0xA220] =	vst v27  }
0xdb: {  	[tilespmem:$0xA1A0] =	vst v26  }
0xdc: {  	v24 =	vld.idx.msk [tilespmem:v32+s2+$0x0], $0xffff  }
0xdd: {  	v25 =	vld.idx.msk [tilespmem:v32+s6+$0x0], $0xffff  }
0xde: {  	v26 =	vld.idx.msk [tilespmem:v32+s8+$0x0], $0xffff;
	_ =	sdelay $0x3  }
0xdf: {  	v27 =	vshrl.u32 v24, $0x10;
	[tilespmem:v9+s11+$0x0] =	vst.idx.msk $0xffff, v24  }
0xe0: {  	v29 =	vmul.f32 v24, v24;
	v28 =	vshrl.u32 v25, $0x10;
	v30 =	vmul.f32 v25, v25;
	[tilespmem:v10+s11+$0x0] =	vst.idx.msk $0xffff, v25  }
0xe1: {  	v27 =	vand.u32 $0x1, v27;
	v28 =	vand.u32 $0x1, v28;
	v31 =	vshrl.u32 v26, $0x10;
	[tilespmem:v11+s11+$0x0] =	vst.idx.msk $0xffff, v26  }
0xe2: {  	v31 =	vand.u32 $0x1, v31;
	v29 =	vadd.f32 v30, v29;
	v30 =	vmul.f32 v26, v26;
	v32 =	vld [tilespmem:$0x6040]  }
0xe3: {  	v24 =	vadd.s32 v27, v24;
	v25 =	vadd.s32 v28, v25;
	v26 =	vadd.s32 v31, v26  }
0xe4: {  	v25 =	vadd.s32 $0x7FFF, v25;
	v26 =	vadd.s32 $0x7FFF, v26;
	v27 =	vadd.f32 v30, v29  }
0xe5: {  	v24 =	vadd.s32 $0x7FFF, v24;
	v25 =	vand.u32 $0xFFFF0000, v25;
	v26 =	vand.u32 $0xFFFF0000, v26  }
0xe6: {  	v24 =	vand.u32 $0xFFFF0000, v24;
	[tilespmem:$0xA1B0] =	vst v26  }
0xe7: {  	[tilespmem:$0xA230] =	vst v27  }
0xe8: {  	[tilespmem:$0xA130] =	vst v25  }
0xe9: {  	[tilespmem:$0xA0B0] =	vst v24  }
0xea: {  	v24 =	vld.idx.msk [tilespmem:v32+s2+$0x0], $0xffff  }
0xeb: {  	v25 =	vld.idx.msk [tilespmem:v32+s6+$0x0], $0xffff  }
0xec: {  	v26 =	vld.idx.msk [tilespmem:v32+s8+$0x0], $0xffff;
	_ =	sdelay $0x3  }
0xed: {  	v27 =	vshrl.u32 v24, $0x10;
	[tilespmem:v12+s11+$0x0] =	vst.idx.msk $0xffff, v24  }
0xee: {  	v29 =	vmul.f32 v24, v24;
	v28 =	vshrl.u32 v25, $0x10;
	v30 =	vmul.f32 v25, v25;
	[tilespmem:v13+s11+$0x0] =	vst.idx.msk $0xffff, v25  }
0xef: {  	v27 =	vand.u32 $0x1, v27;
	v28 =	vand.u32 $0x1, v28;
	v31 =	vshrl.u32 v26, $0x10;
	[tilespmem:v14+s11+$0x0] =	vst.idx.msk $0xffff, v26  }
0xf0: {  	v31 =	vand.u32 $0x1, v31;
	v29 =	vadd.f32 v30, v29;
	v30 =	vmul.f32 v26, v26;
	v32 =	vld [tilespmem:$0x6050]  }
0xf1: {  	v24 =	vadd.s32 v27, v24;
	v25 =	vadd.s32 v28, v25;
	v26 =	vadd.s32 v31, v26  }
0xf2: {  	v25 =	vadd.s32 $0x7FFF, v25;
	v26 =	vadd.s32 $0x7FFF, v26;
	v27 =	vadd.f32 v30, v29  }
0xf3: {  	v24 =	vadd.s32 $0x7FFF, v24;
	v25 =	vand.u32 $0xFFFF0000, v25;
	v26 =	vand.u32 $0xFFFF0000, v26  }
0xf4: {  	v24 =	vand.u32 $0xFFFF0000, v24;
	[tilespmem:$0xA1C0] =	vst v26  }
0xf5: {  	[tilespmem:$0xA240] =	vst v27  }
0xf6: {  	[tilespmem:$0xA140] =	vst v25  }
0xf7: {  	[tilespmem:$0xA0C0] =	vst v24  }
0xf8: {  	v24 =	vld.idx.msk [tilespmem:v32+s2+$0x0], $0xffff  }
0xf9: {  	v25 =	vld.idx.msk [tilespmem:v32+s6+$0x0], $0xffff  }
0xfa: {  	v26 =	vld.idx.msk [tilespmem:v32+s8+$0x0], $0xffff;
	_ =	sdelay $0x3  }
0xfb: {  	v27 =	vshrl.u32 v24, $0x10;
	[tilespmem:v15+s11+$0x0] =	vst.idx.msk $0xffff, v24  }
0xfc: {  	v29 =	vmul.f32 v24, v24;
	v28 =	vshrl.u32 v25, $0x10;
	v30 =	vmul.f32 v25, v25;
	[tilespmem:v16+s11+$0x0] =	vst.idx.msk $0xffff, v25  }
0xfd: {  	v27 =	vand.u32 $0x1, v27;
	v28 =	vand.u32 $0x1, v28;
	v31 =	vshrl.u32 v26, $0x10;
	[tilespmem:v17+s11+$0x0] =	vst.idx.msk $0xffff, v26  }
0xfe: {  	v31 =	vand.u32 $0x1, v31;
	v29 =	vadd.f32 v30, v29;
	v30 =	vmul.f32 v26, v26;
	v32 =	vld [tilespmem:$0x6060]  }
0xff: {  	v24 =	vadd.s32 v27, v24;
	v25 =	vadd.s32 v28, v25;
	v26 =	vadd.s32 v31, v26  }
0x100: {  	v25 =	vadd.s32 $0x7FFF, v25;
	v26 =	vadd.s32 $0x7FFF, v26;
	v27 =	vadd.f32 v30, v29  }
0x101: {  	v24 =	vadd.s32 $0x7FFF, v24;
	v25 =	vand.u32 $0xFFFF0000, v25;
	v26 =	vand.u32 $0xFFFF0000, v26  }
0x102: {  	v24 =	vand.u32 $0xFFFF0000, v24;
	[tilespmem:$0xA1D0] =	vst v26  }
0x103: {  	[tilespmem:$0xA250] =	vst v27  }
0x104: {  	[tilespmem:$0xA150] =	vst v25  }
0x105: {  	[tilespmem:$0xA0D0] =	vst v24  }
0x106: {  	v24 =	vld.idx.msk [tilespmem:v32+s2+$0x0], $0xffff  }
0x107: {  	v25 =	vld.idx.msk [tilespmem:v32+s6+$0x0], $0xffff  }
0x108: {  	v26 =	vld.idx.msk [tilespmem:v32+s8+$0x0], $0xffff;
	_ =	sdelay $0x3  }
0x109: {  	v27 =	vshrl.u32 v24, $0x10;
	[tilespmem:v18+s11+$0x0] =	vst.idx.msk $0xffff, v24  }
0x10a: {  	v29 =	vmul.f32 v24, v24;
	v28 =	vshrl.u32 v25, $0x10;
	v30 =	vmul.f32 v25, v25;
	[tilespmem:v19+s11+$0x0] =	vst.idx.msk $0xffff, v25  }
0x10b: {  	v27 =	vand.u32 $0x1, v27;
	v28 =	vand.u32 $0x1, v28;
	v31 =	vshrl.u32 v26, $0x10;
	[tilespmem:v20+s11+$0x0] =	vst.idx.msk $0xffff, v26  }
0x10c: {  	v31 =	vand.u32 $0x1, v31;
	v29 =	vadd.f32 v30, v29;
	v30 =	vmul.f32 v26, v26;
	v32 =	vld [tilespmem:$0x6070]  }
0x10d: {  	v24 =	vadd.s32 v27, v24;
	v25 =	vadd.s32 v28, v25;
	v26 =	vadd.s32 v31, v26  }
0x10e: {  	v25 =	vadd.s32 $0x7FFF, v25;
	v26 =	vadd.s32 $0x7FFF, v26;
	v27 =	vadd.f32 v30, v29  }
0x10f: {  	v24 =	vadd.s32 $0x7FFF, v24;
	v25 =	vand.u32 $0xFFFF0000, v25;
	v26 =	vand.u32 $0xFFFF0000, v26  }
0x110: {  	v24 =	vand.u32 $0xFFFF0000, v24;
	[tilespmem:$0xA1E0] =	vst v26  }
0x111: {  	[tilespmem:$0xA260] =	vst v27  }
0x112: {  	[tilespmem:$0xA160] =	vst v25  }
0x113: {  	[tilespmem:$0xA0E0] =	vst v24  }
0x114: {  	v24 =	vld.idx.msk [tilespmem:v32+s8+$0x0], $0xffff  }
0x115: {  	v25 =	vld.idx.msk [tilespmem:v32+s2+$0x0], $0xffff  }
0x116: {  	v26 =	vld.idx.msk [tilespmem:v32+s6+$0x0], $0xffff;
	_ =	sdelay $0x3  }
0x117: {  	v27 =	vshrl.u32 v24, $0x10;
	v28 =	vmul.f32 v24, v24  }
0x118: {  	v29 =	vshrl.u32 v25, $0x10;
	v27 =	vand.u32 $0x1, v27;
	v30 =	vmul.f32 v25, v25;
	[tilespmem:v21+s11+$0x0] =	vst.idx.msk $0xffff, v25  }
0x119: {  	v29 =	vand.u32 $0x1, v29;
	v31 =	vshrl.u32 v26, $0x10;
	v32 =	vmul.f32 v26, v26;
	[tilespmem:v22+s11+$0x0] =	vst.idx.msk $0xffff, v26  }
0x11a: {  	v25 =	vadd.s32 v29, v25;
	v29 =	vand.u32 $0x1, v31;
	[tilespmem:v23+s11+$0x0] =	vst.idx.msk $0xffff, v24;
	v24 =	vadd.s32 v27, v24  }
0x11b: {  	v25 =	vadd.s32 $0x7FFF, v25;
	v26 =	vadd.s32 v29, v26;
	v27 =	vadd.f32 v32, v30  }
0x11c: {  	v25 =	vand.u32 $0xFFFF0000, v25;
	v26 =	vadd.s32 $0x7FFF, v26;
	v24 =	vadd.s32 $0x7FFF, v24  }
0x11d: {  	v24 =	vand.u32 $0xFFFF0000, v24;
	[tilespmem:$0xA0F0] =	vst v25;
	v25 =	vand.u32 $0xFFFF0000, v26;
	v26 =	vadd.f32 v28, v27  }
0x11e: {  	[tilespmem:$0xA170] =	vst v25  }
0x11f: {  	[tilespmem:$0xA270] =	vst v26  }
0x120: {  	[tilespmem:$0xA1F0] =	vst v24  }
0x121: {  	[hbm4b:s12+s2] =	stream.linear.scatter [tilespmem:s11], [sflag:$0x1], $0x4000, $0x38;
	[tilespmem:$0xA280] =	vst v63  }
0x122: {  	_ =	swait.ge [sflag:s3], $0x4000  }
0x123: {  	[sflag:s3] =	ssyncset.done $0x0  }
0x124: {  	[sflag:s3] =	ssyncadd.s32 $0xFFFFC000  }
0x125: {  	[hbm4b:s13+s2] =	stream.linear.scatter [tilespmem:s14], [sflag:$0x1], $0x80, $0x38;
	[tilespmem:$0xA280] =	vst v63  }
0x126: {  	_ =	swait.ge [sflag:s3], $0x80  }
0x127: {  	[sflag:s3] =	ssyncset.done $0x0  }
0x128: {  	[sflag:s3] =	ssyncadd.s32 $0xFFFFFF80  }
0x129: {  	[hbm4b:s15+s2] =	stream.linear.scatter [tilespmem:s16], [sflag:$0x1], $0x80, $0x38;
	[tilespmem:$0xA280] =	vst v63  }
0x12a: {  	_ =	swait.ge [sflag:s3], $0x80  }
0x12b: {  	[sflag:s3] =	ssyncset.done $0x0  }
.Ltmp1:
0x12c: {  	[sflag:s3] =	ssyncadd.s32 $0xFFFFFF80;
	(pc) =	sbr.rel @p0 .LBB2_1-.Ltmp1, $4  }
0x12d: {  	[hbm4b:s17+s2] =	stream.linear.scatter [tilespmem:s18], [sflag:$0x1], $0x80, $0x38;
	[tilespmem:$0xA280] =	vst v63  }
0x12e: {  	_ =	swait.ge [sflag:s3], $0x80  }
0x12f: {  	[sflag:s3] =	ssyncset.done $0x0  }
0x130: {  	[sflag:s3] =	ssyncadd.s32 $0xFFFFFF80  }
.LBB2_2:
0x131: {  	[hbm4b:s19+s2] =	stream.linear.scatter [tilespmem:s20], [sflag:$0x1], $0x80, $0x38;
	[tilespmem:$0xA280] =	vst v63  }
0x132: {  	_ =	swait.ge [sflag:s3], $0x80  }
0x133: {  	[sflag:s3] =	ssyncset.done $0x0  }
0x134: {  	[sflag:s3] =	ssyncadd.s32 $0xFFFFFF80  }
0x135: {  	_ =	sfence.sel $0x180000  }
0x136: {  	[bflag:$0x0] =	sbarrier.arrive $0xFFFF  }
0x137: {  	p0 =	sne.s32 s0, $0x0;
	_ =	strace $0x90000047  }
0x138: {  	s0 =	sadd.s32 @!p0 $0x100000, s1;
	[bflag:$0x2] =	sbarrier.arrive $0xFFFF  }
0x139: {  	[sflag:s0] =	ssyncadd.tile.s32 @!p0 $0x1;
	_ =	shalt  }
.Lfunc_end2:
_tile_overlayer_lowered:
.L_overlay_start_2:
0x13a: {  	(tag) =	ssettag $0x2  }
0x13b: {  	s0 =	rddreg [dreg:$0x0];
	s2 =	stileid.u32  }
0x13c: {  	s1 =	rddreg [dreg:$0x1];
	p0 =	sne.s32 s2, $0x0  }
0x13d: {  	s3 =	rddreg [dreg:$0x2];
	[bflag:$0x3] =	sbarrier.arrive $0xFFFF;
	s2 =	simm.s32 @!p0 $0x1C01  }
0x13e: {  	[timem:s3], [sflag:s2] =	dma.local @!p0 [hbm:s0], s1  }
0x13f: {  	s0 =	simm.s32 @!p0 $0x1  }
0x140: {  	_ =	swait.ge @!p0 [sflag:s0], s1  }
0x141: {  	s1 =	ssub.s32 @!p0 $0x0, s1;
	[sflag:s0] =	ssyncset.done @!p0 $0x0  }
0x142: {  	[sflag:s0] =	ssyncadd.s32 @!p0 s1  }
0x143: {  	[bflag:$0x3] =	sbarrier.arrive $0xFFFF  }
0x144: {  	_ =	shalt  }

// kernel: kernel.9.cloned.1.call-start
scs
__scs_entry_jumppad:
0x0: {  	(pc) =	sbr.rel $0x88, $3  }
0x1: {  	(tag) =	ssettag $0x0;
	lr =	simm.s32 $0x1  }
0x2: {  	[smem:$0x3F86] =	sst lr;
	_ =	strace $0xD0000000  }
0x3: {  	_ = 	snop  }
0x4: {  	_ = 	snop  }
0x5: {  	_ = 	snop  }
0x6: {  	_ = 	snop  }
0x7: {  	_ = 	snop  }
__scs_overlays_trampoline_lowered:
0x8: {  	[smem:$0x3F95] =	sst s0  }
0x9: {  	[smem:$0x3F96] =	sst s1  }
0xa: {  	[smem:$0x3F97] =	sst s2  }
0xb: {  	[smem:$0x3F98] =	sst s3  }
0xc: {  	[smem:$0x3F99] =	sst s4  }
0xd: {  	[smem:$0x3F9A] =	sst s5  }
0xe: {  	[smem:$0x3F9B] =	sst s6  }
0xf: {  	[smem:$0x3F9C] =	sst s7  }
0x10: {  	[smem:$0x3F9D] =	sst s8  }
0x11: {  	[smem:$0x3F9E] =	sst s9;
	s0 =	simm.s32 @!p0 $0x0  }
0x12: {  	s1 =	sld [smem:$0x3F84];
	s0 =	simm.s32 @p0 $0x1  }
0x13: {  	[smem:$0x3F9F] =	sst s0;
	s0 =	simm.s32 @!p1 $0x0  }
0x14: {  	s2 =	sld [smem:$0x3F83];
	s0 =	simm.s32 @p1 $0x1  }
0x15: {  	[smem:$0x3FA0] =	sst s0;
	s0 =	simm.s32 @!p2 $0x0  }
0x16: {  	s3 =	sld [smem:$0x3FDB];
	s0 =	simm.s32 @p2 $0x1  }
0x17: {  	s4 =	simm.s32 $0x1BF5;
	[smem:$0x3FA2] =	sst s0  }
0x18: {  	s0 =	sld [smem:$0x3F85];
	_ =	swait.ge [sflag:s4], $0x0  }
0x19: {  	s7 =	sld [smem:$0x3F86]  }
0x1a: {  	s8 =	sadd.s32 $0xFFFFE003, lr  }
0x1b: {  	s9 =	sadd.s32 $0xFFFFFEF7, lr;
	s5 =	simm.s32 $0xFFFFFFFF;
	p2 =	slt.u32 s8, $0xFFFFF086  }
0x1c: {  	p1 =	slt.u32 s9, $0xF7A;
	s5 =	simm.s32 @!p2 $0x0  }
0x1d: {  	s5 =	simm.s32 @p1 $0x1;
	p0 =	seq.s32 s7, s2  }
0x1e: {  	s7 =	smul.u32 @!p0 $0xF7A, s2;
	p2 =	seq.s32 @!p0 s5, $0x0  }
0x1f: {  	s9 =	smul.u32 $0xF7A, s1;
	s8 =	simm.s32 @!p0 $0x1BF5;
	p2 =	por !p2, p0  }
0x20: {  	[sflag:s8] =	ssyncset.s32 @!p0 $0xFFFFF086;
	s6 =	sadd.s32 @!p0 s3, s7;
	s7 =	simm.s32 @!p0 $0x108  }
0x21: {  	s3 =	sadd.s32 s3, s9;
	s6 =	sadd.s32 @!p0 $0x88, s6;
	s7 =	simm.s32 @p2 $0x1082  }
0x22: {  	[simem:s7], [sflag:s8] =	dma.local @!p0 [hbm:s6], $0xF7A  }
0x23: {  	s9 =	sor.u32 $0xD0000000, s2;
	s6 =	simm.s32 $0x108;
	_ =	swait.ge @!p0 [sflag:s8], $0x0  }
0x24: {  	s3 =	sadd.s32 $0x88, s3;
	s6 =	simm.s32 @!p1 $0x1082;
	[sflag:s4] =	ssyncset.s32 $0xFFFFF086  }
0x25: {  	[simem:s6], [sflag:s4] =	dma.local [hbm:s3], $0xF7A  }
0x26: {  	[smem:$0x3F86] =	sst s1;
	(tag) =	ssettag s2;
	_ =	strace s9  }
0x27: {  	s1 =	sld [smem:$0x3F96]  }
0x28: {  	s2 =	sld [smem:$0x3F97]  }
0x29: {  	s4 =	sld [smem:$0x3F99]  }
0x2a: {  	p0 =	seq.s32 s5, $0x0;
	s5 =	sld [smem:$0x3F9A]  }
0x2b: {  	s6 =	sld [smem:$0x3F9B]  }
0x2c: {  	s7 =	sld [smem:$0x3F9C]  }
0x2d: {  	s3 =	simm.s32 $0x108;
	s8 =	sld [smem:$0x3F9D]  }
0x2e: {  	s3 =	simm.s32 @!p0 $0x1082;
	s9 =	sld [smem:$0x3F9E]  }
0x2f: {  	lr =	sadd.s32 s0, s3;
	s0 =	sld [smem:$0x3F95]  }
0x30: {  	s3 =	sld [smem:$0x3F98]  }
0x31: {  	[smem:$0x3FA1] =	sst s10  }
0x32: {  	s10 =	sld [smem:$0x3F9F];
	_ =	sdelay $0x3  }
0x33: {  	p0 =	seq.s32 s10, $0x1;
	s10 =	sld [smem:$0x3FA1];
	_ =	sdelay $0x3  }
0x34: {  	[smem:$0x3FA1] =	sst s10  }
0x35: {  	s10 =	sld [smem:$0x3FA0];
	_ =	sdelay $0x3  }
0x36: {  	p1 =	seq.s32 s10, $0x1;
	s10 =	sld [smem:$0x3FA1];
	_ =	sdelay $0x3  }
0x37: {  	[smem:$0x3FA1] =	sst s10  }
0x38: {  	s10 =	sld [smem:$0x3FA2]  }
0x39: {  	_ = 	snop;
	(pc) =	sbr.ind lr, $3  }
0x3a: {  	_ = 	snop  }
0x3b: {  	_ = 	snop  }
0x3c: {  	p2 =	seq.s32 s10, $0x1;
	s10 =	sld [smem:$0x3FA1]  }
0x3d: {  	_ =	shalt  }
0x3e: {  	_ =	shalt  }
0x3f: {  	_ =	shalt  }
0x40: {  	_ =	shalt  }
0x41: {  	_ =	shalt  }
0x42: {  	_ =	shalt  }
0x43: {  	_ =	shalt  }
0x44: {  	_ =	shalt  }
0x45: {  	_ =	shalt  }
0x46: {  	_ =	shalt  }
0x47: {  	_ =	shalt  }
0x48: {  	_ =	shalt  }
0x49: {  	_ =	shalt  }
0x4a: {  	_ =	shalt  }
0x4b: {  	_ =	shalt  }
0x4c: {  	_ =	shalt  }
0x4d: {  	_ =	shalt  }
0x4e: {  	_ =	shalt  }
0x4f: {  	_ =	shalt  }
0x50: {  	_ =	shalt  }
0x51: {  	_ =	shalt  }
0x52: {  	_ =	shalt  }
0x53: {  	_ =	shalt  }
0x54: {  	_ =	shalt  }
0x55: {  	_ =	shalt  }
0x56: {  	_ =	shalt  }
0x57: {  	_ =	shalt  }
0x58: {  	_ =	shalt  }
0x59: {  	_ =	shalt  }
0x5a: {  	_ =	shalt  }
0x5b: {  	_ =	shalt  }
0x5c: {  	_ =	shalt  }
0x5d: {  	_ =	shalt  }
0x5e: {  	_ =	shalt  }
0x5f: {  	_ =	shalt  }
0x60: {  	_ =	shalt  }
0x61: {  	_ =	shalt  }
0x62: {  	_ =	shalt  }
0x63: {  	_ =	shalt  }
0x64: {  	_ =	shalt  }
0x65: {  	_ =	shalt  }
0x66: {  	_ =	shalt  }
0x67: {  	_ =	shalt  }
0x68: {  	_ =	shalt  }
0x69: {  	_ =	shalt  }
0x6a: {  	_ =	shalt  }
0x6b: {  	_ =	shalt  }
0x6c: {  	_ =	shalt  }
0x6d: {  	_ =	shalt  }
0x6e: {  	_ =	shalt  }
0x6f: {  	_ =	shalt  }
0x70: {  	_ =	shalt  }
0x71: {  	_ =	shalt  }
0x72: {  	_ =	shalt  }
0x73: {  	_ =	shalt  }
0x74: {  	_ =	shalt  }
0x75: {  	_ =	shalt  }
0x76: {  	_ =	shalt  }
0x77: {  	_ =	shalt  }
0x78: {  	_ =	shalt  }
0x79: {  	_ =	shalt  }
0x7a: {  	_ =	shalt  }
0x7b: {  	_ =	shalt  }
0x7c: {  	_ =	shalt  }
0x7d: {  	_ =	shalt  }
0x7e: {  	_ =	shalt  }
0x7f: {  	_ =	shalt  }
0x80: {  	_ =	shalt  }
0x81: {  	_ =	shalt  }
0x82: {  	_ =	shalt  }
0x83: {  	_ =	shalt  }
0x84: {  	_ =	shalt  }
0x85: {  	_ =	shalt  }
0x86: {  	_ =	shalt  }
0x87: {  	_ =	shalt  }
.Lfunc_end0:
.L_simem_size_0:
called_computation.1_lowered:
.L_overlay_start_0:
0x88: {  	s2 =	sld [smem:$0x3FD9]  }
0x89: {  	s3 =	sld [smem:$0x3FFE];
	_ =	sdelay $0x1  }
0x8a: {  	s1 =	srdreg.scid  }
0x8b: {  	s0 =	sand.u32 $0x1, s1  }
0x8c: {  	s16 =	sshll.u32 s0, $0xA;
	s2 =	sadd.s32 s3, s2  }
0x8d: {  	s2 =	sadd.s32 s2, s16  }
0x8e: {  	[smem:$0x3FAD] =	sst s2  }
0x8f: {  	_ = 	snop  }
0x90: {  	(tm) =	ssettm $0x1  }
0x91: {  	s17 =	sld [smem:$0x3FFB];
	_ =	sdelay $0x3  }
0x92: {  	_ =	strace s17  }
0x93: {  	s2 =	sld [smem:$0x3FFC];
	_ =	sdelay $0x3  }
0x94: {  	_ =	strace s2  }
0x95: {  	s2 =	sld [smem:$0x3FFD];
	_ =	sdelay $0x3  }
0x96: {  	_ =	strace s2  }
0x97: {  	_ =	strace $0x8FFFFFFF  }
0x98: {  	s18 =	sld [smem:$0x3FDB];
	_ =	sdelay $0x1  }
0x99: {  	s19 =	simm.s32 $_scs_section_size  }
0x9a: {  	s4 =	simm.s32 $_size__tile_overlayer_lowered;
	s5 =	simm.s32 $_tile_overlayer_lowered  }
0x9b: {  	s22 =	simm.s32 $0x1BFF;
	s21 =	sshll.u32 s5, $0x1;
	s2 =	sadd.s32 s19, s18  }
0x9c: {  	s6 =	simm.s32 $0x0;
	s20 =	sshll.u32 s4, $0x1;
	s4 =	sadd.s32 s21, s2  }
0x9d: {  	[timem:s6], [sflag:s22] =	dma.local [hbm:s4], s20  }
0x9e: {  	_ =	swait.ge [sflag:s22], s20  }
0x9f: {  	s3 =	ssub.s32 $0x0, s20;
	[sflag:s22] =	ssyncset.done $0x0  }
0xa0: {  	[sflag:s22] =	ssyncadd.s32 s3;
	_ =	sdelay $0x1  }
0xa1: {  	s23 =	simm.s32 $0x1B8B  }
0xa2: {  	_ =	swait.ge [sflag:s23], $0x1  }
0xa3: {  	[sflag:s23] =	ssyncset.done $0x0  }
0xa4: {  	s25 =	simm.s32 $0x1B8E;
	s24 =	sld [smem:$0x3FFE];
	[sflag:s23] =	ssyncadd.s32 $0xFFFFFFFF  }
0xa5: {  	s26 =	simm.s32 $execute0_lowered;
	[smem:$0x3FD2] =	sst s25  }
0xa6: {  	s4 =	sshll.u32 s26, $0x1;
	_ =	strace $0x80000049;
	[dreg:$0x1] =	wrdreg $0xFFFFFFFF  }
0xa7: {  	s28 =	simm.s32 $_size_execute0_lowered;
	s2 =	sadd.s32 s2, s4;
	[dreg:$0x0] =	wrdreg $0x0  }
0xa8: {  	s4 =	sshll.u32 s28, $0x1;
	[dreg:$0x2] =	wrdreg s2  }
0xa9: {  	[dreg:$0x3] =	wrdreg s4  }
0xaa: {  	[dreg:$0x4] =	wrdreg $0xC0  }
0xab: {  	_ =	task [dreg:s6], $0x5FFFF  }
0xac: {  	[dreg:$0x1] =	wrdreg $0xFFFFFFFF  }
0xad: {  	[dreg:$0x0] =	wrdreg $0x60  }
0xae: {  	[dreg:$0x2] =	wrdreg s24  }
0xaf: {  	[dreg:$0x3] =	wrdreg $0x9  }
0xb0: {  	_ =	task.clear_ibuf [dreg:s6], $0x4FFFF;
	_ =	strace $0x90000049  }
0xb1: {  	s29 =	simm.s32 $0x9;
	_ =	strace $0x8000004B  }
0xb2: {  	_ =	swait.ge [sflag:s29], $0x1  }
0xb3: {  	[sflag:s29] =	ssyncadd.s32 $0xFFFFFFFF  }
0xb4: {  	_ =	strace $0x9000004B  }
0xb5: {  	_ =	sfence  }
0xb6: {  	s30 =	sld [smem:$0x0];
	_ =	sdelay $0x2  }
0xb7: {  	s31 =	sshll.u32 s1, $0xD;
	s1 =	sshrl.u32 s1, $0x2  }
0xb8: {  	s3 =	sand.u32 $0x4000, s31;
	s1 =	sadd.s32 s1, s30  }
0xb9: {  	s0 =	sor.u32 s3, s0;
	s1 =	sshll.u32 s1, $0x11  }
0xba: {  	s0 =	sor.u32 s1, s0  }
0xbb: {  	s0 =	sadd.s32 $0x8F2B, s0  }
0xbc: {  	[sflag:s0] =	ssyncadd.remote.s32 $0x1  }
0xbd: {  	_ =	sfence.sel $0xFFFF  }
0xbe: {  	[dreg:$0x0] =	wrdreg $0xFFFFFFFF;
	(pc) =	sbr.abs _section_cstart, $3  }
0xbf: {  	[dreg:$0x1] =	wrdreg $0xFFFFFFFF  }
0xc0: {  	_ =	task.clear_ibuf [dreg:s6], $0x2FFFF;
	_ =	strace $0x9FFFFFFF  }
0xc1: {  	(tm) =	ssettm $0x7FFFFFFF  }
tec
execute0_lowered:
.L_overlay_start_1:
0x0: {  	(tag) =	ssettag $0x1  }
0x1: {  	s1 =	simm.s32 $0x0  }
0x2: {  	[smem:$0x7FF] =	sst s1  }
0x3: {  	s0 =	rddreg [dreg:$0x0];
	v0 =	vimm.f32 $1.000000000e+00;
	_ =	strace $0x8000004A  }
0x4: {  	(xrf0) =	vmax.scan.msk.f32 $0xffff, v0;
	_ =	sdelay $0x5  }
0x5: {  	s6 =	stileid.u32;
	s2 =	srdreg.scid;
	s15 =	simm.s32 $0x3;
	v0, _, _ =	vpop (xrf0)  }
0x6: {  	s22 =	simm.s32 $0x8200;
	s23 =	simm.s32 $0x8280;
	s28 =	simm.s32 $0x1;
	(v2sf) =	vpush v0, $0xF  }
0x7: {  	s29 =	simm.s32 $0x2;
	s30 =	simm.s32 $0x13300;
	s31 =	simm.s32 $0x17300  }
0x8: {  	s3 =	sshll.u32 s6, $0x1;
	s2 =	sand.u32 $0x1, s2;
	s12 =	sshrl.u32 s6, $0x2  }
0x9: {  	s6 =	sand.u32 $0x3, s6;
	s3 =	sand.u32 $0x6, s3;
	s4 =	smul.u32 $0x6000, s12  }
0xa: {  	s5 =	sshll.u32 s12, $0xA;
	s24 =	sshll.u32 s6, $0x8;
	s25 =	sshll.u32 s2, $0x7  }
0xb: {  	s16 =	sshll.u32 s12, $0xD;
	s3 =	sor.u32 s2, s3;
	s2 =	ssub.s32 $0x2, s2  }
0xc: {  	s3 =	sshll.u32 s3, $0x7;
	s4 =	sshrl.u32 s4, $0x3;
	s8 =	sshrl.u32 s2, $0x1  }
0xd: {  	s3 =	sor.u32 s5, s3;
	s7 =	sadd.s32 s4, s0;
	s5 =	sor.u32 s24, s5  }
0xe: {  	s4 =	sadd.s32 $0x108E00, s0;
	s2 =	ssub.s32 s2, s8;
	s24 =	simm.s32 $0x80  }
0xf: {  	s3 =	sshrl.u32 s3, $0x3;
	s5 =	sor.u32 s25, s5;
	s26 =	sadd.s32 $0x5600, s7  }
0x10: {  	s12 =	smax.u32 s2, $0x1;
	s25 =	simm.s32 $0xB300;
	s11 =	sadd.s32 s3, s0  }
0x11: {  	s3 =	sadd.s32 $0x8E00, s0;
	s6 =	sshll.u32 s5, $0x9;
	s5 =	sshll.u32 s5, $0xA  }
0x12: {  	[dreg:$0x2] =	wrdreg s26;
	s26 =	simm.s32 $0xF300;
	s13 =	sadd.s32 s6, s0  }
0x13: {  	s0 =	sadd.s32 s5, s0;
	s6 =	sadd.s32 $0x5A00, s7;
	s7 =	sadd.s32 $0x5E00, s7  }
0x14: {  	v1 =	vlaneseq.u32;
	v2 =	vimm.s32 $0x0;
	s8 =	sadd.s32 $0x8600, s11;
	s9 =	sadd.s32 $0x8800, s11;
	s10 =	sadd.s32 $0x8A00, s11  }
0x15: {  	v3 =	vimm.f32 $0.0e+00;
	vm0 =	vmmov $0x1;
	v4 =	vor.u32 $0x10, v1;
	s11 =	sadd.s32 $0x8C00, s11;
	s13 =	sadd.s32 $0x188E00, s13;
	s17 =	spop (v2sf)  }
0x16: {  	v5 =	vor.u32 $0x20, v1;
	v6 =	vor.u32 $0x30, v1;
	s14 =	sadd.s32 $0x388E00, s0;
	s0 =	simm.s32 $0x0;
	v0 =	vmov s16;
	p0 =	sgt.f32 s17, $0.0e+00  }
.LBB2_1:
0x17: {  	s2 =	rddreg [dreg:$0x2]  }
0x18: {  	[tilespmem:s1], [sflag:$0x3] =	stream.linear.gather [hbm4b:s2+s1], $0x2000, $0x38;
	[tilespmem:$0x1B300] =	vst v63  }
0x19: {  	_ =	swait.ge [sflag:s15], $0x2000  }
0x1a: {  	[sflag:s15] =	ssyncset.done $0x0  }
0x1b: {  	s16 =	simm.s32 $0x2000;
	[sflag:s15] =	ssyncadd.s32 $0xFFFFE000  }
0x1c: {  	[tilespmem:s16], [sflag:$0x3] =	stream.linear.gather [hbm4b:s6+s1], $0x2000, $0x38;
	[tilespmem:$0x1B300] =	vst v63  }
0x1d: {  	_ =	swait.ge [sflag:s15], $0x2000  }
0x1e: {  	[sflag:s15] =	ssyncset.done $0x0  }
0x1f: {  	s17 =	simm.s32 $0x4000;
	[sflag:s15] =	ssyncadd.s32 $0xFFFFE000  }
0x20: {  	[tilespmem:s17], [sflag:$0x3] =	stream.linear.gather [hbm4b:s7+s1], $0x2000, $0x38;
	[tilespmem:$0x1B300] =	vst v63  }
0x21: {  	_ =	swait.ge [sflag:s15], $0x2000  }
0x22: {  	[sflag:s15] =	ssyncset.done $0x0  }
0x23: {  	s18 =	simm.s32 $0x8000;
	[sflag:s15] =	ssyncadd.s32 $0xFFFFE000  }
0x24: {  	[tilespmem:s18], [sflag:$0x3] =	stream.linear.gather [hbm4b:s8+s1], $0x80, $0x38;
	[tilespmem:$0x1B300] =	vst v63  }
0x25: {  	_ =	swait.ge [sflag:s15], $0x80  }
0x26: {  	[sflag:s15] =	ssyncset.done $0x0  }
0x27: {  	s19 =	simm.s32 $0x8080;
	[sflag:s15] =	ssyncadd.s32 $0xFFFFFF80  }
0x28: {  	[tilespmem:s19], [sflag:$0x3] =	stream.linear.gather [hbm4b:s9+s1], $0x80, $0x38;
	[tilespmem:$0x1B300] =	vst v63  }
0x29: {  	_ =	swait.ge [sflag:s15], $0x80  }
0x2a: {  	[sflag:s15] =	ssyncset.done $0x0  }
0x2b: {  	s20 =	simm.s32 $0x8100;
	[sflag:s15] =	ssyncadd.s32 $0xFFFFFF80  }
0x2c: {  	[tilespmem:s20], [sflag:$0x3] =	stream.linear.gather [hbm4b:s10+s1], $0x80, $0x38;
	[tilespmem:$0x1B300] =	vst v63  }
0x2d: {  	_ =	swait.ge [sflag:s15], $0x80  }
0x2e: {  	[sflag:s15] =	ssyncset.done $0x0  }
0x2f: {  	s21 =	simm.s32 $0x8180;
	[sflag:s15] =	ssyncadd.s32 $0xFFFFFF80  }
0x30: {  	[tilespmem:s21], [sflag:$0x3] =	stream.linear.gather [hbm4b:s11+s1], $0x80, $0x38;
	[tilespmem:$0x1B300] =	vst v63  }
0x31: {  	_ =	swait.ge [sflag:s15], $0x80  }
0x32: {  	[sflag:s15] =	ssyncset.done $0x0  }
0x33: {  	s2 =	simm.s32 $0x0;
	[sflag:s15] =	ssyncadd.s32 $0xFFFFFF80  }
0x34: {  	v7 =	vld [tilespmem:s2+$0x0]  }
0x35: {  	v8 =	vld [tilespmem:s2+$0x2000]  }
0x36: {  	v9 =	vld [tilespmem:s2+$0x4000];
	_ =	sdelay $0x3  }
0x37: {  	v10 =	vshrl.u32 v7, $0x10;
	v11 =	vmul.f32 v7, v7  }
0x38: {  	v12 =	vshrl.u32 v8, $0x10;
	v63 =	vshrl.u32 v9, $0x10;
	v10 =	vand.u32 $0x1, v10  }
0x39: {  	v7 =	vadd.s32 v10, v7;
	v10 =	vand.u32 $0x1, v12;
	v12 =	vand.u32 $0x1, v63  }
0x3a: {  	v7 =	vadd.s32 $0x7FFF, v7;
	v10 =	vadd.s32 v10, v8;
	v8 =	vmul.f32 v8, v8  }
0x3b: {  	v12 =	vadd.s32 v12, v9;
	v7 =	vand.u32 $0xFFFF0000, v7;
	v10 =	vadd.s32 $0x7FFF, v10  }
0x3c: {  	s16 =	simm.s32 $0x10;
	v12 =	vadd.s32 $0x7FFF, v12;
	[tilespmem:s2+$0x0] =	vst v7;
	v10 =	vand.u32 $0xFFFF0000, v10  }
0x3d: {  	s17 =	simm.s32 $0x80;
	v9 =	vmul.f32 v9, v9;
	v8 =	vadd.f32 v8, v11;
	v7 =	vld [tilespmem:s16+$0x0];
	[tilespmem:s2+$0x2000] =	vst v10;
	v10 =	vand.u32 $0xFFFF0000, v12  }
.LBB2_2:
0x3e: {  	p1 =	sne.s32 s17, $0x7FC0;
	v11 =	vld [tilespmem:s16+$0x2000];
	[tilespmem:s2+$0x4000] =	vst v10  }
0x3f: {  	v10 =	vld [tilespmem:s16+$0x4000];
	v8 =	vadd.f32 v9, v8;
	_ =	sdelay $0x1  }
0x40: {  	[tilespmem:s2+$0x6000] =	vst v8;
	s2 =	smov.u32 s16  }
0x41: {  	v8 =	vmul.f32 v7, v7;
	v9 =	vshrl.u32 v7, $0x10  }
0x42: {  	v12 =	vmul.f32 v11, v11;
	v9 =	vand.u32 $0x1, v9;
	v13 =	vshrl.u32 v11, $0x10  }
.Ltmp0:
0x43: {  	v7 =	vadd.s32 v9, v7;
	v9 =	vand.u32 $0x1, v13;
	v13 =	vshrl.u32 v10, $0x10;
	(pc) =	sbr.rel @p1 .LBB2_2-.Ltmp0, $4  }
0x44: {  	v7 =	vadd.s32 $0x7FFF, v7;
	v9 =	vadd.s32 v9, v11;
	v11 =	vand.u32 $0x1, v13  }
0x45: {  	v7 =	vand.u32 $0xFFFF0000, v7;
	v9 =	vadd.s32 $0x7FFF, v9;
	v11 =	vadd.s32 v11, v10  }
0x46: {  	s16 =	sshra.s32 s17, $0x2;
	v8 =	vadd.f32 v12, v8;
	[tilespmem:s2+$0x0] =	vst v7;
	v12 =	vand.u32 $0xFFFF0000, v9;
	v11 =	vadd.s32 $0x7FFF, v11  }
0x47: {  	s17 =	sadd.s32 $0x40, s17;
	v9 =	vmul.f32 v10, v10;
	v7 =	vld [tilespmem:s16+$0x0];
	[tilespmem:s2+$0x2000] =	vst v12;
	v10 =	vand.u32 $0xFFFF0000, v11  }
0x48: {  	v11 =	vld [tilespmem:s16+$0x2000]  }
0x49: {  	[tilespmem:s2+$0x4000] =	vst v10  }
0x4a: {  	v10 =	vld [tilespmem:s16+$0x4000];
	_ =	sdelay $0x1  }
0x4b: {  	v8 =	vadd.f32 v9, v8;
	v61 =	vshrl.u32 v7, $0x10  }
0x4c: {  	v12 =	vmul.f32 v7, v7;
	v9 =	vand.u32 $0x1, v61;
	v13 =	vshrl.u32 v11, $0x10  }
0x4d: {  	v62 =	vmul.f32 v11, v11;
	v7 =	vadd.s32 v9, v7;
	v13 =	vand.u32 $0x1, v13  }
0x4e: {  	v63 =	vshrl.u32 v10, $0x10;
	v11 =	vadd.s32 v13, v11;
	v7 =	vadd.s32 $0x7FFF, v7  }
0x4f: {  	v13 =	vand.u32 $0x1, v63;
	v9 =	vadd.f32 v62, v12;
	v7 =	vand.u32 $0xFFFF0000, v7  }
.Ltmp1:
0x50: {  	[tilespmem:s2+$0x6000] =	vst v8;
	v11 =	vadd.s32 $0x7FFF, v11;
	v8 =	vadd.s32 v13, v10;
	v10 =	vmul.f32 v10, v10;
	(pc) =	sbr.rel .LBB2_4-.Ltmp1, $4  }
0x51: {  	[tilespmem:s16+$0x0] =	vst v7;
	v7 =	vand.u32 $0xFFFF0000, v11;
	v8 =	vadd.s32 $0x7FFF, v8  }
0x52: {  	[tilespmem:s16+$0x2000] =	vst v7;
	v7 =	vand.u32 $0xFFFF0000, v8;
	v8 =	vadd.f32 v10, v9  }
0x53: {  	[tilespmem:s16+$0x4000] =	vst v7  }
0x54: {  	s2 =	simm.s32 $0x0;
	[tilespmem:s16+$0x6000] =	vst v8  }
.LBB2_7:
0x55: {  	v8 =	vpsel p1, v12, v12;
	v7 =	vpsel p1, v11, v11  }
.LBB2_8:
0x56: {  	v9 =	vld [tilespmem:$0x8200];
	_ =	sdelay $0x4  }
0x57: {  	v10 =	vnsel vm0, $0x0, v9  }
0x58: {  	(xrf0) =	vadd.scan.msk.s32 $0xffff, v10;
	_ =	sdelay $0x5  }
0x59: {  	v10, _, _ =	vpop (xrf0)  }
0x5a: {  	v10 =	vbroadcast v10, $0xF  }
0x5b: {  	vm1 =	vgt.s32 v8, v1  }
0x5c: {  	s5 =	sshll.u32 s2, $0x5;
	v9 =	vsel vm1, v9, v10  }
0x5d: {  	s5 =	sand.u32 $0x3FFFFFE0, s5;
	v9 =	vadd.s32 v0, v9  }
0x5e: {  	[tilespmem:s5+$0x8300] =	vst v9  }
0x5f: {  	v9 =	vld [tilespmem:$0x8210];
	_ =	sdelay $0x3  }
0x60: {  	vm1 =	vgt.s32 v8, v4  }
0x61: {  	v8 =	vsel vm1, v9, v10  }
0x62: {  	v8 =	vadd.s32 v0, v8  }
0x63: {  	[tilespmem:s5+$0x8310] =	vst v8  }
0x64: {  	v8 =	vld [tilespmem:$0x8280];
	_ =	sdelay $0x4  }
0x65: {  	v63 =	vnsel vm0, $0x0, v8  }
0x66: {  	(xrf0) =	vadd.scan.msk.s32 $0xffff, v63;
	_ =	sdelay $0x5  }
0x67: {  	v9, _, _ =	vpop (xrf0)  }
0x68: {  	v9 =	vbroadcast v9, $0xF  }
0x69: {  	vm1 =	vgt.s32 v7, v1  }
0x6a: {  	s21 =	sshll.u32 s2, $0x6;
	v8 =	vsel vm1, v8, v9  }
0x6b: {  	s5 =	sand.u32 $0x3FFFFFC0, s21;
	v8 =	vadd.s32 v0, v8  }
0x6c: {  	[tilespmem:s5+$0x9300] =	vst v8  }
0x6d: {  	v8 =	vld [tilespmem:$0x8290];
	_ =	sdelay $0x3  }
0x6e: {  	vm1 =	vgt.s32 v7, v4  }
0x6f: {  	v8 =	vsel vm1, v8, v9  }
0x70: {  	v8 =	vadd.s32 v0, v8  }
0x71: {  	[tilespmem:s5+$0x9310] =	vst v8  }
0x72: {  	v8 =	vld [tilespmem:$0x82A0];
	_ =	sdelay $0x3  }
0x73: {  	vm1 =	vgt.s32 v7, v5  }
0x74: {  	v8 =	vsel vm1, v8, v9  }
0x75: {  	v8 =	vadd.s32 v0, v8  }
0x76: {  	[tilespmem:s5+$0x9320] =	vst v8  }
0x77: {  	v8 =	vld [tilespmem:$0x82B0]  }
0x78: {  	s2 =	sadd.s32 $0x1, s2  }
0x79: {  	p1 =	sne.s32 s2, $0x80  }
.Ltmp2:
0x7a: {  	_ = 	snop;
	(pc) =	sbr.rel @!p1 .LBB2_9-.Ltmp2, $4  }
0x7b: {  	vm1 =	vgt.s32 v7, v6  }
0x7c: {  	v7 =	vsel vm1, v8, v9  }
0x7d: {  	v7 =	vadd.s32 v0, v7  }
0x7e: {  	s16 =	simm.s32 $0x0;
	[tilespmem:s5+$0x9330] =	vst v7  }
.LBB2_4:
.Ltmp3:
0x7f: {  	(pc) =	sbr.rel @!p0 .LBB2_8-.Ltmp3, $2  }
0x80: {  	_ =	sdelay $0x2  }
0x81: {  	v8 =	vimm.s32 $0x0;
	v7 =	vimm.s32 $0x0  }
0x82: {  	s16 =	sand.u32 $0x70, s2  }
0x83: {  	v7 =	vld [tilespmem:s16+$0x8180]  }
0x84: {  	v8 =	vld [tilespmem:s16+$0x8100]  }
0x85: {  	s17 =	sand.u32 $0xF, s2;
	v9 =	vld [tilespmem:s16+$0x8080]  }
0x86: {  	v10 =	vmov s17;
	v11 =	vld [tilespmem:s16+$0x8000]  }
0x87: {  	vm1 =	veq.s32 v10, v1  }
0x88: {  	v7 =	vnsel vm1, $0x0, v7  }
0x89: {  	(xrf2) =	vadd.scan.msk.f32 $0xffff, v7;
	v7 =	vnsel vm1, $0x0, v8  }
0x8a: {  	(xrf2) =	vadd.scan.msk.f32 $0xffff, v7;
	v7 =	vnsel vm1, $0x0, v9  }
0x8b: {  	(xrf2) =	vadd.scan.msk.f32 $0xffff, v7;
	v7 =	vnsel vm1, $0x0, v11  }
0x8c: {  	(xrf2) =	vadd.scan.msk.f32 $0xffff, v7;
	_ =	sdelay $0x6  }
0x8d: {  	v10, _, _ =	vpop (xrf2)  }
0x8e: {  	v9, _, _ =	vpop (xrf2)  }
0x8f: {  	v8, _, _ =	vpop (xrf2)  }
0x90: {  	s21 =	simm.s32 $0x0;
	s18 =	simm.s32 $0x2020;
	s19 =	simm.s32 $0x20;
	v12 =	vimm.s32 $0x0;
	v10 =	vbroadcast v10, $0xF;
	v9 =	vbroadcast v9, $0xF;
	v7, _, _ =	vpop (xrf2)  }
0x91: {  	s20 =	simm.s32 $0x0;
	s16 =	simm.s32 $0x4020;
	s17 =	simm.s32 $0x6020;
	v11 =	vimm.s32 $0x0;
	v8 =	vbroadcast v8, $0xF;
	v7 =	vbroadcast v7, $0xF  }
.LBB2_6:
0x92: {  	v13 =	vld [tilespmem:s19+$0xFFFFFFE0]  }
0x93: {  	v14 =	vld [tilespmem:s18+$0xFFFFFFE0];
	_ =	sdelay $0x1  }
0x94: {  	v15 =	vld [tilespmem:s16+$0xFFFFFFE0];
	_ =	sdelay $0x2  }
0x95: {  	v13 =	vmul.f32 v13, v7;
	v14 =	vmul.f32 v14, v8  }
0x96: {  	v16 =	vld [tilespmem:s17+$0xFFFFFFE0]  }
0x97: {  	v13 =	vadd.f32 v14, v13;
	v14 =	vmul.f32 v15, v9;
	_ =	sdelay $0x1  }
0x98: {  	v13 =	vadd.f32 v14, v13;
	_ =	sdelay $0x1  }
0x99: {  	v14 =	vadd.f32 v16, v10;
	v13 =	vadd.f32 v13, v13;
	_ =	sdelay $0x1  }
0x9a: {  	v13 =	vsub.f32 v14, v13;
	_ =	sdelay $0x1  }
0x9b: {  	vm3 =	vlt.f32 v13, $3.999999910e-02  }
0x9c: {  	vm4 =	vlt.f32 v13, $1.599999960e-01;
	v13 =	vsel vm3, $0x1, v2  }
0x9d: {  	(xrf0) =	vadd.scan.msk.s32 $0xffff, v13;
	v13 =	vsel vm4, $0x1, v2  }
0x9e: {  	(xrf0) =	vadd.scan.msk.s32 $0xffff, v13;
	_ =	sdelay $0x4  }
0x9f: {  	v13, _, _ =	vpop (xrf0)  }
0xa0: {  	v14, _, _ =	vpop (xrf0);
	v13 =	vadd.s32 v13, v12  }
0xa1: {  	v13 =	vadd.s32 $0xFFFFFFFF, v13;
	v14 =	vadd.s32 v14, v11  }
0xa2: {  	vm1 =	vlt.s32 v13, $0x3F;
	v14 =	vadd.s32 $0xFFFFFFFF, v14  }
0xa3: {  	v13 =	vnsel vm1, $0x3F, v13;
	vm1 =	vlt.s32 v14, $0x5F  }
0xa4: {  	v14 =	vnsel vm1, $0x5F, v14;
	_ =	sdelay $0x2  }
0xa5: {  	v15 =	vor.u32 s20, v1  }
0xa6: {  	[tilespmem:v13+s22+$0x0] =	vst.idx.msk vm3, v15  }
0xa7: {  	[tilespmem:v14+s23+$0x0] =	vst.idx.msk vm4, v15  }
0xa8: {  	v13 =	vld [tilespmem:s19+$0xFFFFFFF0]  }
0xa9: {  	v14 =	vld [tilespmem:s18+$0xFFFFFFF0];
	_ =	sdelay $0x1  }
0xaa: {  	v15 =	vld [tilespmem:s16+$0xFFFFFFF0];
	_ =	sdelay $0x2  }
0xab: {  	v13 =	vmul.f32 v13, v7;
	v14 =	vmul.f32 v14, v8  }
0xac: {  	v59 =	vld [tilespmem:s17+$0xFFFFFFF0]  }
0xad: {  	v13 =	vadd.f32 v14, v13;
	v14 =	vmul.f32 v15, v9;
	_ =	sdelay $0x1  }
0xae: {  	v13 =	vadd.f32 v14, v13;
	_ =	sdelay $0x1  }
0xaf: {  	v14 =	vadd.f32 v59, v10;
	v13 =	vadd.f32 v13, v13;
	_ =	sdelay $0x1  }
0xb0: {  	v13 =	vsub.f32 v14, v13;
	_ =	sdelay $0x1  }
0xb1: {  	vm1 =	vlt.f32 v13, $3.999999910e-02  }
0xb2: {  	vm2 =	vlt.f32 v13, $1.599999960e-01;
	v13 =	vsel vm1, $0x1, v2  }
0xb3: {  	(xrf0) =	vadd.scan.msk.s32 $0xffff, v13;
	v13 =	vsel vm2, $0x1, v2  }
0xb4: {  	(xrf0) =	vadd.scan.msk.s32 $0xffff, v13  }
0xb5: {  	v13 =	vmpcnt.ones.xlane vm3  }
0xb6: {  	v14 =	vmpcnt.ones.xlane vm4;
	_ =	sdelay $0x2  }
0xb7: {  	v12 =	vadd.s32 v12, v13;
	v13, _, _ =	vpop (xrf0)  }
0xb8: {  	v11 =	vadd.s32 v11, v14;
	v14, _, _ =	vpop (xrf0);
	v13 =	vadd.s32 v13, v12  }
0xb9: {  	v13 =	vadd.s32 $0xFFFFFFFF, v13;
	v14 =	vadd.s32 v14, v11  }
0xba: {  	vm3 =	vlt.s32 v13, $0x3F;
	v14 =	vadd.s32 $0xFFFFFFFF, v14  }
0xbb: {  	v13 =	vnsel vm3, $0x3F, v13;
	vm3 =	vlt.s32 v14, $0x5F  }
0xbc: {  	v14 =	vnsel vm3, $0x5F, v14;
	_ =	sdelay $0x1  }
0xbd: {  	s5 =	sadd.s32 $0x10, s20  }
0xbe: {  	v15 =	vor.u32 s5, v1  }
0xbf: {  	[tilespmem:v13+s22+$0x0] =	vst.idx.msk vm1, v15  }
0xc0: {  	[tilespmem:v14+s23+$0x0] =	vst.idx.msk vm2, v15  }
0xc1: {  	v13 =	vld [tilespmem:s19+$0x0]  }
0xc2: {  	v14 =	vld [tilespmem:s18+$0x0];
	_ =	sdelay $0x1  }
0xc3: {  	v15 =	vld [tilespmem:s16+$0x0];
	_ =	sdelay $0x2  }
0xc4: {  	v13 =	vmul.f32 v13, v7;
	v14 =	vmul.f32 v14, v8  }
0xc5: {  	v60 =	vld [tilespmem:s17+$0x0]  }
0xc6: {  	v13 =	vadd.f32 v14, v13;
	v14 =	vmul.f32 v15, v9;
	_ =	sdelay $0x1  }
0xc7: {  	v13 =	vadd.f32 v14, v13;
	_ =	sdelay $0x1  }
0xc8: {  	v14 =	vadd.f32 v60, v10;
	v13 =	vadd.f32 v13, v13;
	_ =	sdelay $0x1  }
0xc9: {  	v13 =	vsub.f32 v14, v13;
	_ =	sdelay $0x1  }
0xca: {  	vm3 =	vlt.f32 v13, $3.999999910e-02  }
0xcb: {  	vm14 =	vlt.f32 v13, $1.599999960e-01;
	v13 =	vsel vm3, $0x1, v2  }
0xcc: {  	(xrf0) =	vadd.scan.msk.s32 $0xffff, v13;
	v13 =	vsel vm14, $0x1, v2  }
0xcd: {  	(xrf0) =	vadd.scan.msk.s32 $0xffff, v13  }
0xce: {  	v13 =	vmpcnt.ones.xlane vm1  }
0xcf: {  	v14 =	vmpcnt.ones.xlane vm2;
	_ =	sdelay $0x2  }
0xd0: {  	v12 =	vadd.s32 v12, v13;
	v13, _, _ =	vpop (xrf0)  }
0xd1: {  	v11 =	vadd.s32 v11, v14;
	v14, _, _ =	vpop (xrf0);
	v13 =	vadd.s32 v13, v12  }
0xd2: {  	v13 =	vadd.s32 $0xFFFFFFFF, v13;
	v14 =	vadd.s32 v14, v11  }
0xd3: {  	vm1 =	vlt.s32 v13, $0x3F;
	v14 =	vadd.s32 $0xFFFFFFFF, v14  }
0xd4: {  	v13 =	vnsel vm1, $0x3F, v13;
	vm1 =	vlt.s32 v14, $0x5F  }
0xd5: {  	v14 =	vnsel vm1, $0x5F, v14;
	_ =	sdelay $0x1  }
0xd6: {  	s5 =	sadd.s32 $0x20, s20  }
0xd7: {  	v15 =	vor.u32 s5, v1  }
0xd8: {  	[tilespmem:v13+s22+$0x0] =	vst.idx.msk vm3, v15  }
0xd9: {  	[tilespmem:v14+s23+$0x0] =	vst.idx.msk vm14, v15  }
0xda: {  	v13 =	vld [tilespmem:s19+$0x10]  }
0xdb: {  	v14 =	vld [tilespmem:s18+$0x10];
	_ =	sdelay $0x1  }
0xdc: {  	v15 =	vld [tilespmem:s16+$0x10];
	_ =	sdelay $0x2  }
0xdd: {  	v13 =	vmul.f32 v13, v7;
	v14 =	vmul.f32 v14, v8  }
0xde: {  	v61 =	vld [tilespmem:s17+$0x10]  }
0xdf: {  	v13 =	vadd.f32 v14, v13;
	v14 =	vmul.f32 v15, v9;
	_ =	sdelay $0x1  }
0xe0: {  	v13 =	vadd.f32 v14, v13;
	_ =	sdelay $0x1  }
0xe1: {  	v14 =	vadd.f32 v61, v10;
	v13 =	vadd.f32 v13, v13;
	_ =	sdelay $0x1  }
0xe2: {  	v13 =	vsub.f32 v14, v13  }
0xe3: {  	v15 =	vmpcnt.ones.xlane vm14  }
0xe4: {  	v14 =	vmpcnt.ones.xlane vm3;
	vm2 =	vlt.f32 v13, $3.999999910e-02;
	vm1 =	vlt.f32 v13, $1.599999960e-01  }
0xe5: {  	v13 =	vmpcnt.ones.xlane vm2;
	v62 =	vmpcnt.ones.xlane vm1  }
0xe6: {  	v15 =	vadd.s32 v11, v15;
	v14 =	vadd.s32 v12, v14  }
0xe7: {  	v12 =	vadd.s32 v14, v13;
	v11 =	vadd.s32 v15, v62  }
0xe8: {  	v13 =	vsel vm2, $0x1, v2;
	vm3 =	vlt.s32 v12, $0x20;
	vm15 =	vlt.s32 v11, $0x40  }
0xe9: {  	(xrf0) =	vadd.scan.msk.s32 $0xffff, v13;
	v13 =	vsel vm1, $0x1, v2;
	vm3 =	vmor vm3, vm15  }
0xea: {  	(xrf0) =	vadd.scan.msk.s32 $0xffff, v13;
	v13 =	vsel vm3, $0x3F800000, v3  }
0xeb: {  	(xrf0) =	vmax.scan.msk.f32 $0xffff, v13;
	_ =	sdelay $0x3  }
0xec: {  	v13, _, _ =	vpop (xrf0)  }
0xed: {  	v63, _, _ =	vpop (xrf0)  }
0xee: {  	v17, _, _ =	vpop (xrf0)  }
0xef: {  	(v2sf) =	vpush v17, $0xF;
	_ =	sdelay $0xd  }
0xf0: {  	v13 =	vadd.s32 v13, v14  }
0xf1: {  	p1 =	sgt.u32 s21, $0x7E;
	v13 =	vadd.s32 $0xFFFFFFFF, v13;
	v14 =	vadd.s32 v63, v15;
	s5 =	spop (v2sf)  }
0xf2: {  	vm3 =	vlt.s32 v13, $0x3F;
	v14 =	vadd.s32 $0xFFFFFFFF, v14;
	p2 =	sgt.f32 @!p1 s5, $0.0e+00  }
0xf3: {  	v13 =	vnsel vm3, $0x3F, v13;
	vm3 =	vlt.s32 v14, $0x5F  }
0xf4: {  	v14 =	vnsel vm3, $0x5F, v14;
	p2 =	por p1, !p2  }
.Ltmp4:
0xf5: {  	_ = 	snop;
	(pc) =	sbr.rel @!p2 .LBB2_6-.Ltmp4, $4  }
0xf6: {  	s5 =	sadd.s32 $0x30, s20  }
0xf7: {  	v15 =	vor.u32 s5, v1  }
0xf8: {  	s21 =	sadd.s32 $0x1, s21;
	s16 =	sadd.s32 $0x40, s16;
	s17 =	sadd.s32 $0x40, s17;
	[tilespmem:v13+s22+$0x0] =	vst.idx.msk vm2, v15  }
0xf9: {  	s18 =	sadd.s32 $0x40, s18;
	s19 =	sadd.s32 $0x40, s19;
	s20 =	sadd.s32 $0x40, s20;
	[tilespmem:v14+s23+$0x0] =	vst.idx.msk vm1, v15  }
.Ltmp5:
0xfa: {  	_ = 	snop;
	(pc) =	sbr.rel .LBB2_7-.Ltmp5, $1  }
0xfb: {  	_ =	sdelay $0x3  }
.LBB2_9:
0xfc: {  	s2 =	simm.s32 $0x8300  }
0xfd: {  	[tilespmem:s25], [sflag:$0x1] =	stream.indirect.gather [hbm4b:s3+s24], $0x80, s2, s24, $0xb8;
	[tilespmem:$0x1B300] =	vst v63  }
0xfe: {  	s20 =	simm.s32 $0x8380  }
0xff: {  	[tilespmem:s26], [sflag:$0x2] =	stream.indirect.gather [hbm4b:s3+s24], $0x80, s20, s24, $0xb8;
	[tilespmem:$0x1B300] =	vst v63  }
0x100: {  	_ =	swait.ge [sflag:s28], $0x4000  }
0x101: {  	[sflag:s28] =	ssyncset.done $0x0  }
0x102: {  	[sflag:s28] =	ssyncadd.s32 $0xFFFFC000  }
0x103: {  	[hbm4b:s13+s16] =	stream.linear.scatter [tilespmem:s25], [sflag:$0x3], $0x4000, $0x38;
	[tilespmem:$0x1B300] =	vst v63  }
0x104: {  	_ =	swait.ge [sflag:s15], $0x4000  }
0x105: {  	[sflag:s15] =	ssyncset.done $0x0  }
0x106: {  	[sflag:s15] =	ssyncadd.s32 $0xFFFFC000  }
0x107: {  	_ =	swait.ge [sflag:s29], $0x4000  }
0x108: {  	[sflag:s29] =	ssyncset.done $0x0  }
0x109: {  	s21 =	sadd.s32 $0x800, s13;
	[sflag:s29] =	ssyncadd.s32 $0xFFFFC000  }
0x10a: {  	[hbm4b:s21+s16] =	stream.linear.scatter [tilespmem:s26], [sflag:$0x3], $0x4000, $0x38;
	[tilespmem:$0x1B300] =	vst v63  }
0x10b: {  	s18 =	simm.s32 $0x800;
	_ =	swait.ge [sflag:s15], $0x4000  }
0x10c: {  	s17 =	simm.s32 $0x100;
	s2 =	sadd.s32 $0x1000, s13;
	[sflag:s15] =	ssyncset.done $0x0  }
.LBB2_10:
0x10d: {  	s5 =	sadd.s32 $0x8300, s17  }
0x10e: {  	[sflag:s15] =	ssyncadd.s32 $0xFFFFC000;
	s19 =	smov.u32 s18;
	s20 =	sadd.s32 $0x400, s18  }
0x10f: {  	[tilespmem:s25], [sflag:$0x1] =	stream.indirect.gather [hbm4b:s3+s24], $0x80, s5, s24, $0xb8;
	[tilespmem:$0x1B300] =	vst v63  }
0x110: {  	p1 =	sne.s32 s18, $0x3C00;
	s5 =	sadd.s32 $0x8380, s17  }
0x111: {  	[tilespmem:s26], [sflag:$0x2] =	stream.indirect.gather [hbm4b:s3+s24], $0x80, s5, s24, $0xb8;
	[tilespmem:$0x1B300] =	vst v63  }
0x112: {  	_ =	swait.ge [sflag:s28], $0x4000  }
0x113: {  	[sflag:s28] =	ssyncset.done $0x0  }
0x114: {  	[sflag:s28] =	ssyncadd.s32 $0xFFFFC000  }
0x115: {  	[hbm4b:s2+s16] =	stream.linear.scatter [tilespmem:s25], [sflag:$0x3], $0x4000, $0x38;
	[tilespmem:$0x1B300] =	vst v63  }
0x116: {  	_ =	swait.ge [sflag:s15], $0x4000  }
0x117: {  	[sflag:s15] =	ssyncset.done $0x0  }
0x118: {  	[sflag:s15] =	ssyncadd.s32 $0xFFFFC000  }
0x119: {  	_ =	swait.ge [sflag:s29], $0x4000  }
.Ltmp6:
0x11a: {  	[sflag:s29] =	ssyncset.done $0x0;
	(pc) =	sbr.rel @p1 .LBB2_10-.Ltmp6, $4  }
0x11b: {  	s5 =	sadd.s32 $0x800, s2;
	[sflag:s29] =	ssyncadd.s32 $0xFFFFC000  }
0x11c: {  	[hbm4b:s5+s16] =	stream.linear.scatter [tilespmem:s26], [sflag:$0x3], $0x4000, $0x38;
	[tilespmem:$0x1B300] =	vst v63  }
0x11d: {  	s17 =	sshra.s32 s19, $0x2;
	_ =	swait.ge [sflag:s15], $0x4000  }
0x11e: {  	s18 =	smov.u32 s20;
	s2 =	sadd.s32 $0x1000, s2;
	[sflag:s15] =	ssyncset.done $0x0  }
0x11f: {  	s5 =	sadd.s32 $0x8300, s17;
	[sflag:s15] =	ssyncadd.s32 $0xFFFFC000  }
0x120: {  	[tilespmem:s25], [sflag:$0x1] =	stream.indirect.gather [hbm4b:s3+s24], $0x80, s5, s24, $0xb8;
	[tilespmem:$0x1B300] =	vst v63  }
0x121: {  	s17 =	sadd.s32 $0x8380, s17  }
0x122: {  	[tilespmem:s26], [sflag:$0x2] =	stream.indirect.gather [hbm4b:s3+s24], $0x80, s17, s24, $0xb8;
	[tilespmem:$0x1B300] =	vst v63  }
0x123: {  	_ =	swait.ge [sflag:s28], $0x4000  }
0x124: {  	[sflag:s28] =	ssyncset.done $0x0  }
0x125: {  	[sflag:s28] =	ssyncadd.s32 $0xFFFFC000  }
0x126: {  	[hbm4b:s2+s16] =	stream.linear.scatter [tilespmem:s25], [sflag:$0x3], $0x4000, $0x38;
	[tilespmem:$0x1B300] =	vst v63  }
0x127: {  	_ =	swait.ge [sflag:s15], $0x4000  }
0x128: {  	[sflag:s15] =	ssyncset.done $0x0  }
0x129: {  	[sflag:s15] =	ssyncadd.s32 $0xFFFFC000  }
0x12a: {  	_ =	swait.ge [sflag:s29], $0x4000  }
0x12b: {  	[sflag:s29] =	ssyncset.done $0x0  }
0x12c: {  	s18 =	sadd.s32 $0x800, s2;
	[sflag:s29] =	ssyncadd.s32 $0xFFFFC000  }
0x12d: {  	[hbm4b:s18+s16] =	stream.linear.scatter [tilespmem:s26], [sflag:$0x3], $0x4000, $0x38;
	[tilespmem:$0x1B300] =	vst v63  }
0x12e: {  	_ =	swait.ge [sflag:s15], $0x4000  }
0x12f: {  	[sflag:s15] =	ssyncset.done $0x0  }
0x130: {  	s19 =	simm.s32 $0x9300;
	[sflag:s15] =	ssyncadd.s32 $0xFFFFC000  }
0x131: {  	[tilespmem:s30], [sflag:$0x1] =	stream.indirect.gather [hbm4b:s4+s24], $0x80, s19, s24, $0xb8;
	[tilespmem:$0x1B300] =	vst v63  }
0x132: {  	s20 =	simm.s32 $0x9380  }
0x133: {  	[tilespmem:s31], [sflag:$0x2] =	stream.indirect.gather [hbm4b:s4+s24], $0x80, s20, s24, $0xb8;
	[tilespmem:$0x1B300] =	vst v63  }
0x134: {  	_ =	swait.ge [sflag:s28], $0x4000  }
0x135: {  	[sflag:s28] =	ssyncset.done $0x0  }
0x136: {  	[sflag:s28] =	ssyncadd.s32 $0xFFFFC000  }
0x137: {  	[hbm4b:s14+s1] =	stream.linear.scatter [tilespmem:s30], [sflag:$0x3], $0x4000, $0x38;
	[tilespmem:$0x1B300] =	vst v63  }
0x138: {  	_ =	swait.ge [sflag:s15], $0x4000  }
0x139: {  	[sflag:s15] =	ssyncset.done $0x0  }
0x13a: {  	[sflag:s15] =	ssyncadd.s32 $0xFFFFC000  }
0x13b: {  	_ =	swait.ge [sflag:s29], $0x4000  }
0x13c: {  	[sflag:s29] =	ssyncset.done $0x0  }
0x13d: {  	s21 =	sadd.s32 $0x800, s14;
	[sflag:s29] =	ssyncadd.s32 $0xFFFFC000  }
0x13e: {  	[hbm4b:s21+s1] =	stream.linear.scatter [tilespmem:s31], [sflag:$0x3], $0x4000, $0x38;
	[tilespmem:$0x1B300] =	vst v63  }
0x13f: {  	s17 =	simm.s32 $0x800;
	_ =	swait.ge [sflag:s15], $0x4000  }
0x140: {  	s2 =	sadd.s32 $0x1000, s14;
	s16 =	simm.s32 $0x100;
	[sflag:s15] =	ssyncset.done $0x0  }
.LBB2_12:
0x141: {  	s5 =	sadd.s32 $0x9300, s16  }
0x142: {  	[sflag:s15] =	ssyncadd.s32 $0xFFFFC000;
	s18 =	smov.u32 s17;
	s19 =	sadd.s32 $0x400, s17  }
0x143: {  	[tilespmem:s30], [sflag:$0x1] =	stream.indirect.gather [hbm4b:s4+s24], $0x80, s5, s24, $0xb8;
	[tilespmem:$0x1B300] =	vst v63  }
0x144: {  	p1 =	sne.s32 s17, $0x7C00;
	s5 =	sadd.s32 $0x9380, s16  }
0x145: {  	[tilespmem:s31], [sflag:$0x2] =	stream.indirect.gather [hbm4b:s4+s24], $0x80, s5, s24, $0xb8;
	[tilespmem:$0x1B300] =	vst v63  }
0x146: {  	_ =	swait.ge [sflag:s28], $0x4000  }
0x147: {  	[sflag:s28] =	ssyncset.done $0x0  }
0x148: {  	[sflag:s28] =	ssyncadd.s32 $0xFFFFC000  }
0x149: {  	[hbm4b:s2+s1] =	stream.linear.scatter [tilespmem:s30], [sflag:$0x3], $0x4000, $0x38;
	[tilespmem:$0x1B300] =	vst v63  }
0x14a: {  	_ =	swait.ge [sflag:s15], $0x4000  }
0x14b: {  	[sflag:s15] =	ssyncset.done $0x0  }
0x14c: {  	[sflag:s15] =	ssyncadd.s32 $0xFFFFC000  }
0x14d: {  	_ =	swait.ge [sflag:s29], $0x4000  }
.Ltmp7:
0x14e: {  	[sflag:s29] =	ssyncset.done $0x0;
	(pc) =	sbr.rel @p1 .LBB2_12-.Ltmp7, $4  }
0x14f: {  	s5 =	sadd.s32 $0x800, s2;
	[sflag:s29] =	ssyncadd.s32 $0xFFFFC000  }
0x150: {  	[hbm4b:s5+s1] =	stream.linear.scatter [tilespmem:s31], [sflag:$0x3], $0x4000, $0x38;
	[tilespmem:$0x1B300] =	vst v63  }
0x151: {  	s16 =	sshra.s32 s18, $0x2;
	_ =	swait.ge [sflag:s15], $0x4000  }
0x152: {  	s17 =	smov.u32 s19;
	s2 =	sadd.s32 $0x1000, s2;
	[sflag:s15] =	ssyncset.done $0x0  }
0x153: {  	s5 =	sadd.s32 $0x9300, s16;
	[sflag:s15] =	ssyncadd.s32 $0xFFFFC000  }
0x154: {  	[tilespmem:s30], [sflag:$0x1] =	stream.indirect.gather [hbm4b:s4+s24], $0x80, s5, s24, $0xb8;
	[tilespmem:$0x1B300] =	vst v63  }
0x155: {  	s20 =	sadd.s32 $0x9380, s16  }
0x156: {  	[tilespmem:s31], [sflag:$0x2] =	stream.indirect.gather [hbm4b:s4+s24], $0x80, s20, s24, $0xb8;
	[tilespmem:$0x1B300] =	vst v63  }
0x157: {  	_ =	swait.ge [sflag:s28], $0x4000  }
0x158: {  	[sflag:s28] =	ssyncset.done $0x0  }
0x159: {  	[sflag:s28] =	ssyncadd.s32 $0xFFFFC000  }
0x15a: {  	[hbm4b:s2+s1] =	stream.linear.scatter [tilespmem:s30], [sflag:$0x3], $0x4000, $0x38;
	[tilespmem:$0x1B300] =	vst v63  }
0x15b: {  	_ =	swait.ge [sflag:s15], $0x4000  }
0x15c: {  	[sflag:s15] =	ssyncset.done $0x0  }
0x15d: {  	[sflag:s15] =	ssyncadd.s32 $0xFFFFC000  }
0x15e: {  	s0 =	sadd.s32 $0x1, s0;
	_ =	swait.ge [sflag:s29], $0x4000  }
0x15f: {  	p1 =	sne.s32 s0, s12;
	[sflag:s29] =	ssyncset.done $0x0  }
.Ltmp8:
0x160: {  	s21 =	sadd.s32 $0x800, s2;
	[sflag:s29] =	ssyncadd.s32 $0xFFFFC000;
	(pc) =	sbr.rel @p1 .LBB2_1-.Ltmp8, $4  }
0x161: {  	[hbm4b:s21+s1] =	stream.linear.scatter [tilespmem:s31], [sflag:$0x3], $0x4000, $0x38;
	[tilespmem:$0x1B300] =	vst v63  }
0x162: {  	_ =	swait.ge [sflag:s15], $0x4000  }
0x163: {  	[sflag:s15] =	ssyncset.done $0x0  }
0x164: {  	[sflag:s15] =	ssyncadd.s32 $0xFFFFC000  }
0x165: {  	_ =	sfence.sel $0x180000  }
0x166: {  	[bflag:$0x0] =	sbarrier.arrive $0xFFFF  }
0x167: {  	_ =	strace $0x9000004A  }
0x168: {  	s0 =	stileid.u32;
	[bflag:$0x2] =	sbarrier.arrive $0xFFFF  }
0x169: {  	p0 =	sne.s32 s0, $0x0;
	s0 =	rddreg [dreg:$0x1]  }
0x16a: {  	s0 =	sadd.s32 @!p0 $0x100000, s0  }
0x16b: {  	[sflag:s0] =	ssyncadd.tile.s32 @!p0 $0x1;
	_ =	shalt  }
.Lfunc_end2:
_tile_overlayer_lowered:
.L_overlay_start_2:
0x16c: {  	(tag) =	ssettag $0x2  }
0x16d: {  	s0 =	rddreg [dreg:$0x0];
	s2 =	stileid.u32  }
0x16e: {  	s1 =	rddreg [dreg:$0x1];
	p0 =	sne.s32 s2, $0x0  }
0x16f: {  	s3 =	rddreg [dreg:$0x2];
	[bflag:$0x3] =	sbarrier.arrive $0xFFFF;
	s2 =	simm.s32 @!p0 $0x1C03  }
0x170: {  	[timem:s3], [sflag:s2] =	dma.local @!p0 [hbm:s0], s1  }
0x171: {  	s0 =	simm.s32 @!p0 $0x3  }
0x172: {  	_ =	swait.ge @!p0 [sflag:s0], s1  }
0x173: {  	s1 =	ssub.s32 @!p0 $0x0, s1;
	[sflag:s0] =	ssyncset.done @!p0 $0x0  }
0x174: {  	[sflag:s0] =	ssyncadd.s32 @!p0 s1  }
0x175: {  	[bflag:$0x3] =	sbarrier.arrive $0xFFFF  }
0x176: {  	_ =	shalt  }

</sc_bundles>
